<compile_context>
chip_gen: v7x
topology: tpu7x:2x2x1
jax: 0.10.2.dev20260603
libtpu: 0.0.44.dev20260713+nightly
codegen_flags: <defaults>
</compile_context>

<pallas_src>
import functools

import jax
import jax.numpy as jnp
import numpy as np
from jax import lax
from jax.experimental import pallas as pl
from jax.experimental.pallas import tpu as pltpu
from jax.experimental.pallas import tpu_sc as plsc

N = 10000
D = 128
HD = D // 2
NC = 2
NS = 16
BLK = 160
NBUF = 3
NROWS = 10240
STRIPE = NROWS // NS
DW = 16

def _dropout_scale():
  keep = jax.random.uniform(jax.random.key(42), (N, D)) >= 0.1
  return keep.astype(jnp.float32) / jnp.float32(0.9)

try:
  with jax.default_device(jax.devices("cpu")[0]):
    _SCALE = np.asarray(_dropout_scale())
except Exception:
  _SCALE = None



@functools.lru_cache(maxsize=None)
def _make_sc_pass(ept: int, with_deg: bool):
  mesh = plsc.VectorSubcoreMesh(core_axis_name="c", subcore_axis_name="s")
  nfull = ept // BLK
  tail = ept - nfull * BLK
  nhalf = nfull // 2

  out_type = [jax.ShapeDtypeStruct((NROWS, D), jnp.float32)]
  scratch = [
      pltpu.VMEM((ept,), jnp.int32),
      pltpu.VMEM((ept,), jnp.int32),
      pltpu.VMEM((NBUF, BLK, HD), jnp.float32),
      pltpu.VMEM((NBUF, BLK), jnp.int32),
      pltpu.VMEM((max(tail, 1), HD), jnp.float32),
      pltpu.VMEM((max(tail, 1),), jnp.int32),
      pltpu.SemaphoreType.DMA((NBUF,)),
      pltpu.SemaphoreType.DMA((NBUF,)),
      pltpu.SemaphoreType.DMA,
      pltpu.VMEM_SHARED((NROWS, HD), jnp.float32),
  ]
  if with_deg:
    out_type.append(jax.ShapeDtypeStruct((NC, NROWS, DW), jnp.float32))
    scratch += [
        pltpu.VMEM((BLK, DW), jnp.float32),
        pltpu.VMEM_SHARED((NROWS, DW), jnp.float32),
        pltpu.SemaphoreType.DMA,
        pltpu.SemaphoreType.DMA,
    ]

  @functools.partial(
      pl.kernel,
      out_type=tuple(out_type),
      mesh=mesh,
      compiler_params=pltpu.CompilerParams(use_tc_tiling_on_sc=False),
      scratch_types=scratch,
  )
  def sc_pass(edge_r, table, out_acc, *rest):
    if with_deg:
      (out_deg, sidx, didx, rows, idxb, rowt, tidxb, gsem, ssem, tsem, acc,
       ones, dacc, dsem, dsemt) = rest
    else:
      sidx, didx, rows, idxb, rowt, tidxb, gsem, ssem, tsem, acc = rest
    c = lax.axis_index("c")
    s = lax.axis_index("s")

    pltpu.sync_copy(edge_r.at[0, pl.ds(s * ept, ept)], sidx)
    pltpu.sync_copy(edge_r.at[1, pl.ds(s * ept, ept)], didx)

    z16 = jnp.zeros((16,), jnp.float32)

    def zfill(r, carry):
      for k in range(HD // 16):
        rows[0, r, pl.ds(k * 16, 16)] = z16
      if with_deg:
        ones[r, :] = z16 + 1.0
      return carry

    lax.fori_loop(0, BLK, zfill, 0)
    for t in range(STRIPE // BLK):
      pltpu.sync_copy(rows.at[0],
                      acc.at[pl.ds(s * STRIPE + t * BLK, BLK)])
      if with_deg:
        pltpu.sync_copy(rows.at[0, :, pl.ds(0, DW)],
                        dacc.at[pl.ds(s * STRIPE + t * BLK, BLK)])
    plsc.subcore_barrier()

    def xform(j, b):
      for k in range(BLK // 16):
        v = sidx[pl.ds(j * BLK + k * 16, 16)]
        idxb[b, pl.ds(k * 16, 16)] = v + v + c

    if tail:
      tidx_d = didx.at[pl.ds(nfull * BLK, tail)]
      for k in range(tail // 16):
        v = sidx[pl.ds(nfull * BLK + k * 16, 16)]
        tidxb[pl.ds(k * 16, 16)] = v + v + c
      pltpu.async_copy(table.at[tidxb], rowt, tsem)
      pltpu.make_async_copy(table.at[tidxb], rowt, tsem).wait()
      pltpu.async_copy(rowt, acc.at[tidx_d], tsem, add=True)
      if with_deg:
        @pl.when(c == 1)
        def _():
          pltpu.async_copy(ones.at[pl.ds(0, tail)], dacc.at[tidx_d],
                           dsemt, add=True)

    for b in range(NBUF - 1):
      xform(b, b)
      pltpu.async_copy(table.at[idxb.at[b]], rows.at[b], gsem.at[b])

    def body(j, carry):
      bj = lax.rem(j, NBUF)
      bn = lax.rem(j + NBUF - 1, NBUF)
      jm1 = jnp.maximum(j - 1, 0)

      @pl.when(j > 0)
      def _():
        pltpu.make_async_copy(rows.at[bn],
                              acc.at[didx.at[pl.ds(jm1 * BLK, BLK)]],
                              ssem.at[bn]).wait()

      @pl.when(j + NBUF - 1 < nfull)
      def _():
        xform(j + NBUF - 1, bn)
        pltpu.async_copy(table.at[idxb.at[bn]], rows.at[bn], gsem.at[bn])

      pltpu.make_async_copy(table.at[idxb.at[bj]], rows.at[bj],
                            gsem.at[bj]).wait()
      pltpu.async_copy(rows.at[bj], acc.at[didx.at[pl.ds(j * BLK, BLK)]],
                       ssem.at[bj], add=True)

      if with_deg:
        @pl.when((j < nhalf) == (c == 0))
        def _():
          pltpu.async_copy(ones, dacc.at[didx.at[pl.ds(j * BLK, BLK)]],
                           dsem, add=True)

      return carry

    lax.fori_loop(0, nfull, body, 0)

    lb = (nfull - 1) % NBUF
    pltpu.make_async_copy(rows.at[lb],
                          acc.at[didx.at[pl.ds((nfull - 1) * BLK, BLK)]],
                          ssem.at[lb]).wait()
    if tail:
      pltpu.make_async_copy(rowt, acc.at[didx.at[pl.ds(0, tail)]],
                            tsem).wait()

    if with_deg:
      ndeg = lax.select(c == 0, nhalf, nfull - nhalf)

      def drain(i, carry):
        pltpu.make_async_copy(ones, dacc.at[didx.at[pl.ds(0, BLK)]],
                              dsem).wait()
        return carry

      lax.fori_loop(0, ndeg, drain, 0)
      if tail:
        @pl.when(c == 1)
        def _():
          pltpu.make_async_copy(ones.at[pl.ds(0, tail)],
                                dacc.at[didx.at[pl.ds(0, tail)]],
                                dsemt).wait()

    plsc.subcore_barrier()

    pltpu.sync_copy(acc.at[pl.ds(s * STRIPE, STRIPE)],
                    out_acc.at[pl.ds(s * STRIPE, STRIPE), pl.ds(c * HD, HD)])
    if with_deg:
      pltpu.sync_copy(dacc.at[pl.ds(s * STRIPE, STRIPE)],
                      out_deg.at[c, pl.ds(s * STRIPE, STRIPE)])

  return sc_pass



_RB = 1000
_GRID = N // _RB


def _dot_t(a, w):
  return lax.dot_general(a, w, (((1,), (1,)), ((), ())),
                         preferred_element_type=jnp.float32)


def _mm2_body(x_ref, wa_ref, wb_ref, ys_ref, z_ref):
  xb = x_ref[...]
  ys_ref[...] = _dot_t(xb, wa_ref[...])
  z_ref[...] = _dot_t(xb, wb_ref[...])


def _mm2(x, wa, wb):
  return pl.pallas_call(
      _mm2_body,
      grid=(_GRID,),
      in_specs=[
          pl.BlockSpec((_RB, D), lambda i: (i, 0)),
          pl.BlockSpec((D, D), lambda i: (0, 0)),
          pl.BlockSpec((D, D), lambda i: (0, 0)),
      ],
      out_specs=[
          pl.BlockSpec((_RB, D), lambda i: (i, 0)),
          pl.BlockSpec((_RB, D), lambda i: (i, 0)),
      ],
      out_shape=[
          jax.ShapeDtypeStruct((NROWS, D), jnp.float32),
          jax.ShapeDtypeStruct((NROWS, D), jnp.float32),
      ],
  )(x, wa, wb)


def _mid_body(acc_ref, deg_ref, z1_ref, scale_ref, b1_ref, wa_ref, wb_ref,
              ys_ref, z2_ref):
  deg = jnp.maximum(deg_ref[0, :, 0:1] + deg_ref[1, :, 0:1], 1.0)
  h = jnp.maximum(acc_ref[...] / deg + b1_ref[...] + z1_ref[...], 0.0)
  h = h * scale_ref[...]
  ys_ref[...] = _dot_t(h, wa_ref[...])
  z2_ref[...] = _dot_t(h, wb_ref[...])


def _mid(acc1, deg, z1, scale, b1, wa, wb):
  return pl.pallas_call(
      _mid_body,
      grid=(_GRID,),
      in_specs=[
          pl.BlockSpec((_RB, D), lambda i: (i, 0)),
          pl.BlockSpec((NC, _RB, DW), lambda i: (0, i, 0)),
          pl.BlockSpec((_RB, D), lambda i: (i, 0)),
          pl.BlockSpec((_RB, D), lambda i: (i, 0)),
          pl.BlockSpec((1, D), lambda i: (0, 0)),
          pl.BlockSpec((D, D), lambda i: (0, 0)),
          pl.BlockSpec((D, D), lambda i: (0, 0)),
      ],
      out_specs=[
          pl.BlockSpec((_RB, D), lambda i: (i, 0)),
          pl.BlockSpec((_RB, D), lambda i: (i, 0)),
      ],
      out_shape=[
          jax.ShapeDtypeStruct((NROWS, D), jnp.float32),
          jax.ShapeDtypeStruct((NROWS, D), jnp.float32),
      ],
  )(acc1, deg, z1, scale, b1, wa, wb)


def _post_body(acc_ref, deg_ref, z2_ref, b2_ref, out_ref):
  deg = jnp.maximum(deg_ref[0, :, 0:1] + deg_ref[1, :, 0:1], 1.0)
  out_ref[...] = acc_ref[...] / deg + b2_ref[...] + z2_ref[...]


def _post(acc2, deg, z2, b2):
  return pl.pallas_call(
      _post_body,
      grid=(_GRID,),
      in_specs=[
          pl.BlockSpec((_RB, D), lambda i: (i, 0)),
          pl.BlockSpec((NC, _RB, DW), lambda i: (0, i, 0)),
          pl.BlockSpec((_RB, D), lambda i: (i, 0)),
          pl.BlockSpec((1, D), lambda i: (0, 0)),
      ],
      out_specs=pl.BlockSpec((_RB, D), lambda i: (i, 0)),
      out_shape=jax.ShapeDtypeStruct((N, D), jnp.float32),
  )(acc2, deg, z2, b2)



def kernel(x, edge_index, W1l, b1, W1r, W2l, b2, W2r):
  E = edge_index.shape[1]
  assert E % NS == 0
  ept = E // NS
  scale = jnp.asarray(_SCALE) if _SCALE is not None else _dropout_scale()

  y1s, z1 = _mm2(x, W1l, W1r)
  acc1, deg = _make_sc_pass(ept, True)(edge_index, y1s.reshape(NC * NROWS, HD))
  y2s, z2 = _mid(acc1, deg, z1, scale, b1.reshape(1, D), W2l, W2r)
  (acc2,) = _make_sc_pass(ept, False)(edge_index, y2s.reshape(NC * NROWS, HD))
  return _post(acc2, deg, z2, b2.reshape(1, D))

# --- scband reference (transcript-rebuilt; emitter-appended) ---
"""Pipeline reference for scband-sagenet-2336462209632 (READ-ONLY COPY).

The authoritative reference and input builder live on the scoring server;
editing this copy changes nothing except your own understanding.
"""

import jax, jax.numpy as jnp
import numpy as np

N = 10000
E = 320000
D = 128
H = 128
O = 128


def setup_inputs(seed: int = 0) -> dict:
    key = jax.random.key(seed)
    ks = jax.random.split(key, 10)
    x = jax.random.normal(ks[0], (N, D), dtype=jnp.float32)
    edge_index = jax.random.randint(ks[1], (2, E), 0, N, dtype=jnp.int32)
    s1 = 1.0 / np.sqrt(D)
    s2 = 1.0 / np.sqrt(H)
    W1l = jax.random.normal(ks[2], (H, D), dtype=jnp.float32) * s1
    b1 = jnp.zeros((H,), dtype=jnp.float32)
    W1r = jax.random.normal(ks[3], (H, D), dtype=jnp.float32) * s1
    W2l = jax.random.normal(ks[4], (O, H), dtype=jnp.float32) * s2
    b2 = jnp.zeros((O,), dtype=jnp.float32)
    W2r = jax.random.normal(ks[5], (O, H), dtype=jnp.float32) * s2
    return {"x": x, "edge_index": edge_index, "W1l": W1l, "b1": b1, "W1r": W1r,
            "W2l": W2l, "b2": b2, "W2r": W2r}


def _sage_conv(x, src, dst, Wl, b, Wr):
    # PyG SAGEConv with mean aggregation:
    # out = lin_l(mean_{j in N(i)} x_j) + lin_r(x_i)
    msgs = x[src]                                   # gather (memory-bound)
    agg = jax.ops.segment_sum(msgs, dst, num_segments=N)   # scatter-add
    deg = jax.ops.segment_sum(jnp.ones((src.shape[0],), x.dtype), dst, num_segments=N)
    mean = agg / jnp.clip(deg, 1.0, None)[:, None]
    return mean @ Wl.T + b + x @ Wr.T


def reference(x, edge_index, W1l, b1, W1r, W2l, b2, W2r):
    src = edge_index[0]
    dst = edge_index[1]
    h = _sage_conv(x, src, dst, W1l, b1, W1r)
    h = jax.nn.relu(h)
    # dropout p=0.1, training=True (fixed key for determinism)
    keep = (jax.random.uniform(jax.random.key(42), h.shape) >= 0.1).astype(h.dtype)
    h = h * keep / 0.9
    out = _sage_conv(h, src, dst, W2l, b2, W2r)
    return out

if __name__ == "__main__":
    import jax
    _d = setup_inputs()
    print(jax.jit(kernel)(*tuple(_d.values())))

</pallas_src>

<mosaic_0001>
#map = affine_map<(d0, d1) -> (0, 0)>
module attributes {stable_mosaic.version = 14 : i64} {
  func.func @sc_pass(%arg0: i32, %arg1: i32, %arg2: memref<2x320000xi32, #tpu.memory_space<hbm>>, %arg3: memref<20480x64xf32, #tpu.memory_space<hbm>>, %arg4: memref<10240x128xf32, #tpu.memory_space<hbm>>, %arg5: memref<20000xi32, #tpu.memory_space<vmem>>, %arg6: memref<20000xi32, #tpu.memory_space<vmem>>, %arg7: memref<3x160x64xf32, #tpu.memory_space<vmem>>, %arg8: memref<3x160xi32, #tpu.memory_space<vmem>>, %arg9: memref<1x64xf32, #tpu.memory_space<vmem>>, %arg10: memref<1xi32, #tpu.memory_space<vmem>>, %arg11: memref<3x!tpu.dma_semaphore, #tpu.memory_space<semaphore_mem>>, %arg12: memref<3x!tpu.dma_semaphore, #tpu.memory_space<semaphore_mem>>, %arg13: memref<!tpu.dma_semaphore, #tpu.memory_space<semaphore_mem>>, %arg14: memref<10240x64xf32, #tpu.memory_space<vmem_shared>>) attributes {dimension_semantics = [#tpu.dimension_semantics<core_parallel>, #tpu.dimension_semantics<subcore_parallel>], iteration_bounds = array<i64: 2, 16>, scalar_prefetch = 0 : i64, scratch_operands = 10 : i64, tpu.core_type = #tpu.core_type<sc_vector_subcore>, window_params = [{transform_indices = #map}, {transform_indices = #map}, {transform_indices = #map}]} {
    %mul3A = arith.constant 20000 : i32
    %mul3A_0 = arith.muli %arg1, %mul3A : i32
    %run_scoped3A = arith.constant 0 : i32
    "tpu.region"() ({
      %run_scoped3A_321 = tpu.sem_alloc : memref<!tpu.dma_semaphore, #tpu.memory_space<semaphore_mem>>
      %dma_start3A_322 = tpu.memref_slice %arg2[%run_scoped3A, %mul3A_0] : memref<2x320000xi32, #tpu.memory_space<hbm>> -> memref<1x20000xi32, #tpu.memory_space<hbm>>
      %dma_start3A_323 = tpu.memref_squeeze %dma_start3A_322 : memref<1x20000xi32, #tpu.memory_space<hbm>> -> memref<20000xi32, #tpu.memory_space<hbm>>
      %dma_start3A_324 = tpu.memref_slice %arg2[%run_scoped3A, %mul3A_0] : memref<2x320000xi32, #tpu.memory_space<hbm>> -> memref<1x20000xi32, #tpu.memory_space<hbm>>
      %dma_start3A_325 = tpu.memref_squeeze %dma_start3A_324 : memref<1x20000xi32, #tpu.memory_space<hbm>> -> memref<20000xi32, #tpu.memory_space<hbm>>
      tpu.enqueue_dma source(%dma_start3A_325 : memref<20000xi32, #tpu.memory_space<hbm>>) target(%arg5 : memref<20000xi32, #tpu.memory_space<vmem>>) target_semaphore(%run_scoped3A_321 : memref<!tpu.dma_semaphore, #tpu.memory_space<semaphore_mem>>)
      %dma_wait3A_326 = tpu.memref_slice %arg2[%run_scoped3A, %mul3A_0] : memref<2x320000xi32, #tpu.memory_space<hbm>> -> memref<1x20000xi32, #tpu.memory_space<hbm>>
      %dma_wait3A_327 = tpu.memref_squeeze %dma_wait3A_326 : memref<1x20000xi32, #tpu.memory_space<hbm>> -> memref<20000xi32, #tpu.memory_space<hbm>>
      %dma_wait3A_328 = tpu.memref_slice %arg2[%run_scoped3A, %mul3A_0] : memref<2x320000xi32, #tpu.memory_space<hbm>> -> memref<1x20000xi32, #tpu.memory_space<hbm>>
      %dma_wait3A_329 = tpu.memref_squeeze %dma_wait3A_328 : memref<1x20000xi32, #tpu.memory_space<hbm>> -> memref<20000xi32, #tpu.memory_space<hbm>>
      tpu.wait_dma2 semaphore(%run_scoped3A_321 : memref<!tpu.dma_semaphore, #tpu.memory_space<semaphore_mem>>) src(%dma_wait3A_329 : memref<20000xi32, #tpu.memory_space<hbm>>) dst(%arg5 : memref<20000xi32, #tpu.memory_space<vmem>>)
      tpu.yield
    }) : () -> ()
    %mul3A_1 = arith.constant 20000 : i32
    %mul3A_2 = arith.muli %arg1, %mul3A_1 : i32
    %run_scoped3A_3 = arith.constant 1 : i32
    "tpu.region"() ({
      %run_scoped3A_321 = tpu.sem_alloc : memref<!tpu.dma_semaphore, #tpu.memory_space<semaphore_mem>>
      %dma_start3A_322 = tpu.memref_slice %arg2[%run_scoped3A_3, %mul3A_2] : memref<2x320000xi32, #tpu.memory_space<hbm>> -> memref<1x20000xi32, #tpu.memory_space<hbm>>
      %dma_start3A_323 = tpu.memref_squeeze %dma_start3A_322 : memref<1x20000xi32, #tpu.memory_space<hbm>> -> memref<20000xi32, #tpu.memory_space<hbm>>
      %dma_start3A_324 = tpu.memref_slice %arg2[%run_scoped3A_3, %mul3A_2] : memref<2x320000xi32, #tpu.memory_space<hbm>> -> memref<1x20000xi32, #tpu.memory_space<hbm>>
      %dma_start3A_325 = tpu.memref_squeeze %dma_start3A_324 : memref<1x20000xi32, #tpu.memory_space<hbm>> -> memref<20000xi32, #tpu.memory_space<hbm>>
      tpu.enqueue_dma source(%dma_start3A_325 : memref<20000xi32, #tpu.memory_space<hbm>>) target(%arg6 : memref<20000xi32, #tpu.memory_space<vmem>>) target_semaphore(%run_scoped3A_321 : memref<!tpu.dma_semaphore, #tpu.memory_space<semaphore_mem>>)
      %dma_wait3A_326 = tpu.memref_slice %arg2[%run_scoped3A_3, %mul3A_2] : memref<2x320000xi32, #tpu.memory_space<hbm>> -> memref<1x20000xi32, #tpu.memory_space<hbm>>
      %dma_wait3A_327 = tpu.memref_squeeze %dma_wait3A_326 : memref<1x20000xi32, #tpu.memory_space<hbm>> -> memref<20000xi32, #tpu.memory_space<hbm>>
      %dma_wait3A_328 = tpu.memref_slice %arg2[%run_scoped3A_3, %mul3A_2] : memref<2x320000xi32, #tpu.memory_space<hbm>> -> memref<1x20000xi32, #tpu.memory_space<hbm>>
      %dma_wait3A_329 = tpu.memref_squeeze %dma_wait3A_328 : memref<1x20000xi32, #tpu.memory_space<hbm>> -> memref<20000xi32, #tpu.memory_space<hbm>>
      tpu.wait_dma2 semaphore(%run_scoped3A_321 : memref<!tpu.dma_semaphore, #tpu.memory_space<semaphore_mem>>) src(%dma_wait3A_329 : memref<20000xi32, #tpu.memory_space<hbm>>) dst(%arg6 : memref<20000xi32, #tpu.memory_space<vmem>>)
      tpu.yield
    }) : () -> ()
    %broadcast_in_dim3A = arith.constant 0.000000e+00 : f32
    %broadcast_in_dim3A_4 = vector.broadcast %broadcast_in_dim3A : f32 to vector<16xf32>
    %scan3A = arith.constant 0 : i32
    %scan3A_5 = arith.constant 0 : i32
    %scan3A_6 = arith.constant 160 : i32
    %scan3A_7 = arith.addi %scan3A_5, %scan3A_6 : i32
    %scan3A_8 = arith.constant 1 : i32
    scf.for %scan3A_321 = %scan3A_5 to %scan3A_7 step %scan3A_8  : i32 {
      %swap3A_322 = arith.constant 0 : i32
      %swap3A_323 = arith.index_cast %swap3A_322 : i32 to index
      %swap3A_324 = arith.index_cast %scan3A_321 : i32 to index
      %swap3A_325 = arith.constant 0 : index
      %swap3A_326 = tpu.vector_load %arg7[%swap3A_323, %swap3A_324, %swap3A_325] {strides = array<i32>} : memref<3x160x64xf32, #tpu.memory_space<vmem>>, vector<1x1x16xf32>,
      %swap3A_327 = vector.shape_cast %swap3A_326 : vector<1x1x16xf32> to vector<16xf32>
      %swap3A_328 = vector.shape_cast %broadcast_in_dim3A_4 : vector<16xf32> to vector<1x1x16xf32>
      tpu.vector_store %arg7[%swap3A_323, %swap3A_324, %swap3A_325], %swap3A_328 {strides = array<i32>} : memref<3x160x64xf32, #tpu.memory_space<vmem>>, vector<1x1x16xf32>,
      %swap3A_329 = arith.constant 0 : i32
      %swap3A_330 = arith.index_cast %swap3A_329 : i32 to index
      %swap3A_331 = arith.index_cast %scan3A_321 : i32 to index
      %swap3A_332 = arith.constant 16 : index
      %swap3A_333 = tpu.vector_load %arg7[%swap3A_330, %swap3A_331, %swap3A_332] {strides = array<i32>} : memref<3x160x64xf32, #tpu.memory_space<vmem>>, vector<1x1x16xf32>,
      %swap3A_334 = vector.shape_cast %swap3A_333 : vector<1x1x16xf32> to vector<16xf32>
      %swap3A_335 = vector.shape_cast %broadcast_in_dim3A_4 : vector<16xf32> to vector<1x1x16xf32>
      tpu.vector_store %arg7[%swap3A_330, %swap3A_331, %swap3A_332], %swap3A_335 {strides = array<i32>} : memref<3x160x64xf32, #tpu.memory_space<vmem>>, vector<1x1x16xf32>,
      %swap3A_336 = arith.constant 0 : i32
      %swap3A_337 = arith.index_cast %swap3A_336 : i32 to index
      %swap3A_338 = arith.index_cast %scan3A_321 : i32 to index
      %swap3A_339 = arith.constant 32 : index
      %swap3A_340 = tpu.vector_load %arg7[%swap3A_337, %swap3A_338, %swap3A_339] {strides = array<i32>} : memref<3x160x64xf32, #tpu.memory_space<vmem>>, vector<1x1x16xf32>,
      %swap3A_341 = vector.shape_cast %swap3A_340 : vector<1x1x16xf32> to vector<16xf32>
      %swap3A_342 = vector.shape_cast %broadcast_in_dim3A_4 : vector<16xf32> to vector<1x1x16xf32>
      tpu.vector_store %arg7[%swap3A_337, %swap3A_338, %swap3A_339], %swap3A_342 {strides = array<i32>} : memref<3x160x64xf32, #tpu.memory_space<vmem>>, vector<1x1x16xf32>,
      %swap3A_343 = arith.constant 0 : i32
      %swap3A_344 = arith.index_cast %swap3A_343 : i32 to index
      %swap3A_345 = arith.index_cast %scan3A_321 : i32 to index
      %swap3A_346 = arith.constant 48 : index
      %swap3A_347 = tpu.vector_load %arg7[%swap3A_344, %swap3A_345, %swap3A_346] {strides = array<i32>} : memref<3x160x64xf32, #tpu.memory_space<vmem>>, vector<1x1x16xf32>,
      %swap3A_348 = vector.shape_cast %swap3A_347 : vector<1x1x16xf32> to vector<16xf32>
      %swap3A_349 = vector.shape_cast %broadcast_in_dim3A_4 : vector<16xf32> to vector<1x1x16xf32>
      tpu.vector_store %arg7[%swap3A_344, %swap3A_345, %swap3A_346], %swap3A_349 {strides = array<i32>} : memref<3x160x64xf32, #tpu.memory_space<vmem>>, vector<1x1x16xf32>,
    }
    %scan3A_9 = arith.constant 160 : i32
    %mul3A_10 = arith.constant 640 : i32
    %mul3A_11 = arith.muli %arg1, %mul3A_10 : i32
    %add3A = arith.constant 0 : i32
    %add3A_12 = arith.addi %mul3A_11, %add3A : i32
    %run_scoped3A_13 = arith.constant 0 : i32
    "tpu.region"() ({
      %run_scoped3A_321 = tpu.sem_alloc : memref<!tpu.dma_semaphore, #tpu.memory_space<semaphore_mem>>
      %dma_start3A_322 = arith.constant 0 : i32
      %dma_start3A_323 = arith.constant 0 : i32
      %dma_start3A_324 = tpu.memref_slice %arg7[%run_scoped3A_13, %dma_start3A_322, %dma_start3A_323] : memref<3x160x64xf32, #tpu.memory_space<vmem>> -> memref<1x160x64xf32, #tpu.memory_space<vmem>>
      %dma_start3A_325 = tpu.memref_squeeze %dma_start3A_324 : memref<1x160x64xf32, #tpu.memory_space<vmem>> -> memref<160x64xf32, #tpu.memory_space<vmem>>
      %dma_start3A_326 = arith.constant 0 : i32
      %dma_start3A_327 = tpu.memref_slice %arg14[%add3A_12, %dma_start3A_326] : memref<10240x64xf32, #tpu.memory_space<vmem_shared>> -> memref<160x64xf32, #tpu.memory_space<vmem_shared>>
      %dma_start3A_328 = arith.constant 0 : i32
      %dma_start3A_329 = tpu.memref_slice %arg14[%add3A_12, %dma_start3A_328] : memref<10240x64xf32, #tpu.memory_space<vmem_shared>> -> memref<160x64xf32, #tpu.memory_space<vmem_shared>>
      %dma_start3A_330 = arith.constant 0 : i32
      %dma_start3A_331 = arith.constant 0 : i32
      %dma_start3A_332 = tpu.memref_slice %arg7[%run_scoped3A_13, %dma_start3A_330, %dma_start3A_331] : memref<3x160x64xf32, #tpu.memory_space<vmem>> -> memref<1x160x64xf32, #tpu.memory_space<vmem>>
      %dma_start3A_333 = tpu.memref_squeeze %dma_start3A_332 : memref<1x160x64xf32, #tpu.memory_space<vmem>> -> memref<160x64xf32, #tpu.memory_space<vmem>>
      tpu.enqueue_dma source(%dma_start3A_333 : memref<160x64xf32, #tpu.memory_space<vmem>>) target(%dma_start3A_329 : memref<160x64xf32, #tpu.memory_space<vmem_shared>>) target_semaphore(%run_scoped3A_321 : memref<!tpu.dma_semaphore, #tpu.memory_space<semaphore_mem>>)
      %dma_wait3A_334 = arith.constant 0 : i32
      %dma_wait3A_335 = arith.constant 0 : i32
      %dma_wait3A_336 = tpu.memref_slice %arg7[%run_scoped3A_13, %dma_wait3A_334, %dma_wait3A_335] : memref<3x160x64xf32, #tpu.memory_space<vmem>> -> memref<1x160x64xf32, #tpu.memory_space<vmem>>
      %dma_wait3A_337 = tpu.memref_squeeze %dma_wait3A_336 : memref<1x160x64xf32, #tpu.memory_space<vmem>> -> memref<160x64xf32, #tpu.memory_space<vmem>>
      %dma_wait3A_338 = arith.constant 0 : i32
      %dma_wait3A_339 = tpu.memref_slice %arg14[%add3A_12, %dma_wait3A_338] : memref<10240x64xf32, #tpu.memory_space<vmem_shared>> -> memref<160x64xf32, #tpu.memory_space<vmem_shared>>
      %dma_wait3A_340 = arith.constant 0 : i32
      %dma_wait3A_341 = tpu.memref_slice %arg14[%add3A_12, %dma_wait3A_340] : memref<10240x64xf32, #tpu.memory_space<vmem_shared>> -> memref<160x64xf32, #tpu.memory_space<vmem_shared>>
      %dma_wait3A_342 = arith.constant 0 : i32
      %dma_wait3A_343 = arith.constant 0 : i32
      %dma_wait3A_344 = tpu.memref_slice %arg7[%run_scoped3A_13, %dma_wait3A_342, %dma_wait3A_343] : memref<3x160x64xf32, #tpu.memory_space<vmem>> -> memref<1x160x64xf32, #tpu.memory_space<vmem>>
      %dma_wait3A_345 = tpu.memref_squeeze %dma_wait3A_344 : memref<1x160x64xf32, #tpu.memory_space<vmem>> -> memref<160x64xf32, #tpu.memory_space<vmem>>
      tpu.wait_dma2 semaphore(%run_scoped3A_321 : memref<!tpu.dma_semaphore, #tpu.memory_space<semaphore_mem>>) src(%dma_wait3A_345 : memref<160x64xf32, #tpu.memory_space<vmem>>) dst(%dma_wait3A_341 : memref<160x64xf32, #tpu.memory_space<vmem_shared>>)
      tpu.yield
    }) : () -> ()
    %mul3A_14 = arith.constant 640 : i32
    %mul3A_15 = arith.muli %arg1, %mul3A_14 : i32
    %add3A_16 = arith.constant 160 : i32
    %add3A_17 = arith.addi %mul3A_15, %add3A_16 : i32
    %run_scoped3A_18 = arith.constant 0 : i32
    "tpu.region"() ({
      %run_scoped3A_321 = tpu.sem_alloc : memref<!tpu.dma_semaphore, #tpu.memory_space<semaphore_mem>>
      %dma_start3A_322 = arith.constant 0 : i32
      %dma_start3A_323 = arith.constant 0 : i32
      %dma_start3A_324 = tpu.memref_slice %arg7[%run_scoped3A_18, %dma_start3A_322, %dma_start3A_323] : memref<3x160x64xf32, #tpu.memory_space<vmem>> -> memref<1x160x64xf32, #tpu.memory_space<vmem>>
      %dma_start3A_325 = tpu.memref_squeeze %dma_start3A_324 : memref<1x160x64xf32, #tpu.memory_space<vmem>> -> memref<160x64xf32, #tpu.memory_space<vmem>>
      %dma_start3A_326 = arith.constant 0 : i32
      %dma_start3A_327 = tpu.memref_slice %arg14[%add3A_17, %dma_start3A_326] : memref<10240x64xf32, #tpu.memory_space<vmem_shared>> -> memref<160x64xf32, #tpu.memory_space<vmem_shared>>
      %dma_start3A_328 = arith.constant 0 : i32
      %dma_start3A_329 = tpu.memref_slice %arg14[%add3A_17, %dma_start3A_328] : memref<10240x64xf32, #tpu.memory_space<vmem_shared>> -> memref<160x64xf32, #tpu.memory_space<vmem_shared>>
      %dma_start3A_330 = arith.constant 0 : i32
      %dma_start3A_331 = arith.constant 0 : i32
      %dma_start3A_332 = tpu.memref_slice %arg7[%run_scoped3A_18, %dma_start3A_330, %dma_start3A_331] : memref<3x160x64xf32, #tpu.memory_space<vmem>> -> memref<1x160x64xf32, #tpu.memory_space<vmem>>
      %dma_start3A_333 = tpu.memref_squeeze %dma_start3A_332 : memref<1x160x64xf32, #tpu.memory_space<vmem>> -> memref<160x64xf32, #tpu.memory_space<vmem>>
      tpu.enqueue_dma source(%dma_start3A_333 : memref<160x64xf32, #tpu.memory_space<vmem>>) target(%dma_start3A_329 : memref<160x64xf32, #tpu.memory_space<vmem_shared>>) target_semaphore(%run_scoped3A_321 : memref<!tpu.dma_semaphore, #tpu.memory_space<semaphore_mem>>)
      %dma_wait3A_334 = arith.constant 0 : i32
      %dma_wait3A_335 = arith.constant 0 : i32
      %dma_wait3A_336 = tpu.memref_slice %arg7[%run_scoped3A_18, %dma_wait3A_334, %dma_wait3A_335] : memref<3x160x64xf32, #tpu.memory_space<vmem>> -> memref<1x160x64xf32, #tpu.memory_space<vmem>>
      %dma_wait3A_337 = tpu.memref_squeeze %dma_wait3A_336 : memref<1x160x64xf32, #tpu.memory_space<vmem>> -> memref<160x64xf32, #tpu.memory_space<vmem>>
      %dma_wait3A_338 = arith.constant 0 : i32
      %dma_wait3A_339 = tpu.memref_slice %arg14[%add3A_17, %dma_wait3A_338] : memref<10240x64xf32, #tpu.memory_space<vmem_shared>> -> memref<160x64xf32, #tpu.memory_space<vmem_shared>>
      %dma_wait3A_340 = arith.constant 0 : i32
      %dma_wait3A_341 = tpu.memref_slice %arg14[%add3A_17, %dma_wait3A_340] : memref<10240x64xf32, #tpu.memory_space<vmem_shared>> -> memref<160x64xf32, #tpu.memory_space<vmem_shared>>
      %dma_wait3A_342 = arith.constant 0 : i32
      %dma_wait3A_343 = arith.constant 0 : i32
      %dma_wait3A_344 = tpu.memref_slice %arg7[%run_scoped3A_18, %dma_wait3A_342, %dma_wait3A_343] : memref<3x160x64xf32, #tpu.memory_space<vmem>> -> memref<1x160x64xf32, #tpu.memory_space<vmem>>
      %dma_wait3A_345 = tpu.memref_squeeze %dma_wait3A_344 : memref<1x160x64xf32, #tpu.memory_space<vmem>> -> memref<160x64xf32, #tpu.memory_space<vmem>>
      tpu.wait_dma2 semaphore(%run_scoped3A_321 : memref<!tpu.dma_semaphore, #tpu.memory_space<semaphore_mem>>) src(%dma_wait3A_345 : memref<160x64xf32, #tpu.memory_space<vmem>>) dst(%dma_wait3A_341 : memref<160x64xf32, #tpu.memory_space<vmem_shared>>)
      tpu.yield
    }) : () -> ()
    %mul3A_19 = arith.constant 640 : i32
    %mul3A_20 = arith.muli %arg1, %mul3A_19 : i32
    %add3A_21 = arith.constant 320 : i32
    %add3A_22 = arith.addi %mul3A_20, %add3A_21 : i32
    %run_scoped3A_23 = arith.constant 0 : i32
    "tpu.region"() ({
      %run_scoped3A_321 = tpu.sem_alloc : memref<!tpu.dma_semaphore, #tpu.memory_space<semaphore_mem>>
      %dma_start3A_322 = arith.constant 0 : i32
      %dma_start3A_323 = arith.constant 0 : i32
      %dma_start3A_324 = tpu.memref_slice %arg7[%run_scoped3A_23, %dma_start3A_322, %dma_start3A_323] : memref<3x160x64xf32, #tpu.memory_space<vmem>> -> memref<1x160x64xf32, #tpu.memory_space<vmem>>
      %dma_start3A_325 = tpu.memref_squeeze %dma_start3A_324 : memref<1x160x64xf32, #tpu.memory_space<vmem>> -> memref<160x64xf32, #tpu.memory_space<vmem>>
      %dma_start3A_326 = arith.constant 0 : i32
      %dma_start3A_327 = tpu.memref_slice %arg14[%add3A_22, %dma_start3A_326] : memref<10240x64xf32, #tpu.memory_space<vmem_shared>> -> memref<160x64xf32, #tpu.memory_space<vmem_shared>>
      %dma_start3A_328 = arith.constant 0 : i32
      %dma_start3A_329 = tpu.memref_slice %arg14[%add3A_22, %dma_start3A_328] : memref<10240x64xf32, #tpu.memory_space<vmem_shared>> -> memref<160x64xf32, #tpu.memory_space<vmem_shared>>
      %dma_start3A_330 = arith.constant 0 : i32
      %dma_start3A_331 = arith.constant 0 : i32
      %dma_start3A_332 = tpu.memref_slice %arg7[%run_scoped3A_23, %dma_start3A_330, %dma_start3A_331] : memref<3x160x64xf32, #tpu.memory_space<vmem>> -> memref<1x160x64xf32, #tpu.memory_space<vmem>>
      %dma_start3A_333 = tpu.memref_squeeze %dma_start3A_332 : memref<1x160x64xf32, #tpu.memory_space<vmem>> -> memref<160x64xf32, #tpu.memory_space<vmem>>
      tpu.enqueue_dma source(%dma_start3A_333 : memref<160x64xf32, #tpu.memory_space<vmem>>) target(%dma_start3A_329 : memref<160x64xf32, #tpu.memory_space<vmem_shared>>) target_semaphore(%run_scoped3A_321 : memref<!tpu.dma_semaphore, #tpu.memory_space<semaphore_mem>>)
      %dma_wait3A_334 = arith.constant 0 : i32
      %dma_wait3A_335 = arith.constant 0 : i32
      %dma_wait3A_336 = tpu.memref_slice %arg7[%run_scoped3A_23, %dma_wait3A_334, %dma_wait3A_335] : memref<3x160x64xf32, #tpu.memory_space<vmem>> -> memref<1x160x64xf32, #tpu.memory_space<vmem>>
      %dma_wait3A_337 = tpu.memref_squeeze %dma_wait3A_336 : memref<1x160x64xf32, #tpu.memory_space<vmem>> -> memref<160x64xf32, #tpu.memory_space<vmem>>
      %dma_wait3A_338 = arith.constant 0 : i32
      %dma_wait3A_339 = tpu.memref_slice %arg14[%add3A_22, %dma_wait3A_338] : memref<10240x64xf32, #tpu.memory_space<vmem_shared>> -> memref<160x64xf32, #tpu.memory_space<vmem_shared>>
      %dma_wait3A_340 = arith.constant 0 : i32
      %dma_wait3A_341 = tpu.memref_slice %arg14[%add3A_22, %dma_wait3A_340] : memref<10240x64xf32, #tpu.memory_space<vmem_shared>> -> memref<160x64xf32, #tpu.memory_space<vmem_shared>>
      %dma_wait3A_342 = arith.constant 0 : i32
      %dma_wait3A_343 = arith.constant 0 : i32
      %dma_wait3A_344 = tpu.memref_slice %arg7[%run_scoped3A_23, %dma_wait3A_342, %dma_wait3A_343] : memref<3x160x64xf32, #tpu.memory_space<vmem>> -> memref<1x160x64xf32, #tpu.memory_space<vmem>>
      %dma_wait3A_345 = tpu.memref_squeeze %dma_wait3A_344 : memref<1x160x64xf32, #tpu.memory_space<vmem>> -> memref<160x64xf32, #tpu.memory_space<vmem>>
      tpu.wait_dma2 semaphore(%run_scoped3A_321 : memref<!tpu.dma_semaphore, #tpu.memory_space<semaphore_mem>>) src(%dma_wait3A_345 : memref<160x64xf32, #tpu.memory_space<vmem>>) dst(%dma_wait3A_341 : memref<160x64xf32, #tpu.memory_space<vmem_shared>>)
      tpu.yield
    }) : () -> ()
    %mul3A_24 = arith.constant 640 : i32
    %mul3A_25 = arith.muli %arg1, %mul3A_24 : i32
    %add3A_26 = arith.constant 480 : i32
    %add3A_27 = arith.addi %mul3A_25, %add3A_26 : i32
    %run_scoped3A_28 = arith.constant 0 : i32
    "tpu.region"() ({
      %run_scoped3A_321 = tpu.sem_alloc : memref<!tpu.dma_semaphore, #tpu.memory_space<semaphore_mem>>
      %dma_start3A_322 = arith.constant 0 : i32
      %dma_start3A_323 = arith.constant 0 : i32
      %dma_start3A_324 = tpu.memref_slice %arg7[%run_scoped3A_28, %dma_start3A_322, %dma_start3A_323] : memref<3x160x64xf32, #tpu.memory_space<vmem>> -> memref<1x160x64xf32, #tpu.memory_space<vmem>>
      %dma_start3A_325 = tpu.memref_squeeze %dma_start3A_324 : memref<1x160x64xf32, #tpu.memory_space<vmem>> -> memref<160x64xf32, #tpu.memory_space<vmem>>
      %dma_start3A_326 = arith.constant 0 : i32
      %dma_start3A_327 = tpu.memref_slice %arg14[%add3A_27, %dma_start3A_326] : memref<10240x64xf32, #tpu.memory_space<vmem_shared>> -> memref<160x64xf32, #tpu.memory_space<vmem_shared>>
      %dma_start3A_328 = arith.constant 0 : i32
      %dma_start3A_329 = tpu.memref_slice %arg14[%add3A_27, %dma_start3A_328] : memref<10240x64xf32, #tpu.memory_space<vmem_shared>> -> memref<160x64xf32, #tpu.memory_space<vmem_shared>>
      %dma_start3A_330 = arith.constant 0 : i32
      %dma_start3A_331 = arith.constant 0 : i32
      %dma_start3A_332 = tpu.memref_slice %arg7[%run_scoped3A_28, %dma_start3A_330, %dma_start3A_331] : memref<3x160x64xf32, #tpu.memory_space<vmem>> -> memref<1x160x64xf32, #tpu.memory_space<vmem>>
      %dma_start3A_333 = tpu.memref_squeeze %dma_start3A_332 : memref<1x160x64xf32, #tpu.memory_space<vmem>> -> memref<160x64xf32, #tpu.memory_space<vmem>>
      tpu.enqueue_dma source(%dma_start3A_333 : memref<160x64xf32, #tpu.memory_space<vmem>>) target(%dma_start3A_329 : memref<160x64xf32, #tpu.memory_space<vmem_shared>>) target_semaphore(%run_scoped3A_321 : memref<!tpu.dma_semaphore, #tpu.memory_space<semaphore_mem>>)
      %dma_wait3A_334 = arith.constant 0 : i32
      %dma_wait3A_335 = arith.constant 0 : i32
      %dma_wait3A_336 = tpu.memref_slice %arg7[%run_scoped3A_28, %dma_wait3A_334, %dma_wait3A_335] : memref<3x160x64xf32, #tpu.memory_space<vmem>> -> memref<1x160x64xf32, #tpu.memory_space<vmem>>
      %dma_wait3A_337 = tpu.memref_squeeze %dma_wait3A_336 : memref<1x160x64xf32, #tpu.memory_space<vmem>> -> memref<160x64xf32, #tpu.memory_space<vmem>>
      %dma_wait3A_338 = arith.constant 0 : i32
      %dma_wait3A_339 = tpu.memref_slice %arg14[%add3A_27, %dma_wait3A_338] : memref<10240x64xf32, #tpu.memory_space<vmem_shared>> -> memref<160x64xf32, #tpu.memory_space<vmem_shared>>
      %dma_wait3A_340 = arith.constant 0 : i32
      %dma_wait3A_341 = tpu.memref_slice %arg14[%add3A_27, %dma_wait3A_340] : memref<10240x64xf32, #tpu.memory_space<vmem_shared>> -> memref<160x64xf32, #tpu.memory_space<vmem_shared>>
      %dma_wait3A_342 = arith.constant 0 : i32
      %dma_wait3A_343 = arith.constant 0 : i32
      %dma_wait3A_344 = tpu.memref_slice %arg7[%run_scoped3A_28, %dma_wait3A_342, %dma_wait3A_343] : memref<3x160x64xf32, #tpu.memory_space<vmem>> -> memref<1x160x64xf32, #tpu.memory_space<vmem>>
      %dma_wait3A_345 = tpu.memref_squeeze %dma_wait3A_344 : memref<1x160x64xf32, #tpu.memory_space<vmem>> -> memref<160x64xf32, #tpu.memory_space<vmem>>
      tpu.wait_dma2 semaphore(%run_scoped3A_321 : memref<!tpu.dma_semaphore, #tpu.memory_space<semaphore_mem>>) src(%dma_wait3A_345 : memref<160x64xf32, #tpu.memory_space<vmem>>) dst(%dma_wait3A_341 : memref<160x64xf32, #tpu.memory_space<vmem_shared>>)
      tpu.yield
    }) : () -> ()
    %barrier3A = arith.constant 0 : index
    tpu.barrier barrier_id(%barrier3A)
    %get3A = arith.constant 0 : index
    %get3A_29 = tpu.vector_load %arg5[%get3A] {strides = array<i32>} : memref<20000xi32, #tpu.memory_space<vmem>>, vector<16xi32>,
    %get3A_30 = vector.shape_cast %get3A_29 : vector<16xi32> to vector<16xi32>
    %add3A_31 = arith.addi %get3A_30, %get3A_30 : vector<16xi32>
    %add3A_32 = vector.broadcast %arg0 : i32 to vector<16xi32>
    %add3A_33 = arith.addi %add3A_31, %add3A_32 : vector<16xi32>
    %swap3A = arith.constant 0 : i32
    %swap3A_34 = arith.index_cast %swap3A : i32 to index
    %swap3A_35 = arith.constant 0 : index
    %swap3A_36 = tpu.vector_load %arg8[%swap3A_34, %swap3A_35] {strides = array<i32>} : memref<3x160xi32, #tpu.memory_space<vmem>>, vector<1x16xi32>,
    %swap3A_37 = vector.shape_cast %swap3A_36 : vector<1x16xi32> to vector<16xi32>
    %swap3A_38 = vector.shape_cast %add3A_33 : vector<16xi32> to vector<1x16xi32>
    tpu.vector_store %arg8[%swap3A_34, %swap3A_35], %swap3A_38 {strides = array<i32>} : memref<3x160xi32, #tpu.memory_space<vmem>>, vector<1x16xi32>,
    %get3A_39 = arith.constant 16 : index
    %get3A_40 = tpu.vector_load %arg5[%get3A_39] {strides = array<i32>} : memref<20000xi32, #tpu.memory_space<vmem>>, vector<16xi32>,
    %get3A_41 = vector.shape_cast %get3A_40 : vector<16xi32> to vector<16xi32>
    %add3A_42 = arith.addi %get3A_41, %get3A_41 : vector<16xi32>
    %add3A_43 = vector.broadcast %arg0 : i32 to vector<16xi32>
    %add3A_44 = arith.addi %add3A_42, %add3A_43 : vector<16xi32>
    %swap3A_45 = arith.constant 0 : i32
    %swap3A_46 = arith.index_cast %swap3A_45 : i32 to index
    %swap3A_47 = arith.constant 16 : index
    %swap3A_48 = tpu.vector_load %arg8[%swap3A_46, %swap3A_47] {strides = array<i32>} : memref<3x160xi32, #tpu.memory_space<vmem>>, vector<1x16xi32>,
    %swap3A_49 = vector.shape_cast %swap3A_48 : vector<1x16xi32> to vector<16xi32>
    %swap3A_50 = vector.shape_cast %add3A_44 : vector<16xi32> to vector<1x16xi32>
    tpu.vector_store %arg8[%swap3A_46, %swap3A_47], %swap3A_50 {strides = array<i32>} : memref<3x160xi32, #tpu.memory_space<vmem>>, vector<1x16xi32>,
    %get3A_51 = arith.constant 32 : index
    %get3A_52 = tpu.vector_load %arg5[%get3A_51] {strides = array<i32>} : memref<20000xi32, #tpu.memory_space<vmem>>, vector<16xi32>,
    %get3A_53 = vector.shape_cast %get3A_52 : vector<16xi32> to vector<16xi32>
    %add3A_54 = arith.addi %get3A_53, %get3A_53 : vector<16xi32>
    %add3A_55 = vector.broadcast %arg0 : i32 to vector<16xi32>
    %add3A_56 = arith.addi %add3A_54, %add3A_55 : vector<16xi32>
    %swap3A_57 = arith.constant 0 : i32
    %swap3A_58 = arith.index_cast %swap3A_57 : i32 to index
    %swap3A_59 = arith.constant 32 : index
    %swap3A_60 = tpu.vector_load %arg8[%swap3A_58, %swap3A_59] {strides = array<i32>} : memref<3x160xi32, #tpu.memory_space<vmem>>, vector<1x16xi32>,
    %swap3A_61 = vector.shape_cast %swap3A_60 : vector<1x16xi32> to vector<16xi32>
    %swap3A_62 = vector.shape_cast %add3A_56 : vector<16xi32> to vector<1x16xi32>
    tpu.vector_store %arg8[%swap3A_58, %swap3A_59], %swap3A_62 {strides = array<i32>} : memref<3x160xi32, #tpu.memory_space<vmem>>, vector<1x16xi32>,
    %get3A_63 = arith.constant 48 : index
    %get3A_64 = tpu.vector_load %arg5[%get3A_63] {strides = array<i32>} : memref<20000xi32, #tpu.memory_space<vmem>>, vector<16xi32>,
    %get3A_65 = vector.shape_cast %get3A_64 : vector<16xi32> to vector<16xi32>
    %add3A_66 = arith.addi %get3A_65, %get3A_65 : vector<16xi32>
    %add3A_67 = vector.broadcast %arg0 : i32 to vector<16xi32>
    %add3A_68 = arith.addi %add3A_66, %add3A_67 : vector<16xi32>
    %swap3A_69 = arith.constant 0 : i32
    %swap3A_70 = arith.index_cast %swap3A_69 : i32 to index
    %swap3A_71 = arith.constant 48 : index
    %swap3A_72 = tpu.vector_load %arg8[%swap3A_70, %swap3A_71] {strides = array<i32>} : memref<3x160xi32, #tpu.memory_space<vmem>>, vector<1x16xi32>,
    %swap3A_73 = vector.shape_cast %swap3A_72 : vector<1x16xi32> to vector<16xi32>
    %swap3A_74 = vector.shape_cast %add3A_68 : vector<16xi32> to vector<1x16xi32>
    tpu.vector_store %arg8[%swap3A_70, %swap3A_71], %swap3A_74 {strides = array<i32>} : memref<3x160xi32, #tpu.memory_space<vmem>>, vector<1x16xi32>,
    %get3A_75 = arith.constant 64 : index
    %get3A_76 = tpu.vector_load %arg5[%get3A_75] {strides = array<i32>} : memref<20000xi32, #tpu.memory_space<vmem>>, vector<16xi32>,
    %get3A_77 = vector.shape_cast %get3A_76 : vector<16xi32> to vector<16xi32>
    %add3A_78 = arith.addi %get3A_77, %get3A_77 : vector<16xi32>
    %add3A_79 = vector.broadcast %arg0 : i32 to vector<16xi32>
    %add3A_80 = arith.addi %add3A_78, %add3A_79 : vector<16xi32>
    %swap3A_81 = arith.constant 0 : i32
    %swap3A_82 = arith.index_cast %swap3A_81 : i32 to index
    %swap3A_83 = arith.constant 64 : index
    %swap3A_84 = tpu.vector_load %arg8[%swap3A_82, %swap3A_83] {strides = array<i32>} : memref<3x160xi32, #tpu.memory_space<vmem>>, vector<1x16xi32>,
    %swap3A_85 = vector.shape_cast %swap3A_84 : vector<1x16xi32> to vector<16xi32>
    %swap3A_86 = vector.shape_cast %add3A_80 : vector<16xi32> to vector<1x16xi32>
    tpu.vector_store %arg8[%swap3A_82, %swap3A_83], %swap3A_86 {strides = array<i32>} : memref<3x160xi32, #tpu.memory_space<vmem>>, vector<1x16xi32>,
    %get3A_87 = arith.constant 80 : index
    %get3A_88 = tpu.vector_load %arg5[%get3A_87] {strides = array<i32>} : memref<20000xi32, #tpu.memory_space<vmem>>, vector<16xi32>,
    %get3A_89 = vector.shape_cast %get3A_88 : vector<16xi32> to vector<16xi32>
    %add3A_90 = arith.addi %get3A_89, %get3A_89 : vector<16xi32>
    %add3A_91 = vector.broadcast %arg0 : i32 to vector<16xi32>
    %add3A_92 = arith.addi %add3A_90, %add3A_91 : vector<16xi32>
    %swap3A_93 = arith.constant 0 : i32
    %swap3A_94 = arith.index_cast %swap3A_93 : i32 to index
    %swap3A_95 = arith.constant 80 : index
    %swap3A_96 = tpu.vector_load %arg8[%swap3A_94, %swap3A_95] {strides = array<i32>} : memref<3x160xi32, #tpu.memory_space<vmem>>, vector<1x16xi32>,
    %swap3A_97 = vector.shape_cast %swap3A_96 : vector<1x16xi32> to vector<16xi32>
    %swap3A_98 = vector.shape_cast %add3A_92 : vector<16xi32> to vector<1x16xi32>
    tpu.vector_store %arg8[%swap3A_94, %swap3A_95], %swap3A_98 {strides = array<i32>} : memref<3x160xi32, #tpu.memory_space<vmem>>, vector<1x16xi32>,
    %get3A_99 = arith.constant 96 : index
    %get3A_100 = tpu.vector_load %arg5[%get3A_99] {strides = array<i32>} : memref<20000xi32, #tpu.memory_space<vmem>>, vector<16xi32>,
    %get3A_101 = vector.shape_cast %get3A_100 : vector<16xi32> to vector<16xi32>
    %add3A_102 = arith.addi %get3A_101, %get3A_101 : vector<16xi32>
    %add3A_103 = vector.broadcast %arg0 : i32 to vector<16xi32>
    %add3A_104 = arith.addi %add3A_102, %add3A_103 : vector<16xi32>
    %swap3A_105 = arith.constant 0 : i32
    %swap3A_106 = arith.index_cast %swap3A_105 : i32 to index
    %swap3A_107 = arith.constant 96 : index
    %swap3A_108 = tpu.vector_load %arg8[%swap3A_106, %swap3A_107] {strides = array<i32>} : memref<3x160xi32, #tpu.memory_space<vmem>>, vector<1x16xi32>,
    %swap3A_109 = vector.shape_cast %swap3A_108 : vector<1x16xi32> to vector<16xi32>
    %swap3A_110 = vector.shape_cast %add3A_104 : vector<16xi32> to vector<1x16xi32>
    tpu.vector_store %arg8[%swap3A_106, %swap3A_107], %swap3A_110 {strides = array<i32>} : memref<3x160xi32, #tpu.memory_space<vmem>>, vector<1x16xi32>,
    %get3A_111 = arith.constant 112 : index
    %get3A_112 = tpu.vector_load %arg5[%get3A_111] {strides = array<i32>} : memref<20000xi32, #tpu.memory_space<vmem>>, vector<16xi32>,
    %get3A_113 = vector.shape_cast %get3A_112 : vector<16xi32> to vector<16xi32>
    %add3A_114 = arith.addi %get3A_113, %get3A_113 : vector<16xi32>
    %add3A_115 = vector.broadcast %arg0 : i32 to vector<16xi32>
    %add3A_116 = arith.addi %add3A_114, %add3A_115 : vector<16xi32>
    %swap3A_117 = arith.constant 0 : i32
    %swap3A_118 = arith.index_cast %swap3A_117 : i32 to index
    %swap3A_119 = arith.constant 112 : index
    %swap3A_120 = tpu.vector_load %arg8[%swap3A_118, %swap3A_119] {strides = array<i32>} : memref<3x160xi32, #tpu.memory_space<vmem>>, vector<1x16xi32>,
    %swap3A_121 = vector.shape_cast %swap3A_120 : vector<1x16xi32> to vector<16xi32>
    %swap3A_122 = vector.shape_cast %add3A_116 : vector<16xi32> to vector<1x16xi32>
    tpu.vector_store %arg8[%swap3A_118, %swap3A_119], %swap3A_122 {strides = array<i32>} : memref<3x160xi32, #tpu.memory_space<vmem>>, vector<1x16xi32>,
    %get3A_123 = arith.constant 128 : index
    %get3A_124 = tpu.vector_load %arg5[%get3A_123] {strides = array<i32>} : memref<20000xi32, #tpu.memory_space<vmem>>, vector<16xi32>,
    %get3A_125 = vector.shape_cast %get3A_124 : vector<16xi32> to vector<16xi32>
    %add3A_126 = arith.addi %get3A_125, %get3A_125 : vector<16xi32>
    %add3A_127 = vector.broadcast %arg0 : i32 to vector<16xi32>
    %add3A_128 = arith.addi %add3A_126, %add3A_127 : vector<16xi32>
    %swap3A_129 = arith.constant 0 : i32
    %swap3A_130 = arith.index_cast %swap3A_129 : i32 to index
    %swap3A_131 = arith.constant 128 : index
    %swap3A_132 = tpu.vector_load %arg8[%swap3A_130, %swap3A_131] {strides = array<i32>} : memref<3x160xi32, #tpu.memory_space<vmem>>, vector<1x16xi32>,
    %swap3A_133 = vector.shape_cast %swap3A_132 : vector<1x16xi32> to vector<16xi32>
    %swap3A_134 = vector.shape_cast %add3A_128 : vector<16xi32> to vector<1x16xi32>
    tpu.vector_store %arg8[%swap3A_130, %swap3A_131], %swap3A_134 {strides = array<i32>} : memref<3x160xi32, #tpu.memory_space<vmem>>, vector<1x16xi32>,
    %get3A_135 = arith.constant 144 : index
    %get3A_136 = tpu.vector_load %arg5[%get3A_135] {strides = array<i32>} : memref<20000xi32, #tpu.memory_space<vmem>>, vector<16xi32>,
    %get3A_137 = vector.shape_cast %get3A_136 : vector<16xi32> to vector<16xi32>
    %add3A_138 = arith.addi %get3A_137, %get3A_137 : vector<16xi32>
    %add3A_139 = vector.broadcast %arg0 : i32 to vector<16xi32>
    %add3A_140 = arith.addi %add3A_138, %add3A_139 : vector<16xi32>
    %swap3A_141 = arith.constant 0 : i32
    %swap3A_142 = arith.index_cast %swap3A_141 : i32 to index
    %swap3A_143 = arith.constant 144 : index
    %swap3A_144 = tpu.vector_load %arg8[%swap3A_142, %swap3A_143] {strides = array<i32>} : memref<3x160xi32, #tpu.memory_space<vmem>>, vector<1x16xi32>,
    %swap3A_145 = vector.shape_cast %swap3A_144 : vector<1x16xi32> to vector<16xi32>
    %swap3A_146 = vector.shape_cast %add3A_140 : vector<16xi32> to vector<1x16xi32>
    tpu.vector_store %arg8[%swap3A_142, %swap3A_143], %swap3A_146 {strides = array<i32>} : memref<3x160xi32, #tpu.memory_space<vmem>>, vector<1x16xi32>,
    %dma_start3A = arith.constant 0 : i32
    %dma_start3A_147 = arith.constant 0 : i32
    %dma_start3A_148 = arith.constant 0 : i32
    %dma_start3A_149 = arith.constant 0 : i32
    %dma_start3A_150 = arith.constant 0 : i32
    %dma_start3A_151 = tpu.memref_slice %arg7[%dma_start3A_147, %dma_start3A_149, %dma_start3A_150] : memref<3x160x64xf32, #tpu.memory_space<vmem>> -> memref<1x160x64xf32, #tpu.memory_space<vmem>>
    %dma_start3A_152 = tpu.memref_squeeze %dma_start3A_151 : memref<1x160x64xf32, #tpu.memory_space<vmem>> -> memref<160x64xf32, #tpu.memory_space<vmem>>
    %dma_start3A_153 = arith.constant 0 : i32
    %dma_start3A_154 = tpu.memref_slice %arg8[%dma_start3A, %dma_start3A_153] : memref<3x160xi32, #tpu.memory_space<vmem>> -> memref<1x160xi32, #tpu.memory_space<vmem>>
    %dma_start3A_155 = tpu.memref_squeeze %dma_start3A_154 : memref<1x160xi32, #tpu.memory_space<vmem>> -> memref<160xi32, #tpu.memory_space<vmem>>
    %dma_start3A_156 = arith.constant 0 : i32
    %dma_start3A_157 = arith.constant 0 : i32
    %dma_start3A_158 = tpu.memref_slice %arg3[%dma_start3A_156, %dma_start3A_157] : memref<20480x64xf32, #tpu.memory_space<hbm>> -> memref<20480x64xf32, #tpu.memory_space<hbm>>
    %dma_start3A_159 = tpu.memref_slice %arg11[%dma_start3A_148] : memref<3x!tpu.dma_semaphore, #tpu.memory_space<semaphore_mem>> -> memref<1x!tpu.dma_semaphore, #tpu.memory_space<semaphore_mem>>
    %dma_start3A_160 = tpu.memref_squeeze %dma_start3A_159 : memref<1x!tpu.dma_semaphore, #tpu.memory_space<semaphore_mem>> -> memref<!tpu.dma_semaphore, #tpu.memory_space<semaphore_mem>>
    tpu.enqueue_indirect_dma source(%dma_start3A_158 : memref<20480x64xf32, #tpu.memory_space<hbm>>) target(%dma_start3A_152 : memref<160x64xf32, #tpu.memory_space<vmem>>) offsets(%dma_start3A_155 : memref<160xi32, #tpu.memory_space<vmem>>) semaphore(%dma_start3A_160 : memref<!tpu.dma_semaphore, #tpu.memory_space<semaphore_mem>>)
    %get3A_161 = arith.constant 160 : index
    %get3A_162 = tpu.vector_load %arg5[%get3A_161] {strides = array<i32>} : memref<20000xi32, #tpu.memory_space<vmem>>, vector<16xi32>,
    %get3A_163 = vector.shape_cast %get3A_162 : vector<16xi32> to vector<16xi32>
    %add3A_164 = arith.addi %get3A_163, %get3A_163 : vector<16xi32>
    %add3A_165 = vector.broadcast %arg0 : i32 to vector<16xi32>
    %add3A_166 = arith.addi %add3A_164, %add3A_165 : vector<16xi32>
    %swap3A_167 = arith.constant 1 : i32
    %swap3A_168 = arith.index_cast %swap3A_167 : i32 to index
    %swap3A_169 = arith.constant 0 : index
    %swap3A_170 = tpu.vector_load %arg8[%swap3A_168, %swap3A_169] {strides = array<i32>} : memref<3x160xi32, #tpu.memory_space<vmem>>, vector<1x16xi32>,
    %swap3A_171 = vector.shape_cast %swap3A_170 : vector<1x16xi32> to vector<16xi32>
    %swap3A_172 = vector.shape_cast %add3A_166 : vector<16xi32> to vector<1x16xi32>
    tpu.vector_store %arg8[%swap3A_168, %swap3A_169], %swap3A_172 {strides = array<i32>} : memref<3x160xi32, #tpu.memory_space<vmem>>, vector<1x16xi32>,
    %get3A_173 = arith.constant 176 : index
    %get3A_174 = tpu.vector_load %arg5[%get3A_173] {strides = array<i32>} : memref<20000xi32, #tpu.memory_space<vmem>>, vector<16xi32>,
    %get3A_175 = vector.shape_cast %get3A_174 : vector<16xi32> to vector<16xi32>
    %add3A_176 = arith.addi %get3A_175, %get3A_175 : vector<16xi32>
    %add3A_177 = vector.broadcast %arg0 : i32 to vector<16xi32>
    %add3A_178 = arith.addi %add3A_176, %add3A_177 : vector<16xi32>
    %swap3A_179 = arith.constant 1 : i32
    %swap3A_180 = arith.index_cast %swap3A_179 : i32 to index
    %swap3A_181 = arith.constant 16 : index
    %swap3A_182 = tpu.vector_load %arg8[%swap3A_180, %swap3A_181] {strides = array<i32>} : memref<3x160xi32, #tpu.memory_space<vmem>>, vector<1x16xi32>,
    %swap3A_183 = vector.shape_cast %swap3A_182 : vector<1x16xi32> to vector<16xi32>
    %swap3A_184 = vector.shape_cast %add3A_178 : vector<16xi32> to vector<1x16xi32>
    tpu.vector_store %arg8[%swap3A_180, %swap3A_181], %swap3A_184 {strides = array<i32>} : memref<3x160xi32, #tpu.memory_space<vmem>>, vector<1x16xi32>,
    %get3A_185 = arith.constant 192 : index
    %get3A_186 = tpu.vector_load %arg5[%get3A_185] {strides = array<i32>} : memref<20000xi32, #tpu.memory_space<vmem>>, vector<16xi32>,
    %get3A_187 = vector.shape_cast %get3A_186 : vector<16xi32> to vector<16xi32>
    %add3A_188 = arith.addi %get3A_187, %get3A_187 : vector<16xi32>
    %add3A_189 = vector.broadcast %arg0 : i32 to vector<16xi32>
    %add3A_190 = arith.addi %add3A_188, %add3A_189 : vector<16xi32>
    %swap3A_191 = arith.constant 1 : i32
    %swap3A_192 = arith.index_cast %swap3A_191 : i32 to index
    %swap3A_193 = arith.constant 32 : index
    %swap3A_194 = tpu.vector_load %arg8[%swap3A_192, %swap3A_193] {strides = array<i32>} : memref<3x160xi32, #tpu.memory_space<vmem>>, vector<1x16xi32>,
    %swap3A_195 = vector.shape_cast %swap3A_194 : vector<1x16xi32> to vector<16xi32>
    %swap3A_196 = vector.shape_cast %add3A_190 : vector<16xi32> to vector<1x16xi32>
    tpu.vector_store %arg8[%swap3A_192, %swap3A_193], %swap3A_196 {strides = array<i32>} : memref<3x160xi32, #tpu.memory_space<vmem>>, vector<1x16xi32>,
    %get3A_197 = arith.constant 208 : index
    %get3A_198 = tpu.vector_load %arg5[%get3A_197] {strides = array<i32>} : memref<20000xi32, #tpu.memory_space<vmem>>, vector<16xi32>,
    %get3A_199 = vector.shape_cast %get3A_198 : vector<16xi32> to vector<16xi32>
    %add3A_200 = arith.addi %get3A_199, %get3A_199 : vector<16xi32>
    %add3A_201 = vector.broadcast %arg0 : i32 to vector<16xi32>
    %add3A_202 = arith.addi %add3A_200, %add3A_201 : vector<16xi32>
    %swap3A_203 = arith.constant 1 : i32
    %swap3A_204 = arith.index_cast %swap3A_203 : i32 to index
    %swap3A_205 = arith.constant 48 : index
    %swap3A_206 = tpu.vector_load %arg8[%swap3A_204, %swap3A_205] {strides = array<i32>} : memref<3x160xi32, #tpu.memory_space<vmem>>, vector<1x16xi32>,
    %swap3A_207 = vector.shape_cast %swap3A_206 : vector<1x16xi32> to vector<16xi32>
    %swap3A_208 = vector.shape_cast %add3A_202 : vector<16xi32> to vector<1x16xi32>
    tpu.vector_store %arg8[%swap3A_204, %swap3A_205], %swap3A_208 {strides = array<i32>} : memref<3x160xi32, #tpu.memory_space<vmem>>, vector<1x16xi32>,
    %get3A_209 = arith.constant 224 : index
    %get3A_210 = tpu.vector_load %arg5[%get3A_209] {strides = array<i32>} : memref<20000xi32, #tpu.memory_space<vmem>>, vector<16xi32>,
    %get3A_211 = vector.shape_cast %get3A_210 : vector<16xi32> to vector<16xi32>
    %add3A_212 = arith.addi %get3A_211, %get3A_211 : vector<16xi32>
    %add3A_213 = vector.broadcast %arg0 : i32 to vector<16xi32>
    %add3A_214 = arith.addi %add3A_212, %add3A_213 : vector<16xi32>
    %swap3A_215 = arith.constant 1 : i32
    %swap3A_216 = arith.index_cast %swap3A_215 : i32 to index
    %swap3A_217 = arith.constant 64 : index
    %swap3A_218 = tpu.vector_load %arg8[%swap3A_216, %swap3A_217] {strides = array<i32>} : memref<3x160xi32, #tpu.memory_space<vmem>>, vector<1x16xi32>,
    %swap3A_219 = vector.shape_cast %swap3A_218 : vector<1x16xi32> to vector<16xi32>
    %swap3A_220 = vector.shape_cast %add3A_214 : vector<16xi32> to vector<1x16xi32>
    tpu.vector_store %arg8[%swap3A_216, %swap3A_217], %swap3A_220 {strides = array<i32>} : memref<3x160xi32, #tpu.memory_space<vmem>>, vector<1x16xi32>,
    %get3A_221 = arith.constant 240 : index
    %get3A_222 = tpu.vector_load %arg5[%get3A_221] {strides = array<i32>} : memref<20000xi32, #tpu.memory_space<vmem>>, vector<16xi32>,
    %get3A_223 = vector.shape_cast %get3A_222 : vector<16xi32> to vector<16xi32>
    %add3A_224 = arith.addi %get3A_223, %get3A_223 : vector<16xi32>
    %add3A_225 = vector.broadcast %arg0 : i32 to vector<16xi32>
    %add3A_226 = arith.addi %add3A_224, %add3A_225 : vector<16xi32>
    %swap3A_227 = arith.constant 1 : i32
    %swap3A_228 = arith.index_cast %swap3A_227 : i32 to index
    %swap3A_229 = arith.constant 80 : index
    %swap3A_230 = tpu.vector_load %arg8[%swap3A_228, %swap3A_229] {strides = array<i32>} : memref<3x160xi32, #tpu.memory_space<vmem>>, vector<1x16xi32>,
    %swap3A_231 = vector.shape_cast %swap3A_230 : vector<1x16xi32> to vector<16xi32>
    %swap3A_232 = vector.shape_cast %add3A_226 : vector<16xi32> to vector<1x16xi32>
    tpu.vector_store %arg8[%swap3A_228, %swap3A_229], %swap3A_232 {strides = array<i32>} : memref<3x160xi32, #tpu.memory_space<vmem>>, vector<1x16xi32>,
    %get3A_233 = arith.constant 256 : index
    %get3A_234 = tpu.vector_load %arg5[%get3A_233] {strides = array<i32>} : memref<20000xi32, #tpu.memory_space<vmem>>, vector<16xi32>,
    %get3A_235 = vector.shape_cast %get3A_234 : vector<16xi32> to vector<16xi32>
    %add3A_236 = arith.addi %get3A_235, %get3A_235 : vector<16xi32>
    %add3A_237 = vector.broadcast %arg0 : i32 to vector<16xi32>
    %add3A_238 = arith.addi %add3A_236, %add3A_237 : vector<16xi32>
    %swap3A_239 = arith.constant 1 : i32
    %swap3A_240 = arith.index_cast %swap3A_239 : i32 to index
    %swap3A_241 = arith.constant 96 : index
    %swap3A_242 = tpu.vector_load %arg8[%swap3A_240, %swap3A_241] {strides = array<i32>} : memref<3x160xi32, #tpu.memory_space<vmem>>, vector<1x16xi32>,
    %swap3A_243 = vector.shape_cast %swap3A_242 : vector<1x16xi32> to vector<16xi32>
    %swap3A_244 = vector.shape_cast %add3A_238 : vector<16xi32> to vector<1x16xi32>
    tpu.vector_store %arg8[%swap3A_240, %swap3A_241], %swap3A_244 {strides = array<i32>} : memref<3x160xi32, #tpu.memory_space<vmem>>, vector<1x16xi32>,
    %get3A_245 = arith.constant 272 : index
    %get3A_246 = tpu.vector_load %arg5[%get3A_245] {strides = array<i32>} : memref<20000xi32, #tpu.memory_space<vmem>>, vector<16xi32>,
    %get3A_247 = vector.shape_cast %get3A_246 : vector<16xi32> to vector<16xi32>
    %add3A_248 = arith.addi %get3A_247, %get3A_247 : vector<16xi32>
    %add3A_249 = vector.broadcast %arg0 : i32 to vector<16xi32>
    %add3A_250 = arith.addi %add3A_248, %add3A_249 : vector<16xi32>
    %swap3A_251 = arith.constant 1 : i32
    %swap3A_252 = arith.index_cast %swap3A_251 : i32 to index
    %swap3A_253 = arith.constant 112 : index
    %swap3A_254 = tpu.vector_load %arg8[%swap3A_252, %swap3A_253] {strides = array<i32>} : memref<3x160xi32, #tpu.memory_space<vmem>>, vector<1x16xi32>,
    %swap3A_255 = vector.shape_cast %swap3A_254 : vector<1x16xi32> to vector<16xi32>
    %swap3A_256 = vector.shape_cast %add3A_250 : vector<16xi32> to vector<1x16xi32>
    tpu.vector_store %arg8[%swap3A_252, %swap3A_253], %swap3A_256 {strides = array<i32>} : memref<3x160xi32, #tpu.memory_space<vmem>>, vector<1x16xi32>,
    %get3A_257 = arith.constant 288 : index
    %get3A_258 = tpu.vector_load %arg5[%get3A_257] {strides = array<i32>} : memref<20000xi32, #tpu.memory_space<vmem>>, vector<16xi32>,
    %get3A_259 = vector.shape_cast %get3A_258 : vector<16xi32> to vector<16xi32>
    %add3A_260 = arith.addi %get3A_259, %get3A_259 : vector<16xi32>
    %add3A_261 = vector.broadcast %arg0 : i32 to vector<16xi32>
    %add3A_262 = arith.addi %add3A_260, %add3A_261 : vector<16xi32>
    %swap3A_263 = arith.constant 1 : i32
    %swap3A_264 = arith.index_cast %swap3A_263 : i32 to index
    %swap3A_265 = arith.constant 128 : index
    %swap3A_266 = tpu.vector_load %arg8[%swap3A_264, %swap3A_265] {strides = array<i32>} : memref<3x160xi32, #tpu.memory_space<vmem>>, vector<1x16xi32>,
    %swap3A_267 = vector.shape_cast %swap3A_266 : vector<1x16xi32> to vector<16xi32>
    %swap3A_268 = vector.shape_cast %add3A_262 : vector<16xi32> to vector<1x16xi32>
    tpu.vector_store %arg8[%swap3A_264, %swap3A_265], %swap3A_268 {strides = array<i32>} : memref<3x160xi32, #tpu.memory_space<vmem>>, vector<1x16xi32>,
    %get3A_269 = arith.constant 304 : index
    %get3A_270 = tpu.vector_load %arg5[%get3A_269] {strides = array<i32>} : memref<20000xi32, #tpu.memory_space<vmem>>, vector<16xi32>,
    %get3A_271 = vector.shape_cast %get3A_270 : vector<16xi32> to vector<16xi32>
    %add3A_272 = arith.addi %get3A_271, %get3A_271 : vector<16xi32>
    %add3A_273 = vector.broadcast %arg0 : i32 to vector<16xi32>
    %add3A_274 = arith.addi %add3A_272, %add3A_273 : vector<16xi32>
    %swap3A_275 = arith.constant 1 : i32
    %swap3A_276 = arith.index_cast %swap3A_275 : i32 to index
    %swap3A_277 = arith.constant 144 : index
    %swap3A_278 = tpu.vector_load %arg8[%swap3A_276, %swap3A_277] {strides = array<i32>} : memref<3x160xi32, #tpu.memory_space<vmem>>, vector<1x16xi32>,
    %swap3A_279 = vector.shape_cast %swap3A_278 : vector<1x16xi32> to vector<16xi32>
    %swap3A_280 = vector.shape_cast %add3A_274 : vector<16xi32> to vector<1x16xi32>
    tpu.vector_store %arg8[%swap3A_276, %swap3A_277], %swap3A_280 {strides = array<i32>} : memref<3x160xi32, #tpu.memory_space<vmem>>, vector<1x16xi32>,
    %dma_start3A_281 = arith.constant 1 : i32
    %dma_start3A_282 = arith.constant 1 : i32
    %dma_start3A_283 = arith.constant 1 : i32
    %dma_start3A_284 = arith.constant 0 : i32
    %dma_start3A_285 = arith.constant 0 : i32
    %dma_start3A_286 = tpu.memref_slice %arg7[%dma_start3A_282, %dma_start3A_284, %dma_start3A_285] : memref<3x160x64xf32, #tpu.memory_space<vmem>> -> memref<1x160x64xf32, #tpu.memory_space<vmem>>
    %dma_start3A_287 = tpu.memref_squeeze %dma_start3A_286 : memref<1x160x64xf32, #tpu.memory_space<vmem>> -> memref<160x64xf32, #tpu.memory_space<vmem>>
    %dma_start3A_288 = arith.constant 0 : i32
    %dma_start3A_289 = tpu.memref_slice %arg8[%dma_start3A_281, %dma_start3A_288] : memref<3x160xi32, #tpu.memory_space<vmem>> -> memref<1x160xi32, #tpu.memory_space<vmem>>
    %dma_start3A_290 = tpu.memref_squeeze %dma_start3A_289 : memref<1x160xi32, #tpu.memory_space<vmem>> -> memref<160xi32, #tpu.memory_space<vmem>>
    %dma_start3A_291 = arith.constant 0 : i32
    %dma_start3A_292 = arith.constant 0 : i32
    %dma_start3A_293 = tpu.memref_slice %arg3[%dma_start3A_291, %dma_start3A_292] : memref<20480x64xf32, #tpu.memory_space<hbm>> -> memref<20480x64xf32, #tpu.memory_space<hbm>>
    %dma_start3A_294 = tpu.memref_slice %arg11[%dma_start3A_283] : memref<3x!tpu.dma_semaphore, #tpu.memory_space<semaphore_mem>> -> memref<1x!tpu.dma_semaphore, #tpu.memory_space<semaphore_mem>>
    %dma_start3A_295 = tpu.memref_squeeze %dma_start3A_294 : memref<1x!tpu.dma_semaphore, #tpu.memory_space<semaphore_mem>> -> memref<!tpu.dma_semaphore, #tpu.memory_space<semaphore_mem>>
    tpu.enqueue_indirect_dma source(%dma_start3A_293 : memref<20480x64xf32, #tpu.memory_space<hbm>>) target(%dma_start3A_287 : memref<160x64xf32, #tpu.memory_space<vmem>>) offsets(%dma_start3A_290 : memref<160xi32, #tpu.memory_space<vmem>>) semaphore(%dma_start3A_295 : memref<!tpu.dma_semaphore, #tpu.memory_space<semaphore_mem>>)
    %scan3A_296 = arith.constant 0 : i32
    %scan3A_297 = arith.constant 0 : i32
    %scan3A_298 = arith.constant 125 : i32
    %scan3A_299 = arith.addi %scan3A_297, %scan3A_298 : i32
    %scan3A_300 = arith.constant 1 : i32
    scf.for %scan3A_321 = %scan3A_297 to %scan3A_299 step %scan3A_300  : i32 {
      %rem3A = arith.constant 3 : i32
      %rem3A_322 = arith.remsi %scan3A_321, %rem3A : i32
      %add3A_323 = arith.constant 3 : i32
      %add3A_324 = arith.addi %scan3A_321, %add3A_323 : i32
      %sub3A = arith.constant 1 : i32
      %sub3A_325 = arith.subi %add3A_324, %sub3A : i32
      %rem3A_326 = arith.constant 3 : i32
      %rem3A_327 = arith.remsi %sub3A_325, %rem3A_326 : i32
      %sub3A_328 = arith.constant 1 : i32
      %sub3A_329 = arith.subi %scan3A_321, %sub3A_328 : i32
      %max3A = arith.constant 0 : i32
      %max3A_330 = arith.maxsi %sub3A_329, %max3A : i32
      %gt3A = arith.constant 0 : i32
      %gt3A_331 = arith.cmpi sgt, %scan3A_321, %gt3A : i32
      %convert_element_type3A = arith.extui %gt3A_331 : i1 to i32
      %cond3A = arith.constant 0 : i32
      %cond3A_332 = arith.cmpi ne, %convert_element_type3A, %cond3A : i32
      scf.if %cond3A_332 {
        %mul3A_365 = arith.constant 160 : i32
        %mul3A_366 = arith.muli %max3A_330, %mul3A_365 : i32
        %dma_wait3A_367 = arith.constant 0 : i32
        %dma_wait3A_368 = arith.constant 0 : i32
        %dma_wait3A_369 = tpu.memref_slice %arg7[%rem3A_327, %dma_wait3A_367, %dma_wait3A_368] : memref<3x160x64xf32, #tpu.memory_space<vmem>> -> memref<1x160x64xf32, #tpu.memory_space<vmem>>
        %dma_wait3A_370 = tpu.memref_squeeze %dma_wait3A_369 : memref<1x160x64xf32, #tpu.memory_space<vmem>> -> memref<160x64xf32, #tpu.memory_space<vmem>>
        %dma_wait3A_371 = tpu.memref_slice %arg6[%mul3A_366] : memref<20000xi32, #tpu.memory_space<vmem>> -> memref<160xi32, #tpu.memory_space<vmem>>
        %dma_wait3A_372 = arith.constant 0 : i32
        %dma_wait3A_373 = arith.constant 0 : i32
        %dma_wait3A_374 = tpu.memref_slice %arg14[%dma_wait3A_372, %dma_wait3A_373] : memref<10240x64xf32, #tpu.memory_space<vmem_shared>> -> memref<10240x64xf32, #tpu.memory_space<vmem_shared>>
        %dma_wait3A_375 = tpu.memref_slice %arg12[%rem3A_327] : memref<3x!tpu.dma_semaphore, #tpu.memory_space<semaphore_mem>> -> memref<1x!tpu.dma_semaphore, #tpu.memory_space<semaphore_mem>>
        %dma_wait3A_376 = tpu.memref_squeeze %dma_wait3A_375 : memref<1x!tpu.dma_semaphore, #tpu.memory_space<semaphore_mem>> -> memref<!tpu.dma_semaphore, #tpu.memory_space<semaphore_mem>>
        tpu.wait_indirect_dma semaphore(%dma_wait3A_376 : memref<!tpu.dma_semaphore, #tpu.memory_space<semaphore_mem>>) src(%dma_wait3A_370 : memref<160x64xf32, #tpu.memory_space<vmem>>) dst(%dma_wait3A_374 : memref<10240x64xf32, #tpu.memory_space<vmem_shared>>)
      } else {
      }
      %add3A_333 = arith.constant 3 : i32
      %add3A_334 = arith.addi %scan3A_321, %add3A_333 : i32
      %sub3A_335 = arith.constant 1 : i32
      %sub3A_336 = arith.subi %add3A_334, %sub3A_335 : i32
      %lt3A = arith.constant 125 : i32
      %lt3A_337 = arith.cmpi slt, %sub3A_336, %lt3A : i32
      %convert_element_type3A_338 = arith.extui %lt3A_337 : i1 to i32
      %cond3A_339 = arith.constant 0 : i32
      %cond3A_340 = arith.cmpi ne, %convert_element_type3A_338, %cond3A_339 : i32
      scf.if %cond3A_340 {
        %add3A_365 = arith.constant 3 : i32
        %add3A_366 = arith.addi %scan3A_321, %add3A_365 : i32
        %sub3A_367 = arith.constant 1 : i32
        %sub3A_368 = arith.subi %add3A_366, %sub3A_367 : i32
        %mul3A_369 = arith.constant 160 : i32
        %mul3A_370 = arith.muli %sub3A_368, %mul3A_369 : i32
        %add3A_371 = arith.constant 0 : i32
        %add3A_372 = arith.addi %mul3A_370, %add3A_371 : i32
        %get3A_373 = arith.index_cast %add3A_372 : i32 to index
        %get3A_374 = tpu.vector_load %arg5[%get3A_373] {strides = array<i32>} : memref<20000xi32, #tpu.memory_space<vmem>>, vector<16xi32>,
        %get3A_375 = vector.shape_cast %get3A_374 : vector<16xi32> to vector<16xi32>
        %add3A_376 = arith.addi %get3A_375, %get3A_375 : vector<16xi32>
        %add3A_377 = vector.broadcast %arg0 : i32 to vector<16xi32>
        %add3A_378 = arith.addi %add3A_376, %add3A_377 : vector<16xi32>
        %swap3A_379 = arith.index_cast %rem3A_327 : i32 to index
        %swap3A_380 = arith.constant 0 : index
        %swap3A_381 = tpu.vector_load %arg8[%swap3A_379, %swap3A_380] {strides = array<i32>} : memref<3x160xi32, #tpu.memory_space<vmem>>, vector<1x16xi32>,
        %swap3A_382 = vector.shape_cast %swap3A_381 : vector<1x16xi32> to vector<16xi32>
        %swap3A_383 = vector.shape_cast %add3A_378 : vector<16xi32> to vector<1x16xi32>
        tpu.vector_store %arg8[%swap3A_379, %swap3A_380], %swap3A_383 {strides = array<i32>} : memref<3x160xi32, #tpu.memory_space<vmem>>, vector<1x16xi32>,
        %mul3A_384 = arith.constant 160 : i32
        %mul3A_385 = arith.muli %sub3A_368, %mul3A_384 : i32
        %add3A_386 = arith.constant 16 : i32
        %add3A_387 = arith.addi %mul3A_385, %add3A_386 : i32
        %get3A_388 = arith.index_cast %add3A_387 : i32 to index
        %get3A_389 = tpu.vector_load %arg5[%get3A_388] {strides = array<i32>} : memref<20000xi32, #tpu.memory_space<vmem>>, vector<16xi32>,
        %get3A_390 = vector.shape_cast %get3A_389 : vector<16xi32> to vector<16xi32>
        %add3A_391 = arith.addi %get3A_390, %get3A_390 : vector<16xi32>
        %add3A_392 = vector.broadcast %arg0 : i32 to vector<16xi32>
        %add3A_393 = arith.addi %add3A_391, %add3A_392 : vector<16xi32>
        %swap3A_394 = arith.index_cast %rem3A_327 : i32 to index
        %swap3A_395 = arith.constant 16 : index
        %swap3A_396 = tpu.vector_load %arg8[%swap3A_394, %swap3A_395] {strides = array<i32>} : memref<3x160xi32, #tpu.memory_space<vmem>>, vector<1x16xi32>,
        %swap3A_397 = vector.shape_cast %swap3A_396 : vector<1x16xi32> to vector<16xi32>
        %swap3A_398 = vector.shape_cast %add3A_393 : vector<16xi32> to vector<1x16xi32>
        tpu.vector_store %arg8[%swap3A_394, %swap3A_395], %swap3A_398 {strides = array<i32>} : memref<3x160xi32, #tpu.memory_space<vmem>>, vector<1x16xi32>,
        %mul3A_399 = arith.constant 160 : i32
        %mul3A_400 = arith.muli %sub3A_368, %mul3A_399 : i32
        %add3A_401 = arith.constant 32 : i32
        %add3A_402 = arith.addi %mul3A_400, %add3A_401 : i32
        %get3A_403 = arith.index_cast %add3A_402 : i32 to index
        %get3A_404 = tpu.vector_load %arg5[%get3A_403] {strides = array<i32>} : memref<20000xi32, #tpu.memory_space<vmem>>, vector<16xi32>,
        %get3A_405 = vector.shape_cast %get3A_404 : vector<16xi32> to vector<16xi32>
        %add3A_406 = arith.addi %get3A_405, %get3A_405 : vector<16xi32>
        %add3A_407 = vector.broadcast %arg0 : i32 to vector<16xi32>
        %add3A_408 = arith.addi %add3A_406, %add3A_407 : vector<16xi32>
        %swap3A_409 = arith.index_cast %rem3A_327 : i32 to index
        %swap3A_410 = arith.constant 32 : index
        %swap3A_411 = tpu.vector_load %arg8[%swap3A_409, %swap3A_410] {strides = array<i32>} : memref<3x160xi32, #tpu.memory_space<vmem>>, vector<1x16xi32>,
        %swap3A_412 = vector.shape_cast %swap3A_411 : vector<1x16xi32> to vector<16xi32>
        %swap3A_413 = vector.shape_cast %add3A_408 : vector<16xi32> to vector<1x16xi32>
        tpu.vector_store %arg8[%swap3A_409, %swap3A_410], %swap3A_413 {strides = array<i32>} : memref<3x160xi32, #tpu.memory_space<vmem>>, vector<1x16xi32>,
        %mul3A_414 = arith.constant 160 : i32
        %mul3A_415 = arith.muli %sub3A_368, %mul3A_414 : i32
        %add3A_416 = arith.constant 48 : i32
        %add3A_417 = arith.addi %mul3A_415, %add3A_416 : i32
        %get3A_418 = arith.index_cast %add3A_417 : i32 to index
        %get3A_419 = tpu.vector_load %arg5[%get3A_418] {strides = array<i32>} : memref<20000xi32, #tpu.memory_space<vmem>>, vector<16xi32>,
        %get3A_420 = vector.shape_cast %get3A_419 : vector<16xi32> to vector<16xi32>
        %add3A_421 = arith.addi %get3A_420, %get3A_420 : vector<16xi32>
        %add3A_422 = vector.broadcast %arg0 : i32 to vector<16xi32>
        %add3A_423 = arith.addi %add3A_421, %add3A_422 : vector<16xi32>
        %swap3A_424 = arith.index_cast %rem3A_327 : i32 to index
        %swap3A_425 = arith.constant 48 : index
        %swap3A_426 = tpu.vector_load %arg8[%swap3A_424, %swap3A_425] {strides = array<i32>} : memref<3x160xi32, #tpu.memory_space<vmem>>, vector<1x16xi32>,
        %swap3A_427 = vector.shape_cast %swap3A_426 : vector<1x16xi32> to vector<16xi32>
        %swap3A_428 = vector.shape_cast %add3A_423 : vector<16xi32> to vector<1x16xi32>
        tpu.vector_store %arg8[%swap3A_424, %swap3A_425], %swap3A_428 {strides = array<i32>} : memref<3x160xi32, #tpu.memory_space<vmem>>, vector<1x16xi32>,
        %mul3A_429 = arith.constant 160 : i32
        %mul3A_430 = arith.muli %sub3A_368, %mul3A_429 : i32
        %add3A_431 = arith.constant 64 : i32
        %add3A_432 = arith.addi %mul3A_430, %add3A_431 : i32
        %get3A_433 = arith.index_cast %add3A_432 : i32 to index
        %get3A_434 = tpu.vector_load %arg5[%get3A_433] {strides = array<i32>} : memref<20000xi32, #tpu.memory_space<vmem>>, vector<16xi32>,
        %get3A_435 = vector.shape_cast %get3A_434 : vector<16xi32> to vector<16xi32>
        %add3A_436 = arith.addi %get3A_435, %get3A_435 : vector<16xi32>
        %add3A_437 = vector.broadcast %arg0 : i32 to vector<16xi32>
        %add3A_438 = arith.addi %add3A_436, %add3A_437 : vector<16xi32>
        %swap3A_439 = arith.index_cast %rem3A_327 : i32 to index
        %swap3A_440 = arith.constant 64 : index
        %swap3A_441 = tpu.vector_load %arg8[%swap3A_439, %swap3A_440] {strides = array<i32>} : memref<3x160xi32, #tpu.memory_space<vmem>>, vector<1x16xi32>,
        %swap3A_442 = vector.shape_cast %swap3A_441 : vector<1x16xi32> to vector<16xi32>
        %swap3A_443 = vector.shape_cast %add3A_438 : vector<16xi32> to vector<1x16xi32>
        tpu.vector_store %arg8[%swap3A_439, %swap3A_440], %swap3A_443 {strides = array<i32>} : memref<3x160xi32, #tpu.memory_space<vmem>>, vector<1x16xi32>,
        %mul3A_444 = arith.constant 160 : i32
        %mul3A_445 = arith.muli %sub3A_368, %mul3A_444 : i32
        %add3A_446 = arith.constant 80 : i32
        %add3A_447 = arith.addi %mul3A_445, %add3A_446 : i32
        %get3A_448 = arith.index_cast %add3A_447 : i32 to index
        %get3A_449 = tpu.vector_load %arg5[%get3A_448] {strides = array<i32>} : memref<20000xi32, #tpu.memory_space<vmem>>, vector<16xi32>,
        %get3A_450 = vector.shape_cast %get3A_449 : vector<16xi32> to vector<16xi32>
        %add3A_451 = arith.addi %get3A_450, %get3A_450 : vector<16xi32>
        %add3A_452 = vector.broadcast %arg0 : i32 to vector<16xi32>
        %add3A_453 = arith.addi %add3A_451, %add3A_452 : vector<16xi32>
        %swap3A_454 = arith.index_cast %rem3A_327 : i32 to index
        %swap3A_455 = arith.constant 80 : index
        %swap3A_456 = tpu.vector_load %arg8[%swap3A_454, %swap3A_455] {strides = array<i32>} : memref<3x160xi32, #tpu.memory_space<vmem>>, vector<1x16xi32>,
        %swap3A_457 = vector.shape_cast %swap3A_456 : vector<1x16xi32> to vector<16xi32>
        %swap3A_458 = vector.shape_cast %add3A_453 : vector<16xi32> to vector<1x16xi32>
        tpu.vector_store %arg8[%swap3A_454, %swap3A_455], %swap3A_458 {strides = array<i32>} : memref<3x160xi32, #tpu.memory_space<vmem>>, vector<1x16xi32>,
        %mul3A_459 = arith.constant 160 : i32
        %mul3A_460 = arith.muli %sub3A_368, %mul3A_459 : i32
        %add3A_461 = arith.constant 96 : i32
        %add3A_462 = arith.addi %mul3A_460, %add3A_461 : i32
        %get3A_463 = arith.index_cast %add3A_462 : i32 to index
        %get3A_464 = tpu.vector_load %arg5[%get3A_463] {strides = array<i32>} : memref<20000xi32, #tpu.memory_space<vmem>>, vector<16xi32>,
        %get3A_465 = vector.shape_cast %get3A_464 : vector<16xi32> to vector<16xi32>
        %add3A_466 = arith.addi %get3A_465, %get3A_465 : vector<16xi32>
        %add3A_467 = vector.broadcast %arg0 : i32 to vector<16xi32>
        %add3A_468 = arith.addi %add3A_466, %add3A_467 : vector<16xi32>
        %swap3A_469 = arith.index_cast %rem3A_327 : i32 to index
        %swap3A_470 = arith.constant 96 : index
        %swap3A_471 = tpu.vector_load %arg8[%swap3A_469, %swap3A_470] {strides = array<i32>} : memref<3x160xi32, #tpu.memory_space<vmem>>, vector<1x16xi32>,
        %swap3A_472 = vector.shape_cast %swap3A_471 : vector<1x16xi32> to vector<16xi32>
        %swap3A_473 = vector.shape_cast %add3A_468 : vector<16xi32> to vector<1x16xi32>
        tpu.vector_store %arg8[%swap3A_469, %swap3A_470], %swap3A_473 {strides = array<i32>} : memref<3x160xi32, #tpu.memory_space<vmem>>, vector<1x16xi32>,
        %mul3A_474 = arith.constant 160 : i32
        %mul3A_475 = arith.muli %sub3A_368, %mul3A_474 : i32
        %add3A_476 = arith.constant 112 : i32
        %add3A_477 = arith.addi %mul3A_475, %add3A_476 : i32
        %get3A_478 = arith.index_cast %add3A_477 : i32 to index
        %get3A_479 = tpu.vector_load %arg5[%get3A_478] {strides = array<i32>} : memref<20000xi32, #tpu.memory_space<vmem>>, vector<16xi32>,
        %get3A_480 = vector.shape_cast %get3A_479 : vector<16xi32> to vector<16xi32>
        %add3A_481 = arith.addi %get3A_480, %get3A_480 : vector<16xi32>
        %add3A_482 = vector.broadcast %arg0 : i32 to vector<16xi32>
        %add3A_483 = arith.addi %add3A_481, %add3A_482 : vector<16xi32>
        %swap3A_484 = arith.index_cast %rem3A_327 : i32 to index
        %swap3A_485 = arith.constant 112 : index
        %swap3A_486 = tpu.vector_load %arg8[%swap3A_484, %swap3A_485] {strides = array<i32>} : memref<3x160xi32, #tpu.memory_space<vmem>>, vector<1x16xi32>,
        %swap3A_487 = vector.shape_cast %swap3A_486 : vector<1x16xi32> to vector<16xi32>
        %swap3A_488 = vector.shape_cast %add3A_483 : vector<16xi32> to vector<1x16xi32>
        tpu.vector_store %arg8[%swap3A_484, %swap3A_485], %swap3A_488 {strides = array<i32>} : memref<3x160xi32, #tpu.memory_space<vmem>>, vector<1x16xi32>,
        %mul3A_489 = arith.constant 160 : i32
        %mul3A_490 = arith.muli %sub3A_368, %mul3A_489 : i32
        %add3A_491 = arith.constant 128 : i32
        %add3A_492 = arith.addi %mul3A_490, %add3A_491 : i32
        %get3A_493 = arith.index_cast %add3A_492 : i32 to index
        %get3A_494 = tpu.vector_load %arg5[%get3A_493] {strides = array<i32>} : memref<20000xi32, #tpu.memory_space<vmem>>, vector<16xi32>,
        %get3A_495 = vector.shape_cast %get3A_494 : vector<16xi32> to vector<16xi32>
        %add3A_496 = arith.addi %get3A_495, %get3A_495 : vector<16xi32>
        %add3A_497 = vector.broadcast %arg0 : i32 to vector<16xi32>
        %add3A_498 = arith.addi %add3A_496, %add3A_497 : vector<16xi32>
        %swap3A_499 = arith.index_cast %rem3A_327 : i32 to index
        %swap3A_500 = arith.constant 128 : index
        %swap3A_501 = tpu.vector_load %arg8[%swap3A_499, %swap3A_500] {strides = array<i32>} : memref<3x160xi32, #tpu.memory_space<vmem>>, vector<1x16xi32>,
        %swap3A_502 = vector.shape_cast %swap3A_501 : vector<1x16xi32> to vector<16xi32>
        %swap3A_503 = vector.shape_cast %add3A_498 : vector<16xi32> to vector<1x16xi32>
        tpu.vector_store %arg8[%swap3A_499, %swap3A_500], %swap3A_503 {strides = array<i32>} : memref<3x160xi32, #tpu.memory_space<vmem>>, vector<1x16xi32>,
        %mul3A_504 = arith.constant 160 : i32
        %mul3A_505 = arith.muli %sub3A_368, %mul3A_504 : i32
        %add3A_506 = arith.constant 144 : i32
        %add3A_507 = arith.addi %mul3A_505, %add3A_506 : i32
        %get3A_508 = arith.index_cast %add3A_507 : i32 to index
        %get3A_509 = tpu.vector_load %arg5[%get3A_508] {strides = array<i32>} : memref<20000xi32, #tpu.memory_space<vmem>>, vector<16xi32>,
        %get3A_510 = vector.shape_cast %get3A_509 : vector<16xi32> to vector<16xi32>
        %add3A_511 = arith.addi %get3A_510, %get3A_510 : vector<16xi32>
        %add3A_512 = vector.broadcast %arg0 : i32 to vector<16xi32>
        %add3A_513 = arith.addi %add3A_511, %add3A_512 : vector<16xi32>
        %swap3A_514 = arith.index_cast %rem3A_327 : i32 to index
        %swap3A_515 = arith.constant 144 : index
        %swap3A_516 = tpu.vector_load %arg8[%swap3A_514, %swap3A_515] {strides = array<i32>} : memref<3x160xi32, #tpu.memory_space<vmem>>, vector<1x16xi32>,
        %swap3A_517 = vector.shape_cast %swap3A_516 : vector<1x16xi32> to vector<16xi32>
        %swap3A_518 = vector.shape_cast %add3A_513 : vector<16xi32> to vector<1x16xi32>
        tpu.vector_store %arg8[%swap3A_514, %swap3A_515], %swap3A_518 {strides = array<i32>} : memref<3x160xi32, #tpu.memory_space<vmem>>, vector<1x16xi32>,
        %dma_start3A_519 = arith.constant 0 : i32
        %dma_start3A_520 = arith.constant 0 : i32
        %dma_start3A_521 = tpu.memref_slice %arg7[%rem3A_327, %dma_start3A_519, %dma_start3A_520] : memref<3x160x64xf32, #tpu.memory_space<vmem>> -> memref<1x160x64xf32, #tpu.memory_space<vmem>>
        %dma_start3A_522 = tpu.memref_squeeze %dma_start3A_521 : memref<1x160x64xf32, #tpu.memory_space<vmem>> -> memref<160x64xf32, #tpu.memory_space<vmem>>
        %dma_start3A_523 = arith.constant 0 : i32
        %dma_start3A_524 = tpu.memref_slice %arg8[%rem3A_327, %dma_start3A_523] : memref<3x160xi32, #tpu.memory_space<vmem>> -> memref<1x160xi32, #tpu.memory_space<vmem>>
        %dma_start3A_525 = tpu.memref_squeeze %dma_start3A_524 : memref<1x160xi32, #tpu.memory_space<vmem>> -> memref<160xi32, #tpu.memory_space<vmem>>
        %dma_start3A_526 = arith.constant 0 : i32
        %dma_start3A_527 = arith.constant 0 : i32
        %dma_start3A_528 = tpu.memref_slice %arg3[%dma_start3A_526, %dma_start3A_527] : memref<20480x64xf32, #tpu.memory_space<hbm>> -> memref<20480x64xf32, #tpu.memory_space<hbm>>
        %dma_start3A_529 = tpu.memref_slice %arg11[%rem3A_327] : memref<3x!tpu.dma_semaphore, #tpu.memory_space<semaphore_mem>> -> memref<1x!tpu.dma_semaphore, #tpu.memory_space<semaphore_mem>>
        %dma_start3A_530 = tpu.memref_squeeze %dma_start3A_529 : memref<1x!tpu.dma_semaphore, #tpu.memory_space<semaphore_mem>> -> memref<!tpu.dma_semaphore, #tpu.memory_space<semaphore_mem>>
        tpu.enqueue_indirect_dma source(%dma_start3A_528 : memref<20480x64xf32, #tpu.memory_space<hbm>>) target(%dma_start3A_522 : memref<160x64xf32, #tpu.memory_space<vmem>>) offsets(%dma_start3A_525 : memref<160xi32, #tpu.memory_space<vmem>>) semaphore(%dma_start3A_530 : memref<!tpu.dma_semaphore, #tpu.memory_space<semaphore_mem>>)
      } else {
      }
      %dma_wait3A_341 = arith.constant 0 : i32
      %dma_wait3A_342 = arith.constant 0 : i32
      %dma_wait3A_343 = tpu.memref_slice %arg7[%rem3A_322, %dma_wait3A_341, %dma_wait3A_342] : memref<3x160x64xf32, #tpu.memory_space<vmem>> -> memref<1x160x64xf32, #tpu.memory_space<vmem>>
      %dma_wait3A_344 = tpu.memref_squeeze %dma_wait3A_343 : memref<1x160x64xf32, #tpu.memory_space<vmem>> -> memref<160x64xf32, #tpu.memory_space<vmem>>
      %dma_wait3A_345 = arith.constant 0 : i32
      %dma_wait3A_346 = tpu.memref_slice %arg8[%rem3A_322, %dma_wait3A_345] : memref<3x160xi32, #tpu.memory_space<vmem>> -> memref<1x160xi32, #tpu.memory_space<vmem>>
      %dma_wait3A_347 = tpu.memref_squeeze %dma_wait3A_346 : memref<1x160xi32, #tpu.memory_space<vmem>> -> memref<160xi32, #tpu.memory_space<vmem>>
      %dma_wait3A_348 = arith.constant 0 : i32
      %dma_wait3A_349 = arith.constant 0 : i32
      %dma_wait3A_350 = tpu.memref_slice %arg3[%dma_wait3A_348, %dma_wait3A_349] : memref<20480x64xf32, #tpu.memory_space<hbm>> -> memref<20480x64xf32, #tpu.memory_space<hbm>>
      %dma_wait3A_351 = tpu.memref_slice %arg11[%rem3A_322] : memref<3x!tpu.dma_semaphore, #tpu.memory_space<semaphore_mem>> -> memref<1x!tpu.dma_semaphore, #tpu.memory_space<semaphore_mem>>
      %dma_wait3A_352 = tpu.memref_squeeze %dma_wait3A_351 : memref<1x!tpu.dma_semaphore, #tpu.memory_space<semaphore_mem>> -> memref<!tpu.dma_semaphore, #tpu.memory_space<semaphore_mem>>
      tpu.wait_indirect_dma semaphore(%dma_wait3A_352 : memref<!tpu.dma_semaphore, #tpu.memory_space<semaphore_mem>>) src(%dma_wait3A_350 : memref<20480x64xf32, #tpu.memory_space<hbm>>) dst(%dma_wait3A_344 : memref<160x64xf32, #tpu.memory_space<vmem>>)
      %mul3A_353 = arith.constant 160 : i32
      %mul3A_354 = arith.muli %scan3A_321, %mul3A_353 : i32
      %dma_start3A_355 = arith.constant 0 : i32
      %dma_start3A_356 = arith.constant 0 : i32
      %dma_start3A_357 = tpu.memref_slice %arg7[%rem3A_322, %dma_start3A_355, %dma_start3A_356] : memref<3x160x64xf32, #tpu.memory_space<vmem>> -> memref<1x160x64xf32, #tpu.memory_space<vmem>>
      %dma_start3A_358 = tpu.memref_squeeze %dma_start3A_357 : memref<1x160x64xf32, #tpu.memory_space<vmem>> -> memref<160x64xf32, #tpu.memory_space<vmem>>
      %dma_start3A_359 = tpu.memref_slice %arg6[%mul3A_354] : memref<20000xi32, #tpu.memory_space<vmem>> -> memref<160xi32, #tpu.memory_space<vmem>>
      %dma_start3A_360 = arith.constant 0 : i32
      %dma_start3A_361 = arith.constant 0 : i32
      %dma_start3A_362 = tpu.memref_slice %arg14[%dma_start3A_360, %dma_start3A_361] : memref<10240x64xf32, #tpu.memory_space<vmem_shared>> -> memref<10240x64xf32, #tpu.memory_space<vmem_shared>>
      %dma_start3A_363 = tpu.memref_slice %arg12[%rem3A_322] : memref<3x!tpu.dma_semaphore, #tpu.memory_space<semaphore_mem>> -> memref<1x!tpu.dma_semaphore, #tpu.memory_space<semaphore_mem>>
      %dma_start3A_364 = tpu.memref_squeeze %dma_start3A_363 : memref<1x!tpu.dma_semaphore, #tpu.memory_space<semaphore_mem>> -> memref<!tpu.dma_semaphore, #tpu.memory_space<semaphore_mem>>
      tpu.enqueue_indirect_dma source(%dma_start3A_358 : memref<160x64xf32, #tpu.memory_space<vmem>>) target(%dma_start3A_362 : memref<10240x64xf32, #tpu.memory_space<vmem_shared>>) offsets(%dma_start3A_359 : memref<160xi32, #tpu.memory_space<vmem>>) semaphore(%dma_start3A_364 : memref<!tpu.dma_semaphore, #tpu.memory_space<semaphore_mem>>) {add = true}
    }
    %scan3A_301 = arith.constant 125 : i32
    %dma_wait3A = arith.constant 1 : i32
    %dma_wait3A_302 = arith.constant 1 : i32
    %dma_wait3A_303 = arith.constant 0 : i32
    %dma_wait3A_304 = arith.constant 0 : i32
    %dma_wait3A_305 = tpu.memref_slice %arg7[%dma_wait3A, %dma_wait3A_303, %dma_wait3A_304] : memref<3x160x64xf32, #tpu.memory_space<vmem>> -> memref<1x160x64xf32, #tpu.memory_space<vmem>>
    %dma_wait3A_306 = tpu.memref_squeeze %dma_wait3A_305 : memref<1x160x64xf32, #tpu.memory_space<vmem>> -> memref<160x64xf32, #tpu.memory_space<vmem>>
    %dma_wait3A_307 = arith.constant 19840 : i32
    %dma_wait3A_308 = tpu.memref_slice %arg6[%dma_wait3A_307] : memref<20000xi32, #tpu.memory_space<vmem>> -> memref<160xi32, #tpu.memory_space<vmem>>
    %dma_wait3A_309 = arith.constant 0 : i32
    %dma_wait3A_310 = arith.constant 0 : i32
    %dma_wait3A_311 = tpu.memref_slice %arg14[%dma_wait3A_309, %dma_wait3A_310] : memref<10240x64xf32, #tpu.memory_space<vmem_shared>> -> memref<10240x64xf32, #tpu.memory_space<vmem_shared>>
    %dma_wait3A_312 = tpu.memref_slice %arg12[%dma_wait3A_302] : memref<3x!tpu.dma_semaphore, #tpu.memory_space<semaphore_mem>> -> memref<1x!tpu.dma_semaphore, #tpu.memory_space<semaphore_mem>>
    %dma_wait3A_313 = tpu.memref_squeeze %dma_wait3A_312 : memref<1x!tpu.dma_semaphore, #tpu.memory_space<semaphore_mem>> -> memref<!tpu.dma_semaphore, #tpu.memory_space<semaphore_mem>>
    tpu.wait_indirect_dma semaphore(%dma_wait3A_313 : memref<!tpu.dma_semaphore, #tpu.memory_space<semaphore_mem>>) src(%dma_wait3A_306 : memref<160x64xf32, #tpu.memory_space<vmem>>) dst(%dma_wait3A_311 : memref<10240x64xf32, #tpu.memory_space<vmem_shared>>)
    %barrier3A_314 = arith.constant 0 : index
    tpu.barrier barrier_id(%barrier3A_314)
    %mul3A_315 = arith.constant 640 : i32
    %mul3A_316 = arith.muli %arg1, %mul3A_315 : i32
    %mul3A_317 = arith.constant 640 : i32
    %mul3A_318 = arith.muli %arg1, %mul3A_317 : i32
    %mul3A_319 = arith.constant 64 : i32
    %mul3A_320 = arith.muli %arg0, %mul3A_319 : i32
    "tpu.region"() ({
      %run_scoped3A_321 = tpu.sem_alloc : memref<!tpu.dma_semaphore, #tpu.memory_space<semaphore_mem>>
      %dma_start3A_322 = tpu.memref_slice %arg4[%mul3A_318, %mul3A_320] : memref<10240x128xf32, #tpu.memory_space<hbm>> -> memref<640x64xf32, #tpu.memory_space<hbm>>
      %dma_start3A_323 = arith.constant 0 : i32
      %dma_start3A_324 = tpu.memref_slice %arg14[%mul3A_316, %dma_start3A_323] : memref<10240x64xf32, #tpu.memory_space<vmem_shared>> -> memref<640x64xf32, #tpu.memory_space<vmem_shared>>
      tpu.enqueue_dma source(%dma_start3A_324 : memref<640x64xf32, #tpu.memory_space<vmem_shared>>) target(%dma_start3A_322 : memref<640x64xf32, #tpu.memory_space<hbm>>) target_semaphore(%run_scoped3A_321 : memref<!tpu.dma_semaphore, #tpu.memory_space<semaphore_mem>>)
      %dma_wait3A_325 = tpu.memref_slice %arg4[%mul3A_318, %mul3A_320] : memref<10240x128xf32, #tpu.memory_space<hbm>> -> memref<640x64xf32, #tpu.memory_space<hbm>>
      %dma_wait3A_326 = arith.constant 0 : i32
      %dma_wait3A_327 = tpu.memref_slice %arg14[%mul3A_316, %dma_wait3A_326] : memref<10240x64xf32, #tpu.memory_space<vmem_shared>> -> memref<640x64xf32, #tpu.memory_space<vmem_shared>>
      tpu.wait_dma2 semaphore(%run_scoped3A_321 : memref<!tpu.dma_semaphore, #tpu.memory_space<semaphore_mem>>) src(%dma_wait3A_327 : memref<640x64xf32, #tpu.memory_space<vmem_shared>>) dst(%dma_wait3A_325 : memref<640x64xf32, #tpu.memory_space<hbm>>)
      tpu.yield
    }) : () -> ()
    return
  }
}

#map = affine_map<(d0, d1) -> (0, 0)>
#map1 = affine_map<(d0, d1) -> (0, 0, 0)>
module attributes {stable_mosaic.version = 14 : i64} {
  func.func @sc_pass(%arg0: i32, %arg1: i32, %arg2: memref<2x320000xi32, #tpu.memory_space<hbm>>, %arg3: memref<20480x64xf32, #tpu.memory_space<hbm>>, %arg4: memref<10240x128xf32, #tpu.memory_space<hbm>>, %arg5: memref<2x10240x16xf32, #tpu.memory_space<hbm>>, %arg6: memref<20000xi32, #tpu.memory_space<vmem>>, %arg7: memref<20000xi32, #tpu.memory_space<vmem>>, %arg8: memref<3x160x64xf32, #tpu.memory_space<vmem>>, %arg9: memref<3x160xi32, #tpu.memory_space<vmem>>, %arg10: memref<1x64xf32, #tpu.memory_space<vmem>>, %arg11: memref<1xi32, #tpu.memory_space<vmem>>, %arg12: memref<3x!tpu.dma_semaphore, #tpu.memory_space<semaphore_mem>>, %arg13: memref<3x!tpu.dma_semaphore, #tpu.memory_space<semaphore_mem>>, %arg14: memref<!tpu.dma_semaphore, #tpu.memory_space<semaphore_mem>>, %arg15: memref<10240x64xf32, #tpu.memory_space<vmem_shared>>, %arg16: memref<160x16xf32, #tpu.memory_space<vmem>>, %arg17: memref<10240x16xf32, #tpu.memory_space<vmem_shared>>, %arg18: memref<!tpu.dma_semaphore, #tpu.memory_space<semaphore_mem>>, %arg19: memref<!tpu.dma_semaphore, #tpu.memory_space<semaphore_mem>>) attributes {dimension_semantics = [#tpu.dimension_semantics<core_parallel>, #tpu.dimension_semantics<subcore_parallel>], iteration_bounds = array<i64: 2, 16>, scalar_prefetch = 0 : i64, scratch_operands = 14 : i64, tpu.core_type = #tpu.core_type<sc_vector_subcore>, window_params = [{transform_indices = #map}, {transform_indices = #map}, {transform_indices = #map}, {transform_indices = #map1}]} {
    %mul3A = arith.constant 20000 : i32
    %mul3A_0 = arith.muli %arg1, %mul3A : i32
    %run_scoped3A = arith.constant 0 : i32
    "tpu.region"() ({
      %run_scoped3A_357 = tpu.sem_alloc : memref<!tpu.dma_semaphore, #tpu.memory_space<semaphore_mem>>
      %dma_start3A_358 = tpu.memref_slice %arg2[%run_scoped3A, %mul3A_0] : memref<2x320000xi32, #tpu.memory_space<hbm>> -> memref<1x20000xi32, #tpu.memory_space<hbm>>
      %dma_start3A_359 = tpu.memref_squeeze %dma_start3A_358 : memref<1x20000xi32, #tpu.memory_space<hbm>> -> memref<20000xi32, #tpu.memory_space<hbm>>
      %dma_start3A_360 = tpu.memref_slice %arg2[%run_scoped3A, %mul3A_0] : memref<2x320000xi32, #tpu.memory_space<hbm>> -> memref<1x20000xi32, #tpu.memory_space<hbm>>
      %dma_start3A_361 = tpu.memref_squeeze %dma_start3A_360 : memref<1x20000xi32, #tpu.memory_space<hbm>> -> memref<20000xi32, #tpu.memory_space<hbm>>
      tpu.enqueue_dma source(%dma_start3A_361 : memref<20000xi32, #tpu.memory_space<hbm>>) target(%arg6 : memref<20000xi32, #tpu.memory_space<vmem>>) target_semaphore(%run_scoped3A_357 : memref<!tpu.dma_semaphore, #tpu.memory_space<semaphore_mem>>)
      %dma_wait3A_362 = tpu.memref_slice %arg2[%run_scoped3A, %mul3A_0] : memref<2x320000xi32, #tpu.memory_space<hbm>> -> memref<1x20000xi32, #tpu.memory_space<hbm>>
      %dma_wait3A_363 = tpu.memref_squeeze %dma_wait3A_362 : memref<1x20000xi32, #tpu.memory_space<hbm>> -> memref<20000xi32, #tpu.memory_space<hbm>>
      %dma_wait3A_364 = tpu.memref_slice %arg2[%run_scoped3A, %mul3A_0] : memref<2x320000xi32, #tpu.memory_space<hbm>> -> memref<1x20000xi32, #tpu.memory_space<hbm>>
      %dma_wait3A_365 = tpu.memref_squeeze %dma_wait3A_364 : memref<1x20000xi32, #tpu.memory_space<hbm>> -> memref<20000xi32, #tpu.memory_space<hbm>>
      tpu.wait_dma2 semaphore(%run_scoped3A_357 : memref<!tpu.dma_semaphore, #tpu.memory_space<semaphore_mem>>) src(%dma_wait3A_365 : memref<20000xi32, #tpu.memory_space<hbm>>) dst(%arg6 : memref<20000xi32, #tpu.memory_space<vmem>>)
      tpu.yield
    }) : () -> ()
    %mul3A_1 = arith.constant 20000 : i32
    %mul3A_2 = arith.muli %arg1, %mul3A_1 : i32
    %run_scoped3A_3 = arith.constant 1 : i32
    "tpu.region"() ({
      %run_scoped3A_357 = tpu.sem_alloc : memref<!tpu.dma_semaphore, #tpu.memory_space<semaphore_mem>>
      %dma_start3A_358 = tpu.memref_slice %arg2[%run_scoped3A_3, %mul3A_2] : memref<2x320000xi32, #tpu.memory_space<hbm>> -> memref<1x20000xi32, #tpu.memory_space<hbm>>
      %dma_start3A_359 = tpu.memref_squeeze %dma_start3A_358 : memref<1x20000xi32, #tpu.memory_space<hbm>> -> memref<20000xi32, #tpu.memory_space<hbm>>
      %dma_start3A_360 = tpu.memref_slice %arg2[%run_scoped3A_3, %mul3A_2] : memref<2x320000xi32, #tpu.memory_space<hbm>> -> memref<1x20000xi32, #tpu.memory_space<hbm>>
      %dma_start3A_361 = tpu.memref_squeeze %dma_start3A_360 : memref<1x20000xi32, #tpu.memory_space<hbm>> -> memref<20000xi32, #tpu.memory_space<hbm>>
      tpu.enqueue_dma source(%dma_start3A_361 : memref<20000xi32, #tpu.memory_space<hbm>>) target(%arg7 : memref<20000xi32, #tpu.memory_space<vmem>>) target_semaphore(%run_scoped3A_357 : memref<!tpu.dma_semaphore, #tpu.memory_space<semaphore_mem>>)
      %dma_wait3A_362 = tpu.memref_slice %arg2[%run_scoped3A_3, %mul3A_2] : memref<2x320000xi32, #tpu.memory_space<hbm>> -> memref<1x20000xi32, #tpu.memory_space<hbm>>
      %dma_wait3A_363 = tpu.memref_squeeze %dma_wait3A_362 : memref<1x20000xi32, #tpu.memory_space<hbm>> -> memref<20000xi32, #tpu.memory_space<hbm>>
      %dma_wait3A_364 = tpu.memref_slice %arg2[%run_scoped3A_3, %mul3A_2] : memref<2x320000xi32, #tpu.memory_space<hbm>> -> memref<1x20000xi32, #tpu.memory_space<hbm>>
      %dma_wait3A_365 = tpu.memref_squeeze %dma_wait3A_364 : memref<1x20000xi32, #tpu.memory_space<hbm>> -> memref<20000xi32, #tpu.memory_space<hbm>>
      tpu.wait_dma2 semaphore(%run_scoped3A_357 : memref<!tpu.dma_semaphore, #tpu.memory_space<semaphore_mem>>) src(%dma_wait3A_365 : memref<20000xi32, #tpu.memory_space<hbm>>) dst(%arg7 : memref<20000xi32, #tpu.memory_space<vmem>>)
      tpu.yield
    }) : () -> ()
    %broadcast_in_dim3A = arith.constant 0.000000e+00 : f32
    %broadcast_in_dim3A_4 = vector.broadcast %broadcast_in_dim3A : f32 to vector<16xf32>
    %scan3A = arith.constant 0 : i32
    %scan3A_5 = arith.constant 0 : i32
    %scan3A_6 = arith.constant 160 : i32
    %scan3A_7 = arith.addi %scan3A_5, %scan3A_6 : i32
    %scan3A_8 = arith.constant 1 : i32
    scf.for %scan3A_357 = %scan3A_5 to %scan3A_7 step %scan3A_8  : i32 {
      %swap3A_358 = arith.constant 0 : i32
      %swap3A_359 = arith.index_cast %swap3A_358 : i32 to index
      %swap3A_360 = arith.index_cast %scan3A_357 : i32 to index
      %swap3A_361 = arith.constant 0 : index
      %swap3A_362 = tpu.vector_load %arg8[%swap3A_359, %swap3A_360, %swap3A_361] {strides = array<i32>} : memref<3x160x64xf32, #tpu.memory_space<vmem>>, vector<1x1x16xf32>,
      %swap3A_363 = vector.shape_cast %swap3A_362 : vector<1x1x16xf32> to vector<16xf32>
      %swap3A_364 = vector.shape_cast %broadcast_in_dim3A_4 : vector<16xf32> to vector<1x1x16xf32>
      tpu.vector_store %arg8[%swap3A_359, %swap3A_360, %swap3A_361], %swap3A_364 {strides = array<i32>} : memref<3x160x64xf32, #tpu.memory_space<vmem>>, vector<1x1x16xf32>,
      %swap3A_365 = arith.constant 0 : i32
      %swap3A_366 = arith.index_cast %swap3A_365 : i32 to index
      %swap3A_367 = arith.index_cast %scan3A_357 : i32 to index
      %swap3A_368 = arith.constant 16 : index
      %swap3A_369 = tpu.vector_load %arg8[%swap3A_366, %swap3A_367, %swap3A_368] {strides = array<i32>} : memref<3x160x64xf32, #tpu.memory_space<vmem>>, vector<1x1x16xf32>,
      %swap3A_370 = vector.shape_cast %swap3A_369 : vector<1x1x16xf32> to vector<16xf32>
      %swap3A_371 = vector.shape_cast %broadcast_in_dim3A_4 : vector<16xf32> to vector<1x1x16xf32>
      tpu.vector_store %arg8[%swap3A_366, %swap3A_367, %swap3A_368], %swap3A_371 {strides = array<i32>} : memref<3x160x64xf32, #tpu.memory_space<vmem>>, vector<1x1x16xf32>,
      %swap3A_372 = arith.constant 0 : i32
      %swap3A_373 = arith.index_cast %swap3A_372 : i32 to index
      %swap3A_374 = arith.index_cast %scan3A_357 : i32 to index
      %swap3A_375 = arith.constant 32 : index
      %swap3A_376 = tpu.vector_load %arg8[%swap3A_373, %swap3A_374, %swap3A_375] {strides = array<i32>} : memref<3x160x64xf32, #tpu.memory_space<vmem>>, vector<1x1x16xf32>,
      %swap3A_377 = vector.shape_cast %swap3A_376 : vector<1x1x16xf32> to vector<16xf32>
      %swap3A_378 = vector.shape_cast %broadcast_in_dim3A_4 : vector<16xf32> to vector<1x1x16xf32>
      tpu.vector_store %arg8[%swap3A_373, %swap3A_374, %swap3A_375], %swap3A_378 {strides = array<i32>} : memref<3x160x64xf32, #tpu.memory_space<vmem>>, vector<1x1x16xf32>,
      %swap3A_379 = arith.constant 0 : i32
      %swap3A_380 = arith.index_cast %swap3A_379 : i32 to index
      %swap3A_381 = arith.index_cast %scan3A_357 : i32 to index
      %swap3A_382 = arith.constant 48 : index
      %swap3A_383 = tpu.vector_load %arg8[%swap3A_380, %swap3A_381, %swap3A_382] {strides = array<i32>} : memref<3x160x64xf32, #tpu.memory_space<vmem>>, vector<1x1x16xf32>,
      %swap3A_384 = vector.shape_cast %swap3A_383 : vector<1x1x16xf32> to vector<16xf32>
      %swap3A_385 = vector.shape_cast %broadcast_in_dim3A_4 : vector<16xf32> to vector<1x1x16xf32>
      tpu.vector_store %arg8[%swap3A_380, %swap3A_381, %swap3A_382], %swap3A_385 {strides = array<i32>} : memref<3x160x64xf32, #tpu.memory_space<vmem>>, vector<1x1x16xf32>,
      %add3A_386 = arith.constant 1.000000e+00 : f32
      %add3A_387 = vector.broadcast %add3A_386 : f32 to vector<16xf32>
      %add3A_388 = arith.addf %broadcast_in_dim3A_4, %add3A_387 : vector<16xf32>
      %swap3A_389 = arith.index_cast %scan3A_357 : i32 to index
      %swap3A_390 = arith.constant 0 : index
      %swap3A_391 = tpu.vector_load %arg16[%swap3A_389, %swap3A_390] {strides = array<i32>} : memref<160x16xf32, #tpu.memory_space<vmem>>, vector<1x16xf32>,
      %swap3A_392 = vector.shape_cast %swap3A_391 : vector<1x16xf32> to vector<16xf32>
      %swap3A_393 = vector.shape_cast %add3A_388 : vector<16xf32> to vector<1x16xf32>
      tpu.vector_store %arg16[%swap3A_389, %swap3A_390], %swap3A_393 {strides = array<i32>} : memref<160x16xf32, #tpu.memory_space<vmem>>, vector<1x16xf32>,
    }
    %scan3A_9 = arith.constant 160 : i32
    %mul3A_10 = arith.constant 640 : i32
    %mul3A_11 = arith.muli %arg1, %mul3A_10 : i32
    %add3A = arith.constant 0 : i32
    %add3A_12 = arith.addi %mul3A_11, %add3A : i32
    %run_scoped3A_13 = arith.constant 0 : i32
    "tpu.region"() ({
      %run_scoped3A_357 = tpu.sem_alloc : memref<!tpu.dma_semaphore, #tpu.memory_space<semaphore_mem>>
      %dma_start3A_358 = arith.constant 0 : i32
      %dma_start3A_359 = arith.constant 0 : i32
      %dma_start3A_360 = tpu.memref_slice %arg8[%run_scoped3A_13, %dma_start3A_358, %dma_start3A_359] : memref<3x160x64xf32, #tpu.memory_space<vmem>> -> memref<1x160x64xf32, #tpu.memory_space<vmem>>
      %dma_start3A_361 = tpu.memref_squeeze %dma_start3A_360 : memref<1x160x64xf32, #tpu.memory_space<vmem>> -> memref<160x64xf32, #tpu.memory_space<vmem>>
      %dma_start3A_362 = arith.constant 0 : i32
      %dma_start3A_363 = tpu.memref_slice %arg15[%add3A_12, %dma_start3A_362] : memref<10240x64xf32, #tpu.memory_space<vmem_shared>> -> memref<160x64xf32, #tpu.memory_space<vmem_shared>>
      %dma_start3A_364 = arith.constant 0 : i32
      %dma_start3A_365 = tpu.memref_slice %arg15[%add3A_12, %dma_start3A_364] : memref<10240x64xf32, #tpu.memory_space<vmem_shared>> -> memref<160x64xf32, #tpu.memory_space<vmem_shared>>
      %dma_start3A_366 = arith.constant 0 : i32
      %dma_start3A_367 = arith.constant 0 : i32
      %dma_start3A_368 = tpu.memref_slice %arg8[%run_scoped3A_13, %dma_start3A_366, %dma_start3A_367] : memref<3x160x64xf32, #tpu.memory_space<vmem>> -> memref<1x160x64xf32, #tpu.memory_space<vmem>>
      %dma_start3A_369 = tpu.memref_squeeze %dma_start3A_368 : memref<1x160x64xf32, #tpu.memory_space<vmem>> -> memref<160x64xf32, #tpu.memory_space<vmem>>
      tpu.enqueue_dma source(%dma_start3A_369 : memref<160x64xf32, #tpu.memory_space<vmem>>) target(%dma_start3A_365 : memref<160x64xf32, #tpu.memory_space<vmem_shared>>) target_semaphore(%run_scoped3A_357 : memref<!tpu.dma_semaphore, #tpu.memory_space<semaphore_mem>>)
      %dma_wait3A_370 = arith.constant 0 : i32
      %dma_wait3A_371 = arith.constant 0 : i32
      %dma_wait3A_372 = tpu.memref_slice %arg8[%run_scoped3A_13, %dma_wait3A_370, %dma_wait3A_371] : memref<3x160x64xf32, #tpu.memory_space<vmem>> -> memref<1x160x64xf32, #tpu.memory_space<vmem>>
      %dma_wait3A_373 = tpu.memref_squeeze %dma_wait3A_372 : memref<1x160x64xf32, #tpu.memory_space<vmem>> -> memref<160x64xf32, #tpu.memory_space<vmem>>
      %dma_wait3A_374 = arith.constant 0 : i32
      %dma_wait3A_375 = tpu.memref_slice %arg15[%add3A_12, %dma_wait3A_374] : memref<10240x64xf32, #tpu.memory_space<vmem_shared>> -> memref<160x64xf32, #tpu.memory_space<vmem_shared>>
      %dma_wait3A_376 = arith.constant 0 : i32
      %dma_wait3A_377 = tpu.memref_slice %arg15[%add3A_12, %dma_wait3A_376] : memref<10240x64xf32, #tpu.memory_space<vmem_shared>> -> memref<160x64xf32, #tpu.memory_space<vmem_shared>>
      %dma_wait3A_378 = arith.constant 0 : i32
      %dma_wait3A_379 = arith.constant 0 : i32
      %dma_wait3A_380 = tpu.memref_slice %arg8[%run_scoped3A_13, %dma_wait3A_378, %dma_wait3A_379] : memref<3x160x64xf32, #tpu.memory_space<vmem>> -> memref<1x160x64xf32, #tpu.memory_space<vmem>>
      %dma_wait3A_381 = tpu.memref_squeeze %dma_wait3A_380 : memref<1x160x64xf32, #tpu.memory_space<vmem>> -> memref<160x64xf32, #tpu.memory_space<vmem>>
      tpu.wait_dma2 semaphore(%run_scoped3A_357 : memref<!tpu.dma_semaphore, #tpu.memory_space<semaphore_mem>>) src(%dma_wait3A_381 : memref<160x64xf32, #tpu.memory_space<vmem>>) dst(%dma_wait3A_377 : memref<160x64xf32, #tpu.memory_space<vmem_shared>>)
      tpu.yield
    }) : () -> ()
    %mul3A_14 = arith.constant 640 : i32
    %mul3A_15 = arith.muli %arg1, %mul3A_14 : i32
    %add3A_16 = arith.constant 0 : i32
    %add3A_17 = arith.addi %mul3A_15, %add3A_16 : i32
    %run_scoped3A_18 = arith.constant 0 : i32
    "tpu.region"() ({
      %run_scoped3A_357 = tpu.sem_alloc : memref<!tpu.dma_semaphore, #tpu.memory_space<semaphore_mem>>
      %dma_start3A_358 = arith.constant 0 : i32
      %dma_start3A_359 = arith.constant 0 : i32
      %dma_start3A_360 = tpu.memref_slice %arg8[%run_scoped3A_18, %dma_start3A_358, %dma_start3A_359] : memref<3x160x64xf32, #tpu.memory_space<vmem>> -> memref<1x160x16xf32, #tpu.memory_space<vmem>>
      %dma_start3A_361 = tpu.memref_squeeze %dma_start3A_360 : memref<1x160x16xf32, #tpu.memory_space<vmem>> -> memref<160x16xf32, #tpu.memory_space<vmem>>
      %dma_start3A_362 = arith.constant 0 : i32
      %dma_start3A_363 = tpu.memref_slice %arg17[%add3A_17, %dma_start3A_362] : memref<10240x16xf32, #tpu.memory_space<vmem_shared>> -> memref<160x16xf32, #tpu.memory_space<vmem_shared>>
      %dma_start3A_364 = arith.constant 0 : i32
      %dma_start3A_365 = tpu.memref_slice %arg17[%add3A_17, %dma_start3A_364] : memref<10240x16xf32, #tpu.memory_space<vmem_shared>> -> memref<160x16xf32, #tpu.memory_space<vmem_shared>>
      %dma_start3A_366 = arith.constant 0 : i32
      %dma_start3A_367 = arith.constant 0 : i32
      %dma_start3A_368 = tpu.memref_slice %arg8[%run_scoped3A_18, %dma_start3A_366, %dma_start3A_367] : memref<3x160x64xf32, #tpu.memory_space<vmem>> -> memref<1x160x16xf32, #tpu.memory_space<vmem>>
      %dma_start3A_369 = tpu.memref_squeeze %dma_start3A_368 : memref<1x160x16xf32, #tpu.memory_space<vmem>> -> memref<160x16xf32, #tpu.memory_space<vmem>>
      tpu.enqueue_dma source(%dma_start3A_369 : memref<160x16xf32, #tpu.memory_space<vmem>>) target(%dma_start3A_365 : memref<160x16xf32, #tpu.memory_space<vmem_shared>>) target_semaphore(%run_scoped3A_357 : memref<!tpu.dma_semaphore, #tpu.memory_space<semaphore_mem>>)
      %dma_wait3A_370 = arith.constant 0 : i32
      %dma_wait3A_371 = arith.constant 0 : i32
      %dma_wait3A_372 = tpu.memref_slice %arg8[%run_scoped3A_18, %dma_wait3A_370, %dma_wait3A_371] : memref<3x160x64xf32, #tpu.memory_space<vmem>> -> memref<1x160x16xf32, #tpu.memory_space<vmem>>
      %dma_wait3A_373 = tpu.memref_squeeze %dma_wait3A_372 : memref<1x160x16xf32, #tpu.memory_space<vmem>> -> memref<160x16xf32, #tpu.memory_space<vmem>>
      %dma_wait3A_374 = arith.constant 0 : i32
      %dma_wait3A_375 = tpu.memref_slice %arg17[%add3A_17, %dma_wait3A_374] : memref<10240x16xf32, #tpu.memory_space<vmem_shared>> -> memref<160x16xf32, #tpu.memory_space<vmem_shared>>
      %dma_wait3A_376 = arith.constant 0 : i32
      %dma_wait3A_377 = tpu.memref_slice %arg17[%add3A_17, %dma_wait3A_376] : memref<10240x16xf32, #tpu.memory_space<vmem_shared>> -> memref<160x16xf32, #tpu.memory_space<vmem_shared>>
      %dma_wait3A_378 = arith.constant 0 : i32
      %dma_wait3A_379 = arith.constant 0 : i32
      %dma_wait3A_380 = tpu.memref_slice %arg8[%run_scoped3A_18, %dma_wait3A_378, %dma_wait3A_379] : memref<3x160x64xf32, #tpu.memory_space<vmem>> -> memref<1x160x16xf32, #tpu.memory_space<vmem>>
      %dma_wait3A_381 = tpu.memref_squeeze %dma_wait3A_380 : memref<1x160x16xf32, #tpu.memory_space<vmem>> -> memref<160x16xf32, #tpu.memory_space<vmem>>
      tpu.wait_dma2 semaphore(%run_scoped3A_357 : memref<!tpu.dma_semaphore, #tpu.memory_space<semaphore_mem>>) src(%dma_wait3A_381 : memref<160x16xf32, #tpu.memory_space<vmem>>) dst(%dma_wait3A_377 : memref<160x16xf32, #tpu.memory_space<vmem_shared>>)
      tpu.yield
    }) : () -> ()
    %mul3A_19 = arith.constant 640 : i32
    %mul3A_20 = arith.muli %arg1, %mul3A_19 : i32
    %add3A_21 = arith.constant 160 : i32
    %add3A_22 = arith.addi %mul3A_20, %add3A_21 : i32
    %run_scoped3A_23 = arith.constant 0 : i32
    "tpu.region"() ({
      %run_scoped3A_357 = tpu.sem_alloc : memref<!tpu.dma_semaphore, #tpu.memory_space<semaphore_mem>>
      %dma_start3A_358 = arith.constant 0 : i32
      %dma_start3A_359 = arith.constant 0 : i32
      %dma_start3A_360 = tpu.memref_slice %arg8[%run_scoped3A_23, %dma_start3A_358, %dma_start3A_359] : memref<3x160x64xf32, #tpu.memory_space<vmem>> -> memref<1x160x64xf32, #tpu.memory_space<vmem>>
      %dma_start3A_361 = tpu.memref_squeeze %dma_start3A_360 : memref<1x160x64xf32, #tpu.memory_space<vmem>> -> memref<160x64xf32, #tpu.memory_space<vmem>>
      %dma_start3A_362 = arith.constant 0 : i32
      %dma_start3A_363 = tpu.memref_slice %arg15[%add3A_22, %dma_start3A_362] : memref<10240x64xf32, #tpu.memory_space<vmem_shared>> -> memref<160x64xf32, #tpu.memory_space<vmem_shared>>
      %dma_start3A_364 = arith.constant 0 : i32
      %dma_start3A_365 = tpu.memref_slice %arg15[%add3A_22, %dma_start3A_364] : memref<10240x64xf32, #tpu.memory_space<vmem_shared>> -> memref<160x64xf32, #tpu.memory_space<vmem_shared>>
      %dma_start3A_366 = arith.constant 0 : i32
      %dma_start3A_367 = arith.constant 0 : i32
      %dma_start3A_368 = tpu.memref_slice %arg8[%run_scoped3A_23, %dma_start3A_366, %dma_start3A_367] : memref<3x160x64xf32, #tpu.memory_space<vmem>> -> memref<1x160x64xf32, #tpu.memory_space<vmem>>
      %dma_start3A_369 = tpu.memref_squeeze %dma_start3A_368 : memref<1x160x64xf32, #tpu.memory_space<vmem>> -> memref<160x64xf32, #tpu.memory_space<vmem>>
      tpu.enqueue_dma source(%dma_start3A_369 : memref<160x64xf32, #tpu.memory_space<vmem>>) target(%dma_start3A_365 : memref<160x64xf32, #tpu.memory_space<vmem_shared>>) target_semaphore(%run_scoped3A_357 : memref<!tpu.dma_semaphore, #tpu.memory_space<semaphore_mem>>)
      %dma_wait3A_370 = arith.constant 0 : i32
      %dma_wait3A_371 = arith.constant 0 : i32
      %dma_wait3A_372 = tpu.memref_slice %arg8[%run_scoped3A_23, %dma_wait3A_370, %dma_wait3A_371] : memref<3x160x64xf32, #tpu.memory_space<vmem>> -> memref<1x160x64xf32, #tpu.memory_space<vmem>>
      %dma_wait3A_373 = tpu.memref_squeeze %dma_wait3A_372 : memref<1x160x64xf32, #tpu.memory_space<vmem>> -> memref<160x64xf32, #tpu.memory_space<vmem>>
      %dma_wait3A_374 = arith.constant 0 : i32
      %dma_wait3A_375 = tpu.memref_slice %arg15[%add3A_22, %dma_wait3A_374] : memref<10240x64xf32, #tpu.memory_space<vmem_shared>> -> memref<160x64xf32, #tpu.memory_space<vmem_shared>>
      %dma_wait3A_376 = arith.constant 0 : i32
      %dma_wait3A_377 = tpu.memref_slice %arg15[%add3A_22, %dma_wait3A_376] : memref<10240x64xf32, #tpu.memory_space<vmem_shared>> -> memref<160x64xf32, #tpu.memory_space<vmem_shared>>
      %dma_wait3A_378 = arith.constant 0 : i32
      %dma_wait3A_379 = arith.constant 0 : i32
      %dma_wait3A_380 = tpu.memref_slice %arg8[%run_scoped3A_23, %dma_wait3A_378, %dma_wait3A_379] : memref<3x160x64xf32, #tpu.memory_space<vmem>> -> memref<1x160x64xf32, #tpu.memory_space<vmem>>
      %dma_wait3A_381 = tpu.memref_squeeze %dma_wait3A_380 : memref<1x160x64xf32, #tpu.memory_space<vmem>> -> memref<160x64xf32, #tpu.memory_space<vmem>>
      tpu.wait_dma2 semaphore(%run_scoped3A_357 : memref<!tpu.dma_semaphore, #tpu.memory_space<semaphore_mem>>) src(%dma_wait3A_381 : memref<160x64xf32, #tpu.memory_space<vmem>>) dst(%dma_wait3A_377 : memref<160x64xf32, #tpu.memory_space<vmem_shared>>)
      tpu.yield
    }) : () -> ()
    %mul3A_24 = arith.constant 640 : i32
    %mul3A_25 = arith.muli %arg1, %mul3A_24 : i32
    %add3A_26 = arith.constant 160 : i32
    %add3A_27 = arith.addi %mul3A_25, %add3A_26 : i32
    %run_scoped3A_28 = arith.constant 0 : i32
    "tpu.region"() ({
      %run_scoped3A_357 = tpu.sem_alloc : memref<!tpu.dma_semaphore, #tpu.memory_space<semaphore_mem>>
      %dma_start3A_358 = arith.constant 0 : i32
      %dma_start3A_359 = arith.constant 0 : i32
      %dma_start3A_360 = tpu.memref_slice %arg8[%run_scoped3A_28, %dma_start3A_358, %dma_start3A_359] : memref<3x160x64xf32, #tpu.memory_space<vmem>> -> memref<1x160x16xf32, #tpu.memory_space<vmem>>
      %dma_start3A_361 = tpu.memref_squeeze %dma_start3A_360 : memref<1x160x16xf32, #tpu.memory_space<vmem>> -> memref<160x16xf32, #tpu.memory_space<vmem>>
      %dma_start3A_362 = arith.constant 0 : i32
      %dma_start3A_363 = tpu.memref_slice %arg17[%add3A_27, %dma_start3A_362] : memref<10240x16xf32, #tpu.memory_space<vmem_shared>> -> memref<160x16xf32, #tpu.memory_space<vmem_shared>>
      %dma_start3A_364 = arith.constant 0 : i32
      %dma_start3A_365 = tpu.memref_slice %arg17[%add3A_27, %dma_start3A_364] : memref<10240x16xf32, #tpu.memory_space<vmem_shared>> -> memref<160x16xf32, #tpu.memory_space<vmem_shared>>
      %dma_start3A_366 = arith.constant 0 : i32
      %dma_start3A_367 = arith.constant 0 : i32
      %dma_start3A_368 = tpu.memref_slice %arg8[%run_scoped3A_28, %dma_start3A_366, %dma_start3A_367] : memref<3x160x64xf32, #tpu.memory_space<vmem>> -> memref<1x160x16xf32, #tpu.memory_space<vmem>>
      %dma_start3A_369 = tpu.memref_squeeze %dma_start3A_368 : memref<1x160x16xf32, #tpu.memory_space<vmem>> -> memref<160x16xf32, #tpu.memory_space<vmem>>
      tpu.enqueue_dma source(%dma_start3A_369 : memref<160x16xf32, #tpu.memory_space<vmem>>) target(%dma_start3A_365 : memref<160x16xf32, #tpu.memory_space<vmem_shared>>) target_semaphore(%run_scoped3A_357 : memref<!tpu.dma_semaphore, #tpu.memory_space<semaphore_mem>>)
      %dma_wait3A_370 = arith.constant 0 : i32
      %dma_wait3A_371 = arith.constant 0 : i32
      %dma_wait3A_372 = tpu.memref_slice %arg8[%run_scoped3A_28, %dma_wait3A_370, %dma_wait3A_371] : memref<3x160x64xf32, #tpu.memory_space<vmem>> -> memref<1x160x16xf32, #tpu.memory_space<vmem>>
      %dma_wait3A_373 = tpu.memref_squeeze %dma_wait3A_372 : memref<1x160x16xf32, #tpu.memory_space<vmem>> -> memref<160x16xf32, #tpu.memory_space<vmem>>
      %dma_wait3A_374 = arith.constant 0 : i32
      %dma_wait3A_375 = tpu.memref_slice %arg17[%add3A_27, %dma_wait3A_374] : memref<10240x16xf32, #tpu.memory_space<vmem_shared>> -> memref<160x16xf32, #tpu.memory_space<vmem_shared>>
      %dma_wait3A_376 = arith.constant 0 : i32
      %dma_wait3A_377 = tpu.memref_slice %arg17[%add3A_27, %dma_wait3A_376] : memref<10240x16xf32, #tpu.memory_space<vmem_shared>> -> memref<160x16xf32, #tpu.memory_space<vmem_shared>>
      %dma_wait3A_378 = arith.constant 0 : i32
      %dma_wait3A_379 = arith.constant 0 : i32
      %dma_wait3A_380 = tpu.memref_slice %arg8[%run_scoped3A_28, %dma_wait3A_378, %dma_wait3A_379] : memref<3x160x64xf32, #tpu.memory_space<vmem>> -> memref<1x160x16xf32, #tpu.memory_space<vmem>>
      %dma_wait3A_381 = tpu.memref_squeeze %dma_wait3A_380 : memref<1x160x16xf32, #tpu.memory_space<vmem>> -> memref<160x16xf32, #tpu.memory_space<vmem>>
      tpu.wait_dma2 semaphore(%run_scoped3A_357 : memref<!tpu.dma_semaphore, #tpu.memory_space<semaphore_mem>>) src(%dma_wait3A_381 : memref<160x16xf32, #tpu.memory_space<vmem>>) dst(%dma_wait3A_377 : memref<160x16xf32, #tpu.memory_space<vmem_shared>>)
      tpu.yield
    }) : () -> ()
    %mul3A_29 = arith.constant 640 : i32
    %mul3A_30 = arith.muli %arg1, %mul3A_29 : i32
    %add3A_31 = arith.constant 320 : i32
    %add3A_32 = arith.addi %mul3A_30, %add3A_31 : i32
    %run_scoped3A_33 = arith.constant 0 : i32
    "tpu.region"() ({
      %run_scoped3A_357 = tpu.sem_alloc : memref<!tpu.dma_semaphore, #tpu.memory_space<semaphore_mem>>
      %dma_start3A_358 = arith.constant 0 : i32
      %dma_start3A_359 = arith.constant 0 : i32
      %dma_start3A_360 = tpu.memref_slice %arg8[%run_scoped3A_33, %dma_start3A_358, %dma_start3A_359] : memref<3x160x64xf32, #tpu.memory_space<vmem>> -> memref<1x160x64xf32, #tpu.memory_space<vmem>>
      %dma_start3A_361 = tpu.memref_squeeze %dma_start3A_360 : memref<1x160x64xf32, #tpu.memory_space<vmem>> -> memref<160x64xf32, #tpu.memory_space<vmem>>
      %dma_start3A_362 = arith.constant 0 : i32
      %dma_start3A_363 = tpu.memref_slice %arg15[%add3A_32, %dma_start3A_362] : memref<10240x64xf32, #tpu.memory_space<vmem_shared>> -> memref<160x64xf32, #tpu.memory_space<vmem_shared>>
      %dma_start3A_364 = arith.constant 0 : i32
      %dma_start3A_365 = tpu.memref_slice %arg15[%add3A_32, %dma_start3A_364] : memref<10240x64xf32, #tpu.memory_space<vmem_shared>> -> memref<160x64xf32, #tpu.memory_space<vmem_shared>>
      %dma_start3A_366 = arith.constant 0 : i32
      %dma_start3A_367 = arith.constant 0 : i32
      %dma_start3A_368 = tpu.memref_slice %arg8[%run_scoped3A_33, %dma_start3A_366, %dma_start3A_367] : memref<3x160x64xf32, #tpu.memory_space<vmem>> -> memref<1x160x64xf32, #tpu.memory_space<vmem>>
      %dma_start3A_369 = tpu.memref_squeeze %dma_start3A_368 : memref<1x160x64xf32, #tpu.memory_space<vmem>> -> memref<160x64xf32, #tpu.memory_space<vmem>>
      tpu.enqueue_dma source(%dma_start3A_369 : memref<160x64xf32, #tpu.memory_space<vmem>>) target(%dma_start3A_365 : memref<160x64xf32, #tpu.memory_space<vmem_shared>>) target_semaphore(%run_scoped3A_357 : memref<!tpu.dma_semaphore, #tpu.memory_space<semaphore_mem>>)
      %dma_wait3A_370 = arith.constant 0 : i32
      %dma_wait3A_371 = arith.constant 0 : i32
      %dma_wait3A_372 = tpu.memref_slice %arg8[%run_scoped3A_33, %dma_wait3A_370, %dma_wait3A_371] : memref<3x160x64xf32, #tpu.memory_space<vmem>> -> memref<1x160x64xf32, #tpu.memory_space<vmem>>
      %dma_wait3A_373 = tpu.memref_squeeze %dma_wait3A_372 : memref<1x160x64xf32, #tpu.memory_space<vmem>> -> memref<160x64xf32, #tpu.memory_space<vmem>>
      %dma_wait3A_374 = arith.constant 0 : i32
      %dma_wait3A_375 = tpu.memref_slice %arg15[%add3A_32, %dma_wait3A_374] : memref<10240x64xf32, #tpu.memory_space<vmem_shared>> -> memref<160x64xf32, #tpu.memory_space<vmem_shared>>
      %dma_wait3A_376 = arith.constant 0 : i32
      %dma_wait3A_377 = tpu.memref_slice %arg15[%add3A_32, %dma_wait3A_376] : memref<10240x64xf32, #tpu.memory_space<vmem_shared>> -> memref<160x64xf32, #tpu.memory_space<vmem_shared>>
      %dma_wait3A_378 = arith.constant 0 : i32
      %dma_wait3A_379 = arith.constant 0 : i32
      %dma_wait3A_380 = tpu.memref_slice %arg8[%run_scoped3A_33, %dma_wait3A_378, %dma_wait3A_379] : memref<3x160x64xf32, #tpu.memory_space<vmem>> -> memref<1x160x64xf32, #tpu.memory_space<vmem>>
      %dma_wait3A_381 = tpu.memref_squeeze %dma_wait3A_380 : memref<1x160x64xf32, #tpu.memory_space<vmem>> -> memref<160x64xf32, #tpu.memory_space<vmem>>
      tpu.wait_dma2 semaphore(%run_scoped3A_357 : memref<!tpu.dma_semaphore, #tpu.memory_space<semaphore_mem>>) src(%dma_wait3A_381 : memref<160x64xf32, #tpu.memory_space<vmem>>) dst(%dma_wait3A_377 : memref<160x64xf32, #tpu.memory_space<vmem_shared>>)
      tpu.yield
    }) : () -> ()
    %mul3A_34 = arith.constant 640 : i32
    %mul3A_35 = arith.muli %arg1, %mul3A_34 : i32
    %add3A_36 = arith.constant 320 : i32
    %add3A_37 = arith.addi %mul3A_35, %add3A_36 : i32
    %run_scoped3A_38 = arith.constant 0 : i32
    "tpu.region"() ({
      %run_scoped3A_357 = tpu.sem_alloc : memref<!tpu.dma_semaphore, #tpu.memory_space<semaphore_mem>>
      %dma_start3A_358 = arith.constant 0 : i32
      %dma_start3A_359 = arith.constant 0 : i32
      %dma_start3A_360 = tpu.memref_slice %arg8[%run_scoped3A_38, %dma_start3A_358, %dma_start3A_359] : memref<3x160x64xf32, #tpu.memory_space<vmem>> -> memref<1x160x16xf32, #tpu.memory_space<vmem>>
      %dma_start3A_361 = tpu.memref_squeeze %dma_start3A_360 : memref<1x160x16xf32, #tpu.memory_space<vmem>> -> memref<160x16xf32, #tpu.memory_space<vmem>>
      %dma_start3A_362 = arith.constant 0 : i32
      %dma_start3A_363 = tpu.memref_slice %arg17[%add3A_37, %dma_start3A_362] : memref<10240x16xf32, #tpu.memory_space<vmem_shared>> -> memref<160x16xf32, #tpu.memory_space<vmem_shared>>
      %dma_start3A_364 = arith.constant 0 : i32
      %dma_start3A_365 = tpu.memref_slice %arg17[%add3A_37, %dma_start3A_364] : memref<10240x16xf32, #tpu.memory_space<vmem_shared>> -> memref<160x16xf32, #tpu.memory_space<vmem_shared>>
      %dma_start3A_366 = arith.constant 0 : i32
      %dma_start3A_367 = arith.constant 0 : i32
      %dma_start3A_368 = tpu.memref_slice %arg8[%run_scoped3A_38, %dma_start3A_366, %dma_start3A_367] : memref<3x160x64xf32, #tpu.memory_space<vmem>> -> memref<1x160x16xf32, #tpu.memory_space<vmem>>
      %dma_start3A_369 = tpu.memref_squeeze %dma_start3A_368 : memref<1x160x16xf32, #tpu.memory_space<vmem>> -> memref<160x16xf32, #tpu.memory_space<vmem>>
      tpu.enqueue_dma source(%dma_start3A_369 : memref<160x16xf32, #tpu.memory_space<vmem>>) target(%dma_start3A_365 : memref<160x16xf32, #tpu.memory_space<vmem_shared>>) target_semaphore(%run_scoped3A_357 : memref<!tpu.dma_semaphore, #tpu.memory_space<semaphore_mem>>)
      %dma_wait3A_370 = arith.constant 0 : i32
      %dma_wait3A_371 = arith.constant 0 : i32
      %dma_wait3A_372 = tpu.memref_slice %arg8[%run_scoped3A_38, %dma_wait3A_370, %dma_wait3A_371] : memref<3x160x64xf32, #tpu.memory_space<vmem>> -> memref<1x160x16xf32, #tpu.memory_space<vmem>>
      %dma_wait3A_373 = tpu.memref_squeeze %dma_wait3A_372 : memref<1x160x16xf32, #tpu.memory_space<vmem>> -> memref<160x16xf32, #tpu.memory_space<vmem>>
      %dma_wait3A_374 = arith.constant 0 : i32
      %dma_wait3A_375 = tpu.memref_slice %arg17[%add3A_37, %dma_wait3A_374] : memref<10240x16xf32, #tpu.memory_space<vmem_shared>> -> memref<160x16xf32, #tpu.memory_space<vmem_shared>>
      %dma_wait3A_376 = arith.constant 0 : i32
      %dma_wait3A_377 = tpu.memref_slice %arg17[%add3A_37, %dma_wait3A_376] : memref<10240x16xf32, #tpu.memory_space<vmem_shared>> -> memref<160x16xf32, #tpu.memory_space<vmem_shared>>
      %dma_wait3A_378 = arith.constant 0 : i32
      %dma_wait3A_379 = arith.constant 0 : i32
      %dma_wait3A_380 = tpu.memref_slice %arg8[%run_scoped3A_38, %dma_wait3A_378, %dma_wait3A_379] : memref<3x160x64xf32, #tpu.memory_space<vmem>> -> memref<1x160x16xf32, #tpu.memory_space<vmem>>
      %dma_wait3A_381 = tpu.memref_squeeze %dma_wait3A_380 : memref<1x160x16xf32, #tpu.memory_space<vmem>> -> memref<160x16xf32, #tpu.memory_space<vmem>>
      tpu.wait_dma2 semaphore(%run_scoped3A_357 : memref<!tpu.dma_semaphore, #tpu.memory_space<semaphore_mem>>) src(%dma_wait3A_381 : memref<160x16xf32, #tpu.memory_space<vmem>>) dst(%dma_wait3A_377 : memref<160x16xf32, #tpu.memory_space<vmem_shared>>)
      tpu.yield
    }) : () -> ()
    %mul3A_39 = arith.constant 640 : i32
    %mul3A_40 = arith.muli %arg1, %mul3A_39 : i32
    %add3A_41 = arith.constant 480 : i32
    %add3A_42 = arith.addi %mul3A_40, %add3A_41 : i32
    %run_scoped3A_43 = arith.constant 0 : i32
    "tpu.region"() ({
      %run_scoped3A_357 = tpu.sem_alloc : memref<!tpu.dma_semaphore, #tpu.memory_space<semaphore_mem>>
      %dma_start3A_358 = arith.constant 0 : i32
      %dma_start3A_359 = arith.constant 0 : i32
      %dma_start3A_360 = tpu.memref_slice %arg8[%run_scoped3A_43, %dma_start3A_358, %dma_start3A_359] : memref<3x160x64xf32, #tpu.memory_space<vmem>> -> memref<1x160x64xf32, #tpu.memory_space<vmem>>
      %dma_start3A_361 = tpu.memref_squeeze %dma_start3A_360 : memref<1x160x64xf32, #tpu.memory_space<vmem>> -> memref<160x64xf32, #tpu.memory_space<vmem>>
      %dma_start3A_362 = arith.constant 0 : i32
      %dma_start3A_363 = tpu.memref_slice %arg15[%add3A_42, %dma_start3A_362] : memref<10240x64xf32, #tpu.memory_space<vmem_shared>> -> memref<160x64xf32, #tpu.memory_space<vmem_shared>>
      %dma_start3A_364 = arith.constant 0 : i32
      %dma_start3A_365 = tpu.memref_slice %arg15[%add3A_42, %dma_start3A_364] : memref<10240x64xf32, #tpu.memory_space<vmem_shared>> -> memref<160x64xf32, #tpu.memory_space<vmem_shared>>
      %dma_start3A_366 = arith.constant 0 : i32
      %dma_start3A_367 = arith.constant 0 : i32
      %dma_start3A_368 = tpu.memref_slice %arg8[%run_scoped3A_43, %dma_start3A_366, %dma_start3A_367] : memref<3x160x64xf32, #tpu.memory_space<vmem>> -> memref<1x160x64xf32, #tpu.memory_space<vmem>>
      %dma_start3A_369 = tpu.memref_squeeze %dma_start3A_368 : memref<1x160x64xf32, #tpu.memory_space<vmem>> -> memref<160x64xf32, #tpu.memory_space<vmem>>
      tpu.enqueue_dma source(%dma_start3A_369 : memref<160x64xf32, #tpu.memory_space<vmem>>) target(%dma_start3A_365 : memref<160x64xf32, #tpu.memory_space<vmem_shared>>) target_semaphore(%run_scoped3A_357 : memref<!tpu.dma_semaphore, #tpu.memory_space<semaphore_mem>>)
      %dma_wait3A_370 = arith.constant 0 : i32
      %dma_wait3A_371 = arith.constant 0 : i32
      %dma_wait3A_372 = tpu.memref_slice %arg8[%run_scoped3A_43, %dma_wait3A_370, %dma_wait3A_371] : memref<3x160x64xf32, #tpu.memory_space<vmem>> -> memref<1x160x64xf32, #tpu.memory_space<vmem>>
      %dma_wait3A_373 = tpu.memref_squeeze %dma_wait3A_372 : memref<1x160x64xf32, #tpu.memory_space<vmem>> -> memref<160x64xf32, #tpu.memory_space<vmem>>
      %dma_wait3A_374 = arith.constant 0 : i32
      %dma_wait3A_375 = tpu.memref_slice %arg15[%add3A_42, %dma_wait3A_374] : memref<10240x64xf32, #tpu.memory_space<vmem_shared>> -> memref<160x64xf32, #tpu.memory_space<vmem_shared>>
      %dma_wait3A_376 = arith.constant 0 : i32
      %dma_wait3A_377 = tpu.memref_slice %arg15[%add3A_42, %dma_wait3A_376] : memref<10240x64xf32, #tpu.memory_space<vmem_shared>> -> memref<160x64xf32, #tpu.memory_space<vmem_shared>>
      %dma_wait3A_378 = arith.constant 0 : i32
      %dma_wait3A_379 = arith.constant 0 : i32
      %dma_wait3A_380 = tpu.memref_slice %arg8[%run_scoped3A_43, %dma_wait3A_378, %dma_wait3A_379] : memref<3x160x64xf32, #tpu.memory_space<vmem>> -> memref<1x160x64xf32, #tpu.memory_space<vmem>>
      %dma_wait3A_381 = tpu.memref_squeeze %dma_wait3A_380 : memref<1x160x64xf32, #tpu.memory_space<vmem>> -> memref<160x64xf32, #tpu.memory_space<vmem>>
      tpu.wait_dma2 semaphore(%run_scoped3A_357 : memref<!tpu.dma_semaphore, #tpu.memory_space<semaphore_mem>>) src(%dma_wait3A_381 : memref<160x64xf32, #tpu.memory_space<vmem>>) dst(%dma_wait3A_377 : memref<160x64xf32, #tpu.memory_space<vmem_shared>>)
      tpu.yield
    }) : () -> ()
    %mul3A_44 = arith.constant 640 : i32
    %mul3A_45 = arith.muli %arg1, %mul3A_44 : i32
    %add3A_46 = arith.constant 480 : i32
    %add3A_47 = arith.addi %mul3A_45, %add3A_46 : i32
    %run_scoped3A_48 = arith.constant 0 : i32
    "tpu.region"() ({
      %run_scoped3A_357 = tpu.sem_alloc : memref<!tpu.dma_semaphore, #tpu.memory_space<semaphore_mem>>
      %dma_start3A_358 = arith.constant 0 : i32
      %dma_start3A_359 = arith.constant 0 : i32
      %dma_start3A_360 = tpu.memref_slice %arg8[%run_scoped3A_48, %dma_start3A_358, %dma_start3A_359] : memref<3x160x64xf32, #tpu.memory_space<vmem>> -> memref<1x160x16xf32, #tpu.memory_space<vmem>>
      %dma_start3A_361 = tpu.memref_squeeze %dma_start3A_360 : memref<1x160x16xf32, #tpu.memory_space<vmem>> -> memref<160x16xf32, #tpu.memory_space<vmem>>
      %dma_start3A_362 = arith.constant 0 : i32
      %dma_start3A_363 = tpu.memref_slice %arg17[%add3A_47, %dma_start3A_362] : memref<10240x16xf32, #tpu.memory_space<vmem_shared>> -> memref<160x16xf32, #tpu.memory_space<vmem_shared>>
      %dma_start3A_364 = arith.constant 0 : i32
      %dma_start3A_365 = tpu.memref_slice %arg17[%add3A_47, %dma_start3A_364] : memref<10240x16xf32, #tpu.memory_space<vmem_shared>> -> memref<160x16xf32, #tpu.memory_space<vmem_shared>>
      %dma_start3A_366 = arith.constant 0 : i32
      %dma_start3A_367 = arith.constant 0 : i32
      %dma_start3A_368 = tpu.memref_slice %arg8[%run_scoped3A_48, %dma_start3A_366, %dma_start3A_367] : memref<3x160x64xf32, #tpu.memory_space<vmem>> -> memref<1x160x16xf32, #tpu.memory_space<vmem>>
      %dma_start3A_369 = tpu.memref_squeeze %dma_start3A_368 : memref<1x160x16xf32, #tpu.memory_space<vmem>> -> memref<160x16xf32, #tpu.memory_space<vmem>>
      tpu.enqueue_dma source(%dma_start3A_369 : memref<160x16xf32, #tpu.memory_space<vmem>>) target(%dma_start3A_365 : memref<160x16xf32, #tpu.memory_space<vmem_shared>>) target_semaphore(%run_scoped3A_357 : memref<!tpu.dma_semaphore, #tpu.memory_space<semaphore_mem>>)
      %dma_wait3A_370 = arith.constant 0 : i32
      %dma_wait3A_371 = arith.constant 0 : i32
      %dma_wait3A_372 = tpu.memref_slice %arg8[%run_scoped3A_48, %dma_wait3A_370, %dma_wait3A_371] : memref<3x160x64xf32, #tpu.memory_space<vmem>> -> memref<1x160x16xf32, #tpu.memory_space<vmem>>
      %dma_wait3A_373 = tpu.memref_squeeze %dma_wait3A_372 : memref<1x160x16xf32, #tpu.memory_space<vmem>> -> memref<160x16xf32, #tpu.memory_space<vmem>>
      %dma_wait3A_374 = arith.constant 0 : i32
      %dma_wait3A_375 = tpu.memref_slice %arg17[%add3A_47, %dma_wait3A_374] : memref<10240x16xf32, #tpu.memory_space<vmem_shared>> -> memref<160x16xf32, #tpu.memory_space<vmem_shared>>
      %dma_wait3A_376 = arith.constant 0 : i32
      %dma_wait3A_377 = tpu.memref_slice %arg17[%add3A_47, %dma_wait3A_376] : memref<10240x16xf32, #tpu.memory_space<vmem_shared>> -> memref<160x16xf32, #tpu.memory_space<vmem_shared>>
      %dma_wait3A_378 = arith.constant 0 : i32
      %dma_wait3A_379 = arith.constant 0 : i32
      %dma_wait3A_380 = tpu.memref_slice %arg8[%run_scoped3A_48, %dma_wait3A_378, %dma_wait3A_379] : memref<3x160x64xf32, #tpu.memory_space<vmem>> -> memref<1x160x16xf32, #tpu.memory_space<vmem>>
      %dma_wait3A_381 = tpu.memref_squeeze %dma_wait3A_380 : memref<1x160x16xf32, #tpu.memory_space<vmem>> -> memref<160x16xf32, #tpu.memory_space<vmem>>
      tpu.wait_dma2 semaphore(%run_scoped3A_357 : memref<!tpu.dma_semaphore, #tpu.memory_space<semaphore_mem>>) src(%dma_wait3A_381 : memref<160x16xf32, #tpu.memory_space<vmem>>) dst(%dma_wait3A_377 : memref<160x16xf32, #tpu.memory_space<vmem_shared>>)
      tpu.yield
    }) : () -> ()
    %barrier3A = arith.constant 0 : index
    tpu.barrier barrier_id(%barrier3A)
    %get3A = arith.constant 0 : index
    %get3A_49 = tpu.vector_load %arg6[%get3A] {strides = array<i32>} : memref<20000xi32, #tpu.memory_space<vmem>>, vector<16xi32>,
    %get3A_50 = vector.shape_cast %get3A_49 : vector<16xi32> to vector<16xi32>
    %add3A_51 = arith.addi %get3A_50, %get3A_50 : vector<16xi32>
    %add3A_52 = vector.broadcast %arg0 : i32 to vector<16xi32>
    %add3A_53 = arith.addi %add3A_51, %add3A_52 : vector<16xi32>
    %swap3A = arith.constant 0 : i32
    %swap3A_54 = arith.index_cast %swap3A : i32 to index
    %swap3A_55 = arith.constant 0 : index
    %swap3A_56 = tpu.vector_load %arg9[%swap3A_54, %swap3A_55] {strides = array<i32>} : memref<3x160xi32, #tpu.memory_space<vmem>>, vector<1x16xi32>,
    %swap3A_57 = vector.shape_cast %swap3A_56 : vector<1x16xi32> to vector<16xi32>
    %swap3A_58 = vector.shape_cast %add3A_53 : vector<16xi32> to vector<1x16xi32>
    tpu.vector_store %arg9[%swap3A_54, %swap3A_55], %swap3A_58 {strides = array<i32>} : memref<3x160xi32, #tpu.memory_space<vmem>>, vector<1x16xi32>,
    %get3A_59 = arith.constant 16 : index
    %get3A_60 = tpu.vector_load %arg6[%get3A_59] {strides = array<i32>} : memref<20000xi32, #tpu.memory_space<vmem>>, vector<16xi32>,
    %get3A_61 = vector.shape_cast %get3A_60 : vector<16xi32> to vector<16xi32>
    %add3A_62 = arith.addi %get3A_61, %get3A_61 : vector<16xi32>
    %add3A_63 = vector.broadcast %arg0 : i32 to vector<16xi32>
    %add3A_64 = arith.addi %add3A_62, %add3A_63 : vector<16xi32>
    %swap3A_65 = arith.constant 0 : i32
    %swap3A_66 = arith.index_cast %swap3A_65 : i32 to index
    %swap3A_67 = arith.constant 16 : index
    %swap3A_68 = tpu.vector_load %arg9[%swap3A_66, %swap3A_67] {strides = array<i32>} : memref<3x160xi32, #tpu.memory_space<vmem>>, vector<1x16xi32>,
    %swap3A_69 = vector.shape_cast %swap3A_68 : vector<1x16xi32> to vector<16xi32>
    %swap3A_70 = vector.shape_cast %add3A_64 : vector<16xi32> to vector<1x16xi32>
    tpu.vector_store %arg9[%swap3A_66, %swap3A_67], %swap3A_70 {strides = array<i32>} : memref<3x160xi32, #tpu.memory_space<vmem>>, vector<1x16xi32>,
    %get3A_71 = arith.constant 32 : index
    %get3A_72 = tpu.vector_load %arg6[%get3A_71] {strides = array<i32>} : memref<20000xi32, #tpu.memory_space<vmem>>, vector<16xi32>,
    %get3A_73 = vector.shape_cast %get3A_72 : vector<16xi32> to vector<16xi32>
    %add3A_74 = arith.addi %get3A_73, %get3A_73 : vector<16xi32>
    %add3A_75 = vector.broadcast %arg0 : i32 to vector<16xi32>
    %add3A_76 = arith.addi %add3A_74, %add3A_75 : vector<16xi32>
    %swap3A_77 = arith.constant 0 : i32
    %swap3A_78 = arith.index_cast %swap3A_77 : i32 to index
    %swap3A_79 = arith.constant 32 : index
    %swap3A_80 = tpu.vector_load %arg9[%swap3A_78, %swap3A_79] {strides = array<i32>} : memref<3x160xi32, #tpu.memory_space<vmem>>, vector<1x16xi32>,
    %swap3A_81 = vector.shape_cast %swap3A_80 : vector<1x16xi32> to vector<16xi32>
    %swap3A_82 = vector.shape_cast %add3A_76 : vector<16xi32> to vector<1x16xi32>
    tpu.vector_store %arg9[%swap3A_78, %swap3A_79], %swap3A_82 {strides = array<i32>} : memref<3x160xi32, #tpu.memory_space<vmem>>, vector<1x16xi32>,
    %get3A_83 = arith.constant 48 : index
    %get3A_84 = tpu.vector_load %arg6[%get3A_83] {strides = array<i32>} : memref<20000xi32, #tpu.memory_space<vmem>>, vector<16xi32>,
    %get3A_85 = vector.shape_cast %get3A_84 : vector<16xi32> to vector<16xi32>
    %add3A_86 = arith.addi %get3A_85, %get3A_85 : vector<16xi32>
    %add3A_87 = vector.broadcast %arg0 : i32 to vector<16xi32>
    %add3A_88 = arith.addi %add3A_86, %add3A_87 : vector<16xi32>
    %swap3A_89 = arith.constant 0 : i32
    %swap3A_90 = arith.index_cast %swap3A_89 : i32 to index
    %swap3A_91 = arith.constant 48 : index
    %swap3A_92 = tpu.vector_load %arg9[%swap3A_90, %swap3A_91] {strides = array<i32>} : memref<3x160xi32, #tpu.memory_space<vmem>>, vector<1x16xi32>,
    %swap3A_93 = vector.shape_cast %swap3A_92 : vector<1x16xi32> to vector<16xi32>
    %swap3A_94 = vector.shape_cast %add3A_88 : vector<16xi32> to vector<1x16xi32>
    tpu.vector_store %arg9[%swap3A_90, %swap3A_91], %swap3A_94 {strides = array<i32>} : memref<3x160xi32, #tpu.memory_space<vmem>>, vector<1x16xi32>,
    %get3A_95 = arith.constant 64 : index
    %get3A_96 = tpu.vector_load %arg6[%get3A_95] {strides = array<i32>} : memref<20000xi32, #tpu.memory_space<vmem>>, vector<16xi32>,
    %get3A_97 = vector.shape_cast %get3A_96 : vector<16xi32> to vector<16xi32>
    %add3A_98 = arith.addi %get3A_97, %get3A_97 : vector<16xi32>
    %add3A_99 = vector.broadcast %arg0 : i32 to vector<16xi32>
    %add3A_100 = arith.addi %add3A_98, %add3A_99 : vector<16xi32>
    %swap3A_101 = arith.constant 0 : i32
    %swap3A_102 = arith.index_cast %swap3A_101 : i32 to index
    %swap3A_103 = arith.constant 64 : index
    %swap3A_104 = tpu.vector_load %arg9[%swap3A_102, %swap3A_103] {strides = array<i32>} : memref<3x160xi32, #tpu.memory_space<vmem>>, vector<1x16xi32>,
    %swap3A_105 = vector.shape_cast %swap3A_104 : vector<1x16xi32> to vector<16xi32>
    %swap3A_106 = vector.shape_cast %add3A_100 : vector<16xi32> to vector<1x16xi32>
    tpu.vector_store %arg9[%swap3A_102, %swap3A_103], %swap3A_106 {strides = array<i32>} : memref<3x160xi32, #tpu.memory_space<vmem>>, vector<1x16xi32>,
    %get3A_107 = arith.constant 80 : index
    %get3A_108 = tpu.vector_load %arg6[%get3A_107] {strides = array<i32>} : memref<20000xi32, #tpu.memory_space<vmem>>, vector<16xi32>,
    %get3A_109 = vector.shape_cast %get3A_108 : vector<16xi32> to vector<16xi32>
    %add3A_110 = arith.addi %get3A_109, %get3A_109 : vector<16xi32>
    %add3A_111 = vector.broadcast %arg0 : i32 to vector<16xi32>
    %add3A_112 = arith.addi %add3A_110, %add3A_111 : vector<16xi32>
    %swap3A_113 = arith.constant 0 : i32
    %swap3A_114 = arith.index_cast %swap3A_113 : i32 to index
    %swap3A_115 = arith.constant 80 : index
    %swap3A_116 = tpu.vector_load %arg9[%swap3A_114, %swap3A_115] {strides = array<i32>} : memref<3x160xi32, #tpu.memory_space<vmem>>, vector<1x16xi32>,
    %swap3A_117 = vector.shape_cast %swap3A_116 : vector<1x16xi32> to vector<16xi32>
    %swap3A_118 = vector.shape_cast %add3A_112 : vector<16xi32> to vector<1x16xi32>
    tpu.vector_store %arg9[%swap3A_114, %swap3A_115], %swap3A_118 {strides = array<i32>} : memref<3x160xi32, #tpu.memory_space<vmem>>, vector<1x16xi32>,
    %get3A_119 = arith.constant 96 : index
    %get3A_120 = tpu.vector_load %arg6[%get3A_119] {strides = array<i32>} : memref<20000xi32, #tpu.memory_space<vmem>>, vector<16xi32>,
    %get3A_121 = vector.shape_cast %get3A_120 : vector<16xi32> to vector<16xi32>
    %add3A_122 = arith.addi %get3A_121, %get3A_121 : vector<16xi32>
    %add3A_123 = vector.broadcast %arg0 : i32 to vector<16xi32>
    %add3A_124 = arith.addi %add3A_122, %add3A_123 : vector<16xi32>
    %swap3A_125 = arith.constant 0 : i32
    %swap3A_126 = arith.index_cast %swap3A_125 : i32 to index
    %swap3A_127 = arith.constant 96 : index
    %swap3A_128 = tpu.vector_load %arg9[%swap3A_126, %swap3A_127] {strides = array<i32>} : memref<3x160xi32, #tpu.memory_space<vmem>>, vector<1x16xi32>,
    %swap3A_129 = vector.shape_cast %swap3A_128 : vector<1x16xi32> to vector<16xi32>
    %swap3A_130 = vector.shape_cast %add3A_124 : vector<16xi32> to vector<1x16xi32>
    tpu.vector_store %arg9[%swap3A_126, %swap3A_127], %swap3A_130 {strides = array<i32>} : memref<3x160xi32, #tpu.memory_space<vmem>>, vector<1x16xi32>,
    %get3A_131 = arith.constant 112 : index
    %get3A_132 = tpu.vector_load %arg6[%get3A_131] {strides = array<i32>} : memref<20000xi32, #tpu.memory_space<vmem>>, vector<16xi32>,
    %get3A_133 = vector.shape_cast %get3A_132 : vector<16xi32> to vector<16xi32>
    %add3A_134 = arith.addi %get3A_133, %get3A_133 : vector<16xi32>
    %add3A_135 = vector.broadcast %arg0 : i32 to vector<16xi32>
    %add3A_136 = arith.addi %add3A_134, %add3A_135 : vector<16xi32>
    %swap3A_137 = arith.constant 0 : i32
    %swap3A_138 = arith.index_cast %swap3A_137 : i32 to index
    %swap3A_139 = arith.constant 112 : index
    %swap3A_140 = tpu.vector_load %arg9[%swap3A_138, %swap3A_139] {strides = array<i32>} : memref<3x160xi32, #tpu.memory_space<vmem>>, vector<1x16xi32>,
    %swap3A_141 = vector.shape_cast %swap3A_140 : vector<1x16xi32> to vector<16xi32>
    %swap3A_142 = vector.shape_cast %add3A_136 : vector<16xi32> to vector<1x16xi32>
    tpu.vector_store %arg9[%swap3A_138, %swap3A_139], %swap3A_142 {strides = array<i32>} : memref<3x160xi32, #tpu.memory_space<vmem>>, vector<1x16xi32>,
    %get3A_143 = arith.constant 128 : index
    %get3A_144 = tpu.vector_load %arg6[%get3A_143] {strides = array<i32>} : memref<20000xi32, #tpu.memory_space<vmem>>, vector<16xi32>,
    %get3A_145 = vector.shape_cast %get3A_144 : vector<16xi32> to vector<16xi32>
    %add3A_146 = arith.addi %get3A_145, %get3A_145 : vector<16xi32>
    %add3A_147 = vector.broadcast %arg0 : i32 to vector<16xi32>
    %add3A_148 = arith.addi %add3A_146, %add3A_147 : vector<16xi32>
    %swap3A_149 = arith.constant 0 : i32
    %swap3A_150 = arith.index_cast %swap3A_149 : i32 to index
    %swap3A_151 = arith.constant 128 : index
    %swap3A_152 = tpu.vector_load %arg9[%swap3A_150, %swap3A_151] {strides = array<i32>} : memref<3x160xi32, #tpu.memory_space<vmem>>, vector<1x16xi32>,
    %swap3A_153 = vector.shape_cast %swap3A_152 : vector<1x16xi32> to vector<16xi32>
    %swap3A_154 = vector.shape_cast %add3A_148 : vector<16xi32> to vector<1x16xi32>
    tpu.vector_store %arg9[%swap3A_150, %swap3A_151], %swap3A_154 {strides = array<i32>} : memref<3x160xi32, #tpu.memory_space<vmem>>, vector<1x16xi32>,
    %get3A_155 = arith.constant 144 : index
    %get3A_156 = tpu.vector_load %arg6[%get3A_155] {strides = array<i32>} : memref<20000xi32, #tpu.memory_space<vmem>>, vector<16xi32>,
    %get3A_157 = vector.shape_cast %get3A_156 : vector<16xi32> to vector<16xi32>
    %add3A_158 = arith.addi %get3A_157, %get3A_157 : vector<16xi32>
    %add3A_159 = vector.broadcast %arg0 : i32 to vector<16xi32>
    %add3A_160 = arith.addi %add3A_158, %add3A_159 : vector<16xi32>
    %swap3A_161 = arith.constant 0 : i32
    %swap3A_162 = arith.index_cast %swap3A_161 : i32 to index
    %swap3A_163 = arith.constant 144 : index
    %swap3A_164 = tpu.vector_load %arg9[%swap3A_162, %swap3A_163] {strides = array<i32>} : memref<3x160xi32, #tpu.memory_space<vmem>>, vector<1x16xi32>,
    %swap3A_165 = vector.shape_cast %swap3A_164 : vector<1x16xi32> to vector<16xi32>
    %swap3A_166 = vector.shape_cast %add3A_160 : vector<16xi32> to vector<1x16xi32>
    tpu.vector_store %arg9[%swap3A_162, %swap3A_163], %swap3A_166 {strides = array<i32>} : memref<3x160xi32, #tpu.memory_space<vmem>>, vector<1x16xi32>,
    %dma_start3A = arith.constant 0 : i32
    %dma_start3A_167 = arith.constant 0 : i32
    %dma_start3A_168 = arith.constant 0 : i32
    %dma_start3A_169 = arith.constant 0 : i32
    %dma_start3A_170 = arith.constant 0 : i32
    %dma_start3A_171 = tpu.memref_slice %arg8[%dma_start3A_167, %dma_start3A_169, %dma_start3A_170] : memref<3x160x64xf32, #tpu.memory_space<vmem>> -> memref<1x160x64xf32, #tpu.memory_space<vmem>>
    %dma_start3A_172 = tpu.memref_squeeze %dma_start3A_171 : memref<1x160x64xf32, #tpu.memory_space<vmem>> -> memref<160x64xf32, #tpu.memory_space<vmem>>
    %dma_start3A_173 = arith.constant 0 : i32
    %dma_start3A_174 = tpu.memref_slice %arg9[%dma_start3A, %dma_start3A_173] : memref<3x160xi32, #tpu.memory_space<vmem>> -> memref<1x160xi32, #tpu.memory_space<vmem>>
    %dma_start3A_175 = tpu.memref_squeeze %dma_start3A_174 : memref<1x160xi32, #tpu.memory_space<vmem>> -> memref<160xi32, #tpu.memory_space<vmem>>
    %dma_start3A_176 = arith.constant 0 : i32
    %dma_start3A_177 = arith.constant 0 : i32
    %dma_start3A_178 = tpu.memref_slice %arg3[%dma_start3A_176, %dma_start3A_177] : memref<20480x64xf32, #tpu.memory_space<hbm>> -> memref<20480x64xf32, #tpu.memory_space<hbm>>
    %dma_start3A_179 = tpu.memref_slice %arg12[%dma_start3A_168] : memref<3x!tpu.dma_semaphore, #tpu.memory_space<semaphore_mem>> -> memref<1x!tpu.dma_semaphore, #tpu.memory_space<semaphore_mem>>
    %dma_start3A_180 = tpu.memref_squeeze %dma_start3A_179 : memref<1x!tpu.dma_semaphore, #tpu.memory_space<semaphore_mem>> -> memref<!tpu.dma_semaphore, #tpu.memory_space<semaphore_mem>>
    tpu.enqueue_indirect_dma source(%dma_start3A_178 : memref<20480x64xf32, #tpu.memory_space<hbm>>) target(%dma_start3A_172 : memref<160x64xf32, #tpu.memory_space<vmem>>) offsets(%dma_start3A_175 : memref<160xi32, #tpu.memory_space<vmem>>) semaphore(%dma_start3A_180 : memref<!tpu.dma_semaphore, #tpu.memory_space<semaphore_mem>>)
    %get3A_181 = arith.constant 160 : index
    %get3A_182 = tpu.vector_load %arg6[%get3A_181] {strides = array<i32>} : memref<20000xi32, #tpu.memory_space<vmem>>, vector<16xi32>,
    %get3A_183 = vector.shape_cast %get3A_182 : vector<16xi32> to vector<16xi32>
    %add3A_184 = arith.addi %get3A_183, %get3A_183 : vector<16xi32>
    %add3A_185 = vector.broadcast %arg0 : i32 to vector<16xi32>
    %add3A_186 = arith.addi %add3A_184, %add3A_185 : vector<16xi32>
    %swap3A_187 = arith.constant 1 : i32
    %swap3A_188 = arith.index_cast %swap3A_187 : i32 to index
    %swap3A_189 = arith.constant 0 : index
    %swap3A_190 = tpu.vector_load %arg9[%swap3A_188, %swap3A_189] {strides = array<i32>} : memref<3x160xi32, #tpu.memory_space<vmem>>, vector<1x16xi32>,
    %swap3A_191 = vector.shape_cast %swap3A_190 : vector<1x16xi32> to vector<16xi32>
    %swap3A_192 = vector.shape_cast %add3A_186 : vector<16xi32> to vector<1x16xi32>
    tpu.vector_store %arg9[%swap3A_188, %swap3A_189], %swap3A_192 {strides = array<i32>} : memref<3x160xi32, #tpu.memory_space<vmem>>, vector<1x16xi32>,
    %get3A_193 = arith.constant 176 : index
    %get3A_194 = tpu.vector_load %arg6[%get3A_193] {strides = array<i32>} : memref<20000xi32, #tpu.memory_space<vmem>>, vector<16xi32>,
    %get3A_195 = vector.shape_cast %get3A_194 : vector<16xi32> to vector<16xi32>
    %add3A_196 = arith.addi %get3A_195, %get3A_195 : vector<16xi32>
    %add3A_197 = vector.broadcast %arg0 : i32 to vector<16xi32>
    %add3A_198 = arith.addi %add3A_196, %add3A_197 : vector<16xi32>
    %swap3A_199 = arith.constant 1 : i32
    %swap3A_200 = arith.index_cast %swap3A_199 : i32 to index
    %swap3A_201 = arith.constant 16 : index
    %swap3A_202 = tpu.vector_load %arg9[%swap3A_200, %swap3A_201] {strides = array<i32>} : memref<3x160xi32, #tpu.memory_space<vmem>>, vector<1x16xi32>,
    %swap3A_203 = vector.shape_cast %swap3A_202 : vector<1x16xi32> to vector<16xi32>
    %swap3A_204 = vector.shape_cast %add3A_198 : vector<16xi32> to vector<1x16xi32>
    tpu.vector_store %arg9[%swap3A_200, %swap3A_201], %swap3A_204 {strides = array<i32>} : memref<3x160xi32, #tpu.memory_space<vmem>>, vector<1x16xi32>,
    %get3A_205 = arith.constant 192 : index
    %get3A_206 = tpu.vector_load %arg6[%get3A_205] {strides = array<i32>} : memref<20000xi32, #tpu.memory_space<vmem>>, vector<16xi32>,
    %get3A_207 = vector.shape_cast %get3A_206 : vector<16xi32> to vector<16xi32>
    %add3A_208 = arith.addi %get3A_207, %get3A_207 : vector<16xi32>
    %add3A_209 = vector.broadcast %arg0 : i32 to vector<16xi32>
    %add3A_210 = arith.addi %add3A_208, %add3A_209 : vector<16xi32>
    %swap3A_211 = arith.constant 1 : i32
    %swap3A_212 = arith.index_cast %swap3A_211 : i32 to index
    %swap3A_213 = arith.constant 32 : index
    %swap3A_214 = tpu.vector_load %arg9[%swap3A_212, %swap3A_213] {strides = array<i32>} : memref<3x160xi32, #tpu.memory_space<vmem>>, vector<1x16xi32>,
    %swap3A_215 = vector.shape_cast %swap3A_214 : vector<1x16xi32> to vector<16xi32>
    %swap3A_216 = vector.shape_cast %add3A_210 : vector<16xi32> to vector<1x16xi32>
    tpu.vector_store %arg9[%swap3A_212, %swap3A_213], %swap3A_216 {strides = array<i32>} : memref<3x160xi32, #tpu.memory_space<vmem>>, vector<1x16xi32>,
    %get3A_217 = arith.constant 208 : index
    %get3A_218 = tpu.vector_load %arg6[%get3A_217] {strides = array<i32>} : memref<20000xi32, #tpu.memory_space<vmem>>, vector<16xi32>,
    %get3A_219 = vector.shape_cast %get3A_218 : vector<16xi32> to vector<16xi32>
    %add3A_220 = arith.addi %get3A_219, %get3A_219 : vector<16xi32>
    %add3A_221 = vector.broadcast %arg0 : i32 to vector<16xi32>
    %add3A_222 = arith.addi %add3A_220, %add3A_221 : vector<16xi32>
    %swap3A_223 = arith.constant 1 : i32
    %swap3A_224 = arith.index_cast %swap3A_223 : i32 to index
    %swap3A_225 = arith.constant 48 : index
    %swap3A_226 = tpu.vector_load %arg9[%swap3A_224, %swap3A_225] {strides = array<i32>} : memref<3x160xi32, #tpu.memory_space<vmem>>, vector<1x16xi32>,
    %swap3A_227 = vector.shape_cast %swap3A_226 : vector<1x16xi32> to vector<16xi32>
    %swap3A_228 = vector.shape_cast %add3A_222 : vector<16xi32> to vector<1x16xi32>
    tpu.vector_store %arg9[%swap3A_224, %swap3A_225], %swap3A_228 {strides = array<i32>} : memref<3x160xi32, #tpu.memory_space<vmem>>, vector<1x16xi32>,
    %get3A_229 = arith.constant 224 : index
    %get3A_230 = tpu.vector_load %arg6[%get3A_229] {strides = array<i32>} : memref<20000xi32, #tpu.memory_space<vmem>>, vector<16xi32>,
    %get3A_231 = vector.shape_cast %get3A_230 : vector<16xi32> to vector<16xi32>
    %add3A_232 = arith.addi %get3A_231, %get3A_231 : vector<16xi32>
    %add3A_233 = vector.broadcast %arg0 : i32 to vector<16xi32>
    %add3A_234 = arith.addi %add3A_232, %add3A_233 : vector<16xi32>
    %swap3A_235 = arith.constant 1 : i32
    %swap3A_236 = arith.index_cast %swap3A_235 : i32 to index
    %swap3A_237 = arith.constant 64 : index
    %swap3A_238 = tpu.vector_load %arg9[%swap3A_236, %swap3A_237] {strides = array<i32>} : memref<3x160xi32, #tpu.memory_space<vmem>>, vector<1x16xi32>,
    %swap3A_239 = vector.shape_cast %swap3A_238 : vector<1x16xi32> to vector<16xi32>
    %swap3A_240 = vector.shape_cast %add3A_234 : vector<16xi32> to vector<1x16xi32>
    tpu.vector_store %arg9[%swap3A_236, %swap3A_237], %swap3A_240 {strides = array<i32>} : memref<3x160xi32, #tpu.memory_space<vmem>>, vector<1x16xi32>,
    %get3A_241 = arith.constant 240 : index
    %get3A_242 = tpu.vector_load %arg6[%get3A_241] {strides = array<i32>} : memref<20000xi32, #tpu.memory_space<vmem>>, vector<16xi32>,
    %get3A_243 = vector.shape_cast %get3A_242 : vector<16xi32> to vector<16xi32>
    %add3A_244 = arith.addi %get3A_243, %get3A_243 : vector<16xi32>
    %add3A_245 = vector.broadcast %arg0 : i32 to vector<16xi32>
    %add3A_246 = arith.addi %add3A_244, %add3A_245 : vector<16xi32>
    %swap3A_247 = arith.constant 1 : i32
    %swap3A_248 = arith.index_cast %swap3A_247 : i32 to index
    %swap3A_249 = arith.constant 80 : index
    %swap3A_250 = tpu.vector_load %arg9[%swap3A_248, %swap3A_249] {strides = array<i32>} : memref<3x160xi32, #tpu.memory_space<vmem>>, vector<1x16xi32>,
    %swap3A_251 = vector.shape_cast %swap3A_250 : vector<1x16xi32> to vector<16xi32>
    %swap3A_252 = vector.shape_cast %add3A_246 : vector<16xi32> to vector<1x16xi32>
    tpu.vector_store %arg9[%swap3A_248, %swap3A_249], %swap3A_252 {strides = array<i32>} : memref<3x160xi32, #tpu.memory_space<vmem>>, vector<1x16xi32>,
    %get3A_253 = arith.constant 256 : index
    %get3A_254 = tpu.vector_load %arg6[%get3A_253] {strides = array<i32>} : memref<20000xi32, #tpu.memory_space<vmem>>, vector<16xi32>,
    %get3A_255 = vector.shape_cast %get3A_254 : vector<16xi32> to vector<16xi32>
    %add3A_256 = arith.addi %get3A_255, %get3A_255 : vector<16xi32>
    %add3A_257 = vector.broadcast %arg0 : i32 to vector<16xi32>
    %add3A_258 = arith.addi %add3A_256, %add3A_257 : vector<16xi32>
    %swap3A_259 = arith.constant 1 : i32
    %swap3A_260 = arith.index_cast %swap3A_259 : i32 to index
    %swap3A_261 = arith.constant 96 : index
    %swap3A_262 = tpu.vector_load %arg9[%swap3A_260, %swap3A_261] {strides = array<i32>} : memref<3x160xi32, #tpu.memory_space<vmem>>, vector<1x16xi32>,
    %swap3A_263 = vector.shape_cast %swap3A_262 : vector<1x16xi32> to vector<16xi32>
    %swap3A_264 = vector.shape_cast %add3A_258 : vector<16xi32> to vector<1x16xi32>
    tpu.vector_store %arg9[%swap3A_260, %swap3A_261], %swap3A_264 {strides = array<i32>} : memref<3x160xi32, #tpu.memory_space<vmem>>, vector<1x16xi32>,
    %get3A_265 = arith.constant 272 : index
    %get3A_266 = tpu.vector_load %arg6[%get3A_265] {strides = array<i32>} : memref<20000xi32, #tpu.memory_space<vmem>>, vector<16xi32>,
    %get3A_267 = vector.shape_cast %get3A_266 : vector<16xi32> to vector<16xi32>
    %add3A_268 = arith.addi %get3A_267, %get3A_267 : vector<16xi32>
    %add3A_269 = vector.broadcast %arg0 : i32 to vector<16xi32>
    %add3A_270 = arith.addi %add3A_268, %add3A_269 : vector<16xi32>
    %swap3A_271 = arith.constant 1 : i32
    %swap3A_272 = arith.index_cast %swap3A_271 : i32 to index
    %swap3A_273 = arith.constant 112 : index
    %swap3A_274 = tpu.vector_load %arg9[%swap3A_272, %swap3A_273] {strides = array<i32>} : memref<3x160xi32, #tpu.memory_space<vmem>>, vector<1x16xi32>,
    %swap3A_275 = vector.shape_cast %swap3A_274 : vector<1x16xi32> to vector<16xi32>
    %swap3A_276 = vector.shape_cast %add3A_270 : vector<16xi32> to vector<1x16xi32>
    tpu.vector_store %arg9[%swap3A_272, %swap3A_273], %swap3A_276 {strides = array<i32>} : memref<3x160xi32, #tpu.memory_space<vmem>>, vector<1x16xi32>,
    %get3A_277 = arith.constant 288 : index
    %get3A_278 = tpu.vector_load %arg6[%get3A_277] {strides = array<i32>} : memref<20000xi32, #tpu.memory_space<vmem>>, vector<16xi32>,
    %get3A_279 = vector.shape_cast %get3A_278 : vector<16xi32> to vector<16xi32>
    %add3A_280 = arith.addi %get3A_279, %get3A_279 : vector<16xi32>
    %add3A_281 = vector.broadcast %arg0 : i32 to vector<16xi32>
    %add3A_282 = arith.addi %add3A_280, %add3A_281 : vector<16xi32>
    %swap3A_283 = arith.constant 1 : i32
    %swap3A_284 = arith.index_cast %swap3A_283 : i32 to index
    %swap3A_285 = arith.constant 128 : index
    %swap3A_286 = tpu.vector_load %arg9[%swap3A_284, %swap3A_285] {strides = array<i32>} : memref<3x160xi32, #tpu.memory_space<vmem>>, vector<1x16xi32>,
    %swap3A_287 = vector.shape_cast %swap3A_286 : vector<1x16xi32> to vector<16xi32>
    %swap3A_288 = vector.shape_cast %add3A_282 : vector<16xi32> to vector<1x16xi32>
    tpu.vector_store %arg9[%swap3A_284, %swap3A_285], %swap3A_288 {strides = array<i32>} : memref<3x160xi32, #tpu.memory_space<vmem>>, vector<1x16xi32>,
    %get3A_289 = arith.constant 304 : index
    %get3A_290 = tpu.vector_load %arg6[%get3A_289] {strides = array<i32>} : memref<20000xi32, #tpu.memory_space<vmem>>, vector<16xi32>,
    %get3A_291 = vector.shape_cast %get3A_290 : vector<16xi32> to vector<16xi32>
    %add3A_292 = arith.addi %get3A_291, %get3A_291 : vector<16xi32>
    %add3A_293 = vector.broadcast %arg0 : i32 to vector<16xi32>
    %add3A_294 = arith.addi %add3A_292, %add3A_293 : vector<16xi32>
    %swap3A_295 = arith.constant 1 : i32
    %swap3A_296 = arith.index_cast %swap3A_295 : i32 to index
    %swap3A_297 = arith.constant 144 : index
    %swap3A_298 = tpu.vector_load %arg9[%swap3A_296, %swap3A_297] {strides = array<i32>} : memref<3x160xi32, #tpu.memory_space<vmem>>, vector<1x16xi32>,
    %swap3A_299 = vector.shape_cast %swap3A_298 : vector<1x16xi32> to vector<16xi32>
    %swap3A_300 = vector.shape_cast %add3A_294 : vector<16xi32> to vector<1x16xi32>
    tpu.vector_store %arg9[%swap3A_296, %swap3A_297], %swap3A_300 {strides = array<i32>} : memref<3x160xi32, #tpu.memory_space<vmem>>, vector<1x16xi32>,
    %dma_start3A_301 = arith.constant 1 : i32
    %dma_start3A_302 = arith.constant 1 : i32
    %dma_start3A_303 = arith.constant 1 : i32
    %dma_start3A_304 = arith.constant 0 : i32
    %dma_start3A_305 = arith.constant 0 : i32
    %dma_start3A_306 = tpu.memref_slice %arg8[%dma_start3A_302, %dma_start3A_304, %dma_start3A_305] : memref<3x160x64xf32, #tpu.memory_space<vmem>> -> memref<1x160x64xf32, #tpu.memory_space<vmem>>
    %dma_start3A_307 = tpu.memref_squeeze %dma_start3A_306 : memref<1x160x64xf32, #tpu.memory_space<vmem>> -> memref<160x64xf32, #tpu.memory_space<vmem>>
    %dma_start3A_308 = arith.constant 0 : i32
    %dma_start3A_309 = tpu.memref_slice %arg9[%dma_start3A_301, %dma_start3A_308] : memref<3x160xi32, #tpu.memory_space<vmem>> -> memref<1x160xi32, #tpu.memory_space<vmem>>
    %dma_start3A_310 = tpu.memref_squeeze %dma_start3A_309 : memref<1x160xi32, #tpu.memory_space<vmem>> -> memref<160xi32, #tpu.memory_space<vmem>>
    %dma_start3A_311 = arith.constant 0 : i32
    %dma_start3A_312 = arith.constant 0 : i32
    %dma_start3A_313 = tpu.memref_slice %arg3[%dma_start3A_311, %dma_start3A_312] : memref<20480x64xf32, #tpu.memory_space<hbm>> -> memref<20480x64xf32, #tpu.memory_space<hbm>>
    %dma_start3A_314 = tpu.memref_slice %arg12[%dma_start3A_303] : memref<3x!tpu.dma_semaphore, #tpu.memory_space<semaphore_mem>> -> memref<1x!tpu.dma_semaphore, #tpu.memory_space<semaphore_mem>>
    %dma_start3A_315 = tpu.memref_squeeze %dma_start3A_314 : memref<1x!tpu.dma_semaphore, #tpu.memory_space<semaphore_mem>> -> memref<!tpu.dma_semaphore, #tpu.memory_space<semaphore_mem>>
    tpu.enqueue_indirect_dma source(%dma_start3A_313 : memref<20480x64xf32, #tpu.memory_space<hbm>>) target(%dma_start3A_307 : memref<160x64xf32, #tpu.memory_space<vmem>>) offsets(%dma_start3A_310 : memref<160xi32, #tpu.memory_space<vmem>>) semaphore(%dma_start3A_315 : memref<!tpu.dma_semaphore, #tpu.memory_space<semaphore_mem>>)
    %scan3A_316 = arith.constant 0 : i32
    %scan3A_317 = arith.constant 0 : i32
    %scan3A_318 = arith.constant 125 : i32
    %scan3A_319 = arith.addi %scan3A_317, %scan3A_318 : i32
    %scan3A_320 = arith.constant 1 : i32
    scf.for %scan3A_357 = %scan3A_317 to %scan3A_319 step %scan3A_320  : i32 {
      %rem3A = arith.constant 3 : i32
      %rem3A_358 = arith.remsi %scan3A_357, %rem3A : i32
      %add3A_359 = arith.constant 3 : i32
      %add3A_360 = arith.addi %scan3A_357, %add3A_359 : i32
      %sub3A = arith.constant 1 : i32
      %sub3A_361 = arith.subi %add3A_360, %sub3A : i32
      %rem3A_362 = arith.constant 3 : i32
      %rem3A_363 = arith.remsi %sub3A_361, %rem3A_362 : i32
      %sub3A_364 = arith.constant 1 : i32
      %sub3A_365 = arith.subi %scan3A_357, %sub3A_364 : i32
      %max3A = arith.constant 0 : i32
      %max3A_366 = arith.maxsi %sub3A_365, %max3A : i32
      %gt3A = arith.constant 0 : i32
      %gt3A_367 = arith.cmpi sgt, %scan3A_357, %gt3A : i32
      %convert_element_type3A = arith.extui %gt3A_367 : i1 to i32
      %cond3A = arith.constant 0 : i32
      %cond3A_368 = arith.cmpi ne, %convert_element_type3A, %cond3A : i32
      scf.if %cond3A_368 {
        %mul3A_411 = arith.constant 160 : i32
        %mul3A_412 = arith.muli %max3A_366, %mul3A_411 : i32
        %dma_wait3A_413 = arith.constant 0 : i32
        %dma_wait3A_414 = arith.constant 0 : i32
        %dma_wait3A_415 = tpu.memref_slice %arg8[%rem3A_363, %dma_wait3A_413, %dma_wait3A_414] : memref<3x160x64xf32, #tpu.memory_space<vmem>> -> memref<1x160x64xf32, #tpu.memory_space<vmem>>
        %dma_wait3A_416 = tpu.memref_squeeze %dma_wait3A_415 : memref<1x160x64xf32, #tpu.memory_space<vmem>> -> memref<160x64xf32, #tpu.memory_space<vmem>>
        %dma_wait3A_417 = tpu.memref_slice %arg7[%mul3A_412] : memref<20000xi32, #tpu.memory_space<vmem>> -> memref<160xi32, #tpu.memory_space<vmem>>
        %dma_wait3A_418 = arith.constant 0 : i32
        %dma_wait3A_419 = arith.constant 0 : i32
        %dma_wait3A_420 = tpu.memref_slice %arg15[%dma_wait3A_418, %dma_wait3A_419] : memref<10240x64xf32, #tpu.memory_space<vmem_shared>> -> memref<10240x64xf32, #tpu.memory_space<vmem_shared>>
        %dma_wait3A_421 = tpu.memref_slice %arg13[%rem3A_363] : memref<3x!tpu.dma_semaphore, #tpu.memory_space<semaphore_mem>> -> memref<1x!tpu.dma_semaphore, #tpu.memory_space<semaphore_mem>>
        %dma_wait3A_422 = tpu.memref_squeeze %dma_wait3A_421 : memref<1x!tpu.dma_semaphore, #tpu.memory_space<semaphore_mem>> -> memref<!tpu.dma_semaphore, #tpu.memory_space<semaphore_mem>>
        tpu.wait_indirect_dma semaphore(%dma_wait3A_422 : memref<!tpu.dma_semaphore, #tpu.memory_space<semaphore_mem>>) src(%dma_wait3A_416 : memref<160x64xf32, #tpu.memory_space<vmem>>) dst(%dma_wait3A_420 : memref<10240x64xf32, #tpu.memory_space<vmem_shared>>)
      } else {
      }
      %add3A_369 = arith.constant 3 : i32
      %add3A_370 = arith.addi %scan3A_357, %add3A_369 : i32
      %sub3A_371 = arith.constant 1 : i32
      %sub3A_372 = arith.subi %add3A_370, %sub3A_371 : i32
      %lt3A = arith.constant 125 : i32
      %lt3A_373 = arith.cmpi slt, %sub3A_372, %lt3A : i32
      %convert_element_type3A_374 = arith.extui %lt3A_373 : i1 to i32
      %cond3A_375 = arith.constant 0 : i32
      %cond3A_376 = arith.cmpi ne, %convert_element_type3A_374, %cond3A_375 : i32
      scf.if %cond3A_376 {
        %add3A_411 = arith.constant 3 : i32
        %add3A_412 = arith.addi %scan3A_357, %add3A_411 : i32
        %sub3A_413 = arith.constant 1 : i32
        %sub3A_414 = arith.subi %add3A_412, %sub3A_413 : i32
        %mul3A_415 = arith.constant 160 : i32
        %mul3A_416 = arith.muli %sub3A_414, %mul3A_415 : i32
        %add3A_417 = arith.constant 0 : i32
        %add3A_418 = arith.addi %mul3A_416, %add3A_417 : i32
        %get3A_419 = arith.index_cast %add3A_418 : i32 to index
        %get3A_420 = tpu.vector_load %arg6[%get3A_419] {strides = array<i32>} : memref<20000xi32, #tpu.memory_space<vmem>>, vector<16xi32>,
        %get3A_421 = vector.shape_cast %get3A_420 : vector<16xi32> to vector<16xi32>
        %add3A_422 = arith.addi %get3A_421, %get3A_421 : vector<16xi32>
        %add3A_423 = vector.broadcast %arg0 : i32 to vector<16xi32>
        %add3A_424 = arith.addi %add3A_422, %add3A_423 : vector<16xi32>
        %swap3A_425 = arith.index_cast %rem3A_363 : i32 to index
        %swap3A_426 = arith.constant 0 : index
        %swap3A_427 = tpu.vector_load %arg9[%swap3A_425, %swap3A_426] {strides = array<i32>} : memref<3x160xi32, #tpu.memory_space<vmem>>, vector<1x16xi32>,
        %swap3A_428 = vector.shape_cast %swap3A_427 : vector<1x16xi32> to vector<16xi32>
        %swap3A_429 = vector.shape_cast %add3A_424 : vector<16xi32> to vector<1x16xi32>
        tpu.vector_store %arg9[%swap3A_425, %swap3A_426], %swap3A_429 {strides = array<i32>} : memref<3x160xi32, #tpu.memory_space<vmem>>, vector<1x16xi32>,
        %mul3A_430 = arith.constant 160 : i32
        %mul3A_431 = arith.muli %sub3A_414, %mul3A_430 : i32
        %add3A_432 = arith.constant 16 : i32
        %add3A_433 = arith.addi %mul3A_431, %add3A_432 : i32
        %get3A_434 = arith.index_cast %add3A_433 : i32 to index
        %get3A_435 = tpu.vector_load %arg6[%get3A_434] {strides = array<i32>} : memref<20000xi32, #tpu.memory_space<vmem>>, vector<16xi32>,
        %get3A_436 = vector.shape_cast %get3A_435 : vector<16xi32> to vector<16xi32>
        %add3A_437 = arith.addi %get3A_436, %get3A_436 : vector<16xi32>
        %add3A_438 = vector.broadcast %arg0 : i32 to vector<16xi32>
        %add3A_439 = arith.addi %add3A_437, %add3A_438 : vector<16xi32>
        %swap3A_440 = arith.index_cast %rem3A_363 : i32 to index
        %swap3A_441 = arith.constant 16 : index
        %swap3A_442 = tpu.vector_load %arg9[%swap3A_440, %swap3A_441] {strides = array<i32>} : memref<3x160xi32, #tpu.memory_space<vmem>>, vector<1x16xi32>,
        %swap3A_443 = vector.shape_cast %swap3A_442 : vector<1x16xi32> to vector<16xi32>
        %swap3A_444 = vector.shape_cast %add3A_439 : vector<16xi32> to vector<1x16xi32>
        tpu.vector_store %arg9[%swap3A_440, %swap3A_441], %swap3A_444 {strides = array<i32>} : memref<3x160xi32, #tpu.memory_space<vmem>>, vector<1x16xi32>,
        %mul3A_445 = arith.constant 160 : i32
        %mul3A_446 = arith.muli %sub3A_414, %mul3A_445 : i32
        %add3A_447 = arith.constant 32 : i32
        %add3A_448 = arith.addi %mul3A_446, %add3A_447 : i32
        %get3A_449 = arith.index_cast %add3A_448 : i32 to index
        %get3A_450 = tpu.vector_load %arg6[%get3A_449] {strides = array<i32>} : memref<20000xi32, #tpu.memory_space<vmem>>, vector<16xi32>,
        %get3A_451 = vector.shape_cast %get3A_450 : vector<16xi32> to vector<16xi32>
        %add3A_452 = arith.addi %get3A_451, %get3A_451 : vector<16xi32>
        %add3A_453 = vector.broadcast %arg0 : i32 to vector<16xi32>
        %add3A_454 = arith.addi %add3A_452, %add3A_453 : vector<16xi32>
        %swap3A_455 = arith.index_cast %rem3A_363 : i32 to index
        %swap3A_456 = arith.constant 32 : index
        %swap3A_457 = tpu.vector_load %arg9[%swap3A_455, %swap3A_456] {strides = array<i32>} : memref<3x160xi32, #tpu.memory_space<vmem>>, vector<1x16xi32>,
        %swap3A_458 = vector.shape_cast %swap3A_457 : vector<1x16xi32> to vector<16xi32>
        %swap3A_459 = vector.shape_cast %add3A_454 : vector<16xi32> to vector<1x16xi32>
        tpu.vector_store %arg9[%swap3A_455, %swap3A_456], %swap3A_459 {strides = array<i32>} : memref<3x160xi32, #tpu.memory_space<vmem>>, vector<1x16xi32>,
        %mul3A_460 = arith.constant 160 : i32
        %mul3A_461 = arith.muli %sub3A_414, %mul3A_460 : i32
        %add3A_462 = arith.constant 48 : i32
        %add3A_463 = arith.addi %mul3A_461, %add3A_462 : i32
        %get3A_464 = arith.index_cast %add3A_463 : i32 to index
        %get3A_465 = tpu.vector_load %arg6[%get3A_464] {strides = array<i32>} : memref<20000xi32, #tpu.memory_space<vmem>>, vector<16xi32>,
        %get3A_466 = vector.shape_cast %get3A_465 : vector<16xi32> to vector<16xi32>
        %add3A_467 = arith.addi %get3A_466, %get3A_466 : vector<16xi32>
        %add3A_468 = vector.broadcast %arg0 : i32 to vector<16xi32>
        %add3A_469 = arith.addi %add3A_467, %add3A_468 : vector<16xi32>
        %swap3A_470 = arith.index_cast %rem3A_363 : i32 to index
        %swap3A_471 = arith.constant 48 : index
        %swap3A_472 = tpu.vector_load %arg9[%swap3A_470, %swap3A_471] {strides = array<i32>} : memref<3x160xi32, #tpu.memory_space<vmem>>, vector<1x16xi32>,
        %swap3A_473 = vector.shape_cast %swap3A_472 : vector<1x16xi32> to vector<16xi32>
        %swap3A_474 = vector.shape_cast %add3A_469 : vector<16xi32> to vector<1x16xi32>
        tpu.vector_store %arg9[%swap3A_470, %swap3A_471], %swap3A_474 {strides = array<i32>} : memref<3x160xi32, #tpu.memory_space<vmem>>, vector<1x16xi32>,
        %mul3A_475 = arith.constant 160 : i32
        %mul3A_476 = arith.muli %sub3A_414, %mul3A_475 : i32
        %add3A_477 = arith.constant 64 : i32
        %add3A_478 = arith.addi %mul3A_476, %add3A_477 : i32
        %get3A_479 = arith.index_cast %add3A_478 : i32 to index
        %get3A_480 = tpu.vector_load %arg6[%get3A_479] {strides = array<i32>} : memref<20000xi32, #tpu.memory_space<vmem>>, vector<16xi32>,
        %get3A_481 = vector.shape_cast %get3A_480 : vector<16xi32> to vector<16xi32>
        %add3A_482 = arith.addi %get3A_481, %get3A_481 : vector<16xi32>
        %add3A_483 = vector.broadcast %arg0 : i32 to vector<16xi32>
        %add3A_484 = arith.addi %add3A_482, %add3A_483 : vector<16xi32>
        %swap3A_485 = arith.index_cast %rem3A_363 : i32 to index
        %swap3A_486 = arith.constant 64 : index
        %swap3A_487 = tpu.vector_load %arg9[%swap3A_485, %swap3A_486] {strides = array<i32>} : memref<3x160xi32, #tpu.memory_space<vmem>>, vector<1x16xi32>,
        %swap3A_488 = vector.shape_cast %swap3A_487 : vector<1x16xi32> to vector<16xi32>
        %swap3A_489 = vector.shape_cast %add3A_484 : vector<16xi32> to vector<1x16xi32>
        tpu.vector_store %arg9[%swap3A_485, %swap3A_486], %swap3A_489 {strides = array<i32>} : memref<3x160xi32, #tpu.memory_space<vmem>>, vector<1x16xi32>,
        %mul3A_490 = arith.constant 160 : i32
        %mul3A_491 = arith.muli %sub3A_414, %mul3A_490 : i32
        %add3A_492 = arith.constant 80 : i32
        %add3A_493 = arith.addi %mul3A_491, %add3A_492 : i32
        %get3A_494 = arith.index_cast %add3A_493 : i32 to index
        %get3A_495 = tpu.vector_load %arg6[%get3A_494] {strides = array<i32>} : memref<20000xi32, #tpu.memory_space<vmem>>, vector<16xi32>,
        %get3A_496 = vector.shape_cast %get3A_495 : vector<16xi32> to vector<16xi32>
        %add3A_497 = arith.addi %get3A_496, %get3A_496 : vector<16xi32>
        %add3A_498 = vector.broadcast %arg0 : i32 to vector<16xi32>
        %add3A_499 = arith.addi %add3A_497, %add3A_498 : vector<16xi32>
        %swap3A_500 = arith.index_cast %rem3A_363 : i32 to index
        %swap3A_501 = arith.constant 80 : index
        %swap3A_502 = tpu.vector_load %arg9[%swap3A_500, %swap3A_501] {strides = array<i32>} : memref<3x160xi32, #tpu.memory_space<vmem>>, vector<1x16xi32>,
        %swap3A_503 = vector.shape_cast %swap3A_502 : vector<1x16xi32> to vector<16xi32>
        %swap3A_504 = vector.shape_cast %add3A_499 : vector<16xi32> to vector<1x16xi32>
        tpu.vector_store %arg9[%swap3A_500, %swap3A_501], %swap3A_504 {strides = array<i32>} : memref<3x160xi32, #tpu.memory_space<vmem>>, vector<1x16xi32>,
        %mul3A_505 = arith.constant 160 : i32
        %mul3A_506 = arith.muli %sub3A_414, %mul3A_505 : i32
        %add3A_507 = arith.constant 96 : i32
        %add3A_508 = arith.addi %mul3A_506, %add3A_507 : i32
        %get3A_509 = arith.index_cast %add3A_508 : i32 to index
        %get3A_510 = tpu.vector_load %arg6[%get3A_509] {strides = array<i32>} : memref<20000xi32, #tpu.memory_space<vmem>>, vector<16xi32>,
        %get3A_511 = vector.shape_cast %get3A_510 : vector<16xi32> to vector<16xi32>
        %add3A_512 = arith.addi %get3A_511, %get3A_511 : vector<16xi32>
        %add3A_513 = vector.broadcast %arg0 : i32 to vector<16xi32>
        %add3A_514 = arith.addi %add3A_512, %add3A_513 : vector<16xi32>
        %swap3A_515 = arith.index_cast %rem3A_363 : i32 to index
        %swap3A_516 = arith.constant 96 : index
        %swap3A_517 = tpu.vector_load %arg9[%swap3A_515, %swap3A_516] {strides = array<i32>} : memref<3x160xi32, #tpu.memory_space<vmem>>, vector<1x16xi32>,
        %swap3A_518 = vector.shape_cast %swap3A_517 : vector<1x16xi32> to vector<16xi32>
        %swap3A_519 = vector.shape_cast %add3A_514 : vector<16xi32> to vector<1x16xi32>
        tpu.vector_store %arg9[%swap3A_515, %swap3A_516], %swap3A_519 {strides = array<i32>} : memref<3x160xi32, #tpu.memory_space<vmem>>, vector<1x16xi32>,
        %mul3A_520 = arith.constant 160 : i32
        %mul3A_521 = arith.muli %sub3A_414, %mul3A_520 : i32
        %add3A_522 = arith.constant 112 : i32
        %add3A_523 = arith.addi %mul3A_521, %add3A_522 : i32
        %get3A_524 = arith.index_cast %add3A_523 : i32 to index
        %get3A_525 = tpu.vector_load %arg6[%get3A_524] {strides = array<i32>} : memref<20000xi32, #tpu.memory_space<vmem>>, vector<16xi32>,
        %get3A_526 = vector.shape_cast %get3A_525 : vector<16xi32> to vector<16xi32>
        %add3A_527 = arith.addi %get3A_526, %get3A_526 : vector<16xi32>
        %add3A_528 = vector.broadcast %arg0 : i32 to vector<16xi32>
        %add3A_529 = arith.addi %add3A_527, %add3A_528 : vector<16xi32>
        %swap3A_530 = arith.index_cast %rem3A_363 : i32 to index
        %swap3A_531 = arith.constant 112 : index
        %swap3A_532 = tpu.vector_load %arg9[%swap3A_530, %swap3A_531] {strides = array<i32>} : memref<3x160xi32, #tpu.memory_space<vmem>>, vector<1x16xi32>,
        %swap3A_533 = vector.shape_cast %swap3A_532 : vector<1x16xi32> to vector<16xi32>
        %swap3A_534 = vector.shape_cast %add3A_529 : vector<16xi32> to vector<1x16xi32>
        tpu.vector_store %arg9[%swap3A_530, %swap3A_531], %swap3A_534 {strides = array<i32>} : memref<3x160xi32, #tpu.memory_space<vmem>>, vector<1x16xi32>,
        %mul3A_535 = arith.constant 160 : i32
        %mul3A_536 = arith.muli %sub3A_414, %mul3A_535 : i32
        %add3A_537 = arith.constant 128 : i32
        %add3A_538 = arith.addi %mul3A_536, %add3A_537 : i32
        %get3A_539 = arith.index_cast %add3A_538 : i32 to index
        %get3A_540 = tpu.vector_load %arg6[%get3A_539] {strides = array<i32>} : memref<20000xi32, #tpu.memory_space<vmem>>, vector<16xi32>,
        %get3A_541 = vector.shape_cast %get3A_540 : vector<16xi32> to vector<16xi32>
        %add3A_542 = arith.addi %get3A_541, %get3A_541 : vector<16xi32>
        %add3A_543 = vector.broadcast %arg0 : i32 to vector<16xi32>
        %add3A_544 = arith.addi %add3A_542, %add3A_543 : vector<16xi32>
        %swap3A_545 = arith.index_cast %rem3A_363 : i32 to index
        %swap3A_546 = arith.constant 128 : index
        %swap3A_547 = tpu.vector_load %arg9[%swap3A_545, %swap3A_546] {strides = array<i32>} : memref<3x160xi32, #tpu.memory_space<vmem>>, vector<1x16xi32>,
        %swap3A_548 = vector.shape_cast %swap3A_547 : vector<1x16xi32> to vector<16xi32>
        %swap3A_549 = vector.shape_cast %add3A_544 : vector<16xi32> to vector<1x16xi32>
        tpu.vector_store %arg9[%swap3A_545, %swap3A_546], %swap3A_549 {strides = array<i32>} : memref<3x160xi32, #tpu.memory_space<vmem>>, vector<1x16xi32>,
        %mul3A_550 = arith.constant 160 : i32
        %mul3A_551 = arith.muli %sub3A_414, %mul3A_550 : i32
        %add3A_552 = arith.constant 144 : i32
        %add3A_553 = arith.addi %mul3A_551, %add3A_552 : i32
        %get3A_554 = arith.index_cast %add3A_553 : i32 to index
        %get3A_555 = tpu.vector_load %arg6[%get3A_554] {strides = array<i32>} : memref<20000xi32, #tpu.memory_space<vmem>>, vector<16xi32>,
        %get3A_556 = vector.shape_cast %get3A_555 : vector<16xi32> to vector<16xi32>
        %add3A_557 = arith.addi %get3A_556, %get3A_556 : vector<16xi32>
        %add3A_558 = vector.broadcast %arg0 : i32 to vector<16xi32>
        %add3A_559 = arith.addi %add3A_557, %add3A_558 : vector<16xi32>
        %swap3A_560 = arith.index_cast %rem3A_363 : i32 to index
        %swap3A_561 = arith.constant 144 : index
        %swap3A_562 = tpu.vector_load %arg9[%swap3A_560, %swap3A_561] {strides = array<i32>} : memref<3x160xi32, #tpu.memory_space<vmem>>, vector<1x16xi32>,
        %swap3A_563 = vector.shape_cast %swap3A_562 : vector<1x16xi32> to vector<16xi32>
        %swap3A_564 = vector.shape_cast %add3A_559 : vector<16xi32> to vector<1x16xi32>
        tpu.vector_store %arg9[%swap3A_560, %swap3A_561], %swap3A_564 {strides = array<i32>} : memref<3x160xi32, #tpu.memory_space<vmem>>, vector<1x16xi32>,
        %dma_start3A_565 = arith.constant 0 : i32
        %dma_start3A_566 = arith.constant 0 : i32
        %dma_start3A_567 = tpu.memref_slice %arg8[%rem3A_363, %dma_start3A_565, %dma_start3A_566] : memref<3x160x64xf32, #tpu.memory_space<vmem>> -> memref<1x160x64xf32, #tpu.memory_space<vmem>>
        %dma_start3A_568 = tpu.memref_squeeze %dma_start3A_567 : memref<1x160x64xf32, #tpu.memory_space<vmem>> -> memref<160x64xf32, #tpu.memory_space<vmem>>
        %dma_start3A_569 = arith.constant 0 : i32
        %dma_start3A_570 = tpu.memref_slice %arg9[%rem3A_363, %dma_start3A_569] : memref<3x160xi32, #tpu.memory_space<vmem>> -> memref<1x160xi32, #tpu.memory_space<vmem>>
        %dma_start3A_571 = tpu.memref_squeeze %dma_start3A_570 : memref<1x160xi32, #tpu.memory_space<vmem>> -> memref<160xi32, #tpu.memory_space<vmem>>
        %dma_start3A_572 = arith.constant 0 : i32
        %dma_start3A_573 = arith.constant 0 : i32
        %dma_start3A_574 = tpu.memref_slice %arg3[%dma_start3A_572, %dma_start3A_573] : memref<20480x64xf32, #tpu.memory_space<hbm>> -> memref<20480x64xf32, #tpu.memory_space<hbm>>
        %dma_start3A_575 = tpu.memref_slice %arg12[%rem3A_363] : memref<3x!tpu.dma_semaphore, #tpu.memory_space<semaphore_mem>> -> memref<1x!tpu.dma_semaphore, #tpu.memory_space<semaphore_mem>>
        %dma_start3A_576 = tpu.memref_squeeze %dma_start3A_575 : memref<1x!tpu.dma_semaphore, #tpu.memory_space<semaphore_mem>> -> memref<!tpu.dma_semaphore, #tpu.memory_space<semaphore_mem>>
        tpu.enqueue_indirect_dma source(%dma_start3A_574 : memref<20480x64xf32, #tpu.memory_space<hbm>>) target(%dma_start3A_568 : memref<160x64xf32, #tpu.memory_space<vmem>>) offsets(%dma_start3A_571 : memref<160xi32, #tpu.memory_space<vmem>>) semaphore(%dma_start3A_576 : memref<!tpu.dma_semaphore, #tpu.memory_space<semaphore_mem>>)
      } else {
      }
      %dma_wait3A_377 = arith.constant 0 : i32
      %dma_wait3A_378 = arith.constant 0 : i32
      %dma_wait3A_379 = tpu.memref_slice %arg8[%rem3A_358, %dma_wait3A_377, %dma_wait3A_378] : memref<3x160x64xf32, #tpu.memory_space<vmem>> -> memref<1x160x64xf32, #tpu.memory_space<vmem>>
      %dma_wait3A_380 = tpu.memref_squeeze %dma_wait3A_379 : memref<1x160x64xf32, #tpu.memory_space<vmem>> -> memref<160x64xf32, #tpu.memory_space<vmem>>
      %dma_wait3A_381 = arith.constant 0 : i32
      %dma_wait3A_382 = tpu.memref_slice %arg9[%rem3A_358, %dma_wait3A_381] : memref<3x160xi32, #tpu.memory_space<vmem>> -> memref<1x160xi32, #tpu.memory_space<vmem>>
      %dma_wait3A_383 = tpu.memref_squeeze %dma_wait3A_382 : memref<1x160xi32, #tpu.memory_space<vmem>> -> memref<160xi32, #tpu.memory_space<vmem>>
      %dma_wait3A_384 = arith.constant 0 : i32
      %dma_wait3A_385 = arith.constant 0 : i32
      %dma_wait3A_386 = tpu.memref_slice %arg3[%dma_wait3A_384, %dma_wait3A_385] : memref<20480x64xf32, #tpu.memory_space<hbm>> -> memref<20480x64xf32, #tpu.memory_space<hbm>>
      %dma_wait3A_387 = tpu.memref_slice %arg12[%rem3A_358] : memref<3x!tpu.dma_semaphore, #tpu.memory_space<semaphore_mem>> -> memref<1x!tpu.dma_semaphore, #tpu.memory_space<semaphore_mem>>
      %dma_wait3A_388 = tpu.memref_squeeze %dma_wait3A_387 : memref<1x!tpu.dma_semaphore, #tpu.memory_space<semaphore_mem>> -> memref<!tpu.dma_semaphore, #tpu.memory_space<semaphore_mem>>
      tpu.wait_indirect_dma semaphore(%dma_wait3A_388 : memref<!tpu.dma_semaphore, #tpu.memory_space<semaphore_mem>>) src(%dma_wait3A_386 : memref<20480x64xf32, #tpu.memory_space<hbm>>) dst(%dma_wait3A_380 : memref<160x64xf32, #tpu.memory_space<vmem>>)
      %mul3A_389 = arith.constant 160 : i32
      %mul3A_390 = arith.muli %scan3A_357, %mul3A_389 : i32
      %dma_start3A_391 = arith.constant 0 : i32
      %dma_start3A_392 = arith.constant 0 : i32
      %dma_start3A_393 = tpu.memref_slice %arg8[%rem3A_358, %dma_start3A_391, %dma_start3A_392] : memref<3x160x64xf32, #tpu.memory_space<vmem>> -> memref<1x160x64xf32, #tpu.memory_space<vmem>>
      %dma_start3A_394 = tpu.memref_squeeze %dma_start3A_393 : memref<1x160x64xf32, #tpu.memory_space<vmem>> -> memref<160x64xf32, #tpu.memory_space<vmem>>
      %dma_start3A_395 = tpu.memref_slice %arg7[%mul3A_390] : memref<20000xi32, #tpu.memory_space<vmem>> -> memref<160xi32, #tpu.memory_space<vmem>>
      %dma_start3A_396 = arith.constant 0 : i32
      %dma_start3A_397 = arith.constant 0 : i32
      %dma_start3A_398 = tpu.memref_slice %arg15[%dma_start3A_396, %dma_start3A_397] : memref<10240x64xf32, #tpu.memory_space<vmem_shared>> -> memref<10240x64xf32, #tpu.memory_space<vmem_shared>>
      %dma_start3A_399 = tpu.memref_slice %arg13[%rem3A_358] : memref<3x!tpu.dma_semaphore, #tpu.memory_space<semaphore_mem>> -> memref<1x!tpu.dma_semaphore, #tpu.memory_space<semaphore_mem>>
      %dma_start3A_400 = tpu.memref_squeeze %dma_start3A_399 : memref<1x!tpu.dma_semaphore, #tpu.memory_space<semaphore_mem>> -> memref<!tpu.dma_semaphore, #tpu.memory_space<semaphore_mem>>
      tpu.enqueue_indirect_dma source(%dma_start3A_394 : memref<160x64xf32, #tpu.memory_space<vmem>>) target(%dma_start3A_398 : memref<10240x64xf32, #tpu.memory_space<vmem_shared>>) offsets(%dma_start3A_395 : memref<160xi32, #tpu.memory_space<vmem>>) semaphore(%dma_start3A_400 : memref<!tpu.dma_semaphore, #tpu.memory_space<semaphore_mem>>) {add = true}
      %lt3A_401 = arith.constant 62 : i32
      %lt3A_402 = arith.cmpi slt, %scan3A_357, %lt3A_401 : i32
      %eq3A_403 = arith.constant 0 : i32
      %eq3A_404 = arith.cmpi eq, %arg0, %eq3A_403 : i32
      %eq3A_405 = arith.xori %lt3A_402, %eq3A_404 : i1
      %eq3A_406 = arith.constant true
      %eq3A_407 = arith.xori %eq3A_405, %eq3A_406 : i1
      %convert_element_type3A_408 = arith.extui %eq3A_407 : i1 to i32
      %cond3A_409 = arith.constant 0 : i32
      %cond3A_410 = arith.cmpi ne, %convert_element_type3A_408, %cond3A_409 : i32
      scf.if %cond3A_410 {
        %mul3A_411 = arith.constant 160 : i32
        %mul3A_412 = arith.muli %scan3A_357, %mul3A_411 : i32
        %dma_start3A_413 = tpu.memref_slice %arg7[%mul3A_412] : memref<20000xi32, #tpu.memory_space<vmem>> -> memref<160xi32, #tpu.memory_space<vmem>>
        %dma_start3A_414 = arith.constant 0 : i32
        %dma_start3A_415 = arith.constant 0 : i32
        %dma_start3A_416 = tpu.memref_slice %arg17[%dma_start3A_414, %dma_start3A_415] : memref<10240x16xf32, #tpu.memory_space<vmem_shared>> -> memref<10240x16xf32, #tpu.memory_space<vmem_shared>>
        tpu.enqueue_indirect_dma source(%arg16 : memref<160x16xf32, #tpu.memory_space<vmem>>) target(%dma_start3A_416 : memref<10240x16xf32, #tpu.memory_space<vmem_shared>>) offsets(%dma_start3A_413 : memref<160xi32, #tpu.memory_space<vmem>>) semaphore(%arg18 : memref<!tpu.dma_semaphore, #tpu.memory_space<semaphore_mem>>) {add = true}
      } else {
      }
    }
    %scan3A_321 = arith.constant 125 : i32
    %dma_wait3A = arith.constant 1 : i32
    %dma_wait3A_322 = arith.constant 1 : i32
    %dma_wait3A_323 = arith.constant 0 : i32
    %dma_wait3A_324 = arith.constant 0 : i32
    %dma_wait3A_325 = tpu.memref_slice %arg8[%dma_wait3A, %dma_wait3A_323, %dma_wait3A_324] : memref<3x160x64xf32, #tpu.memory_space<vmem>> -> memref<1x160x64xf32, #tpu.memory_space<vmem>>
    %dma_wait3A_326 = tpu.memref_squeeze %dma_wait3A_325 : memref<1x160x64xf32, #tpu.memory_space<vmem>> -> memref<160x64xf32, #tpu.memory_space<vmem>>
    %dma_wait3A_327 = arith.constant 19840 : i32
    %dma_wait3A_328 = tpu.memref_slice %arg7[%dma_wait3A_327] : memref<20000xi32, #tpu.memory_space<vmem>> -> memref<160xi32, #tpu.memory_space<vmem>>
    %dma_wait3A_329 = arith.constant 0 : i32
    %dma_wait3A_330 = arith.constant 0 : i32
    %dma_wait3A_331 = tpu.memref_slice %arg15[%dma_wait3A_329, %dma_wait3A_330] : memref<10240x64xf32, #tpu.memory_space<vmem_shared>> -> memref<10240x64xf32, #tpu.memory_space<vmem_shared>>
    %dma_wait3A_332 = tpu.memref_slice %arg13[%dma_wait3A_322] : memref<3x!tpu.dma_semaphore, #tpu.memory_space<semaphore_mem>> -> memref<1x!tpu.dma_semaphore, #tpu.memory_space<semaphore_mem>>
    %dma_wait3A_333 = tpu.memref_squeeze %dma_wait3A_332 : memref<1x!tpu.dma_semaphore, #tpu.memory_space<semaphore_mem>> -> memref<!tpu.dma_semaphore, #tpu.memory_space<semaphore_mem>>
    tpu.wait_indirect_dma semaphore(%dma_wait3A_333 : memref<!tpu.dma_semaphore, #tpu.memory_space<semaphore_mem>>) src(%dma_wait3A_326 : memref<160x64xf32, #tpu.memory_space<vmem>>) dst(%dma_wait3A_331 : memref<10240x64xf32, #tpu.memory_space<vmem_shared>>)
    %eq3A = arith.constant 0 : i32
    %eq3A_334 = arith.cmpi eq, %arg0, %eq3A : i32
    %select_n3A = arith.constant 63 : i32
    %select_n3A_335 = arith.constant 62 : i32
    %select_n3A_336 = arith.select %eq3A_334, %select_n3A_335, %select_n3A : i32
    %while3A = arith.constant 0 : i32
    %while3A_337 = arith.constant 0 : i32
    %while3A_338 = arith.subi %select_n3A_336, %while3A_337 : i32
    %while3A_339 = arith.addi %while3A_337, %while3A_338 : i32
    %while3A_340 = arith.constant 1 : i32
    %while3A_341 = arith.divsi %while3A_338, %while3A_340 : i32
    %while3A_342 = arith.muli %while3A_341, %while3A_340 : i32
    %while3A_343 = arith.addi %while3A_337, %while3A_342 : i32
    %while3A_344 = arith.constant 1 : i32
    scf.for %while3A_357 = %while3A_337 to %while3A_343 step %while3A_344  : i32 {
      %dma_wait3A_358 = arith.constant 0 : i32
      %dma_wait3A_359 = tpu.memref_slice %arg7[%dma_wait3A_358] : memref<20000xi32, #tpu.memory_space<vmem>> -> memref<160xi32, #tpu.memory_space<vmem>>
      %dma_wait3A_360 = arith.constant 0 : i32
      %dma_wait3A_361 = arith.constant 0 : i32
      %dma_wait3A_362 = tpu.memref_slice %arg17[%dma_wait3A_360, %dma_wait3A_361] : memref<10240x16xf32, #tpu.memory_space<vmem_shared>> -> memref<10240x16xf32, #tpu.memory_space<vmem_shared>>
      tpu.wait_indirect_dma semaphore(%arg18 : memref<!tpu.dma_semaphore, #tpu.memory_space<semaphore_mem>>) src(%arg16 : memref<160x16xf32, #tpu.memory_space<vmem>>) dst(%dma_wait3A_362 : memref<10240x16xf32, #tpu.memory_space<vmem_shared>>)
    }
    %while3A_345 = arith.constant 1 : i32
    scf.for %while3A_357 = %while3A_343 to %while3A_339 step %while3A_345  : i32 {
      %dma_wait3A_358 = arith.constant 0 : i32
      %dma_wait3A_359 = tpu.memref_slice %arg7[%dma_wait3A_358] : memref<20000xi32, #tpu.memory_space<vmem>> -> memref<160xi32, #tpu.memory_space<vmem>>
      %dma_wait3A_360 = arith.constant 0 : i32
      %dma_wait3A_361 = arith.constant 0 : i32
      %dma_wait3A_362 = tpu.memref_slice %arg17[%dma_wait3A_360, %dma_wait3A_361] : memref<10240x16xf32, #tpu.memory_space<vmem_shared>> -> memref<10240x16xf32, #tpu.memory_space<vmem_shared>>
      tpu.wait_indirect_dma semaphore(%arg18 : memref<!tpu.dma_semaphore, #tpu.memory_space<semaphore_mem>>) src(%arg16 : memref<160x16xf32, #tpu.memory_space<vmem>>) dst(%dma_wait3A_362 : memref<10240x16xf32, #tpu.memory_space<vmem_shared>>)
    }
    %barrier3A_346 = arith.constant 0 : index
    tpu.barrier barrier_id(%barrier3A_346)
    %mul3A_347 = arith.constant 640 : i32
    %mul3A_348 = arith.muli %arg1, %mul3A_347 : i32
    %mul3A_349 = arith.constant 640 : i32
    %mul3A_350 = arith.muli %arg1, %mul3A_349 : i32
    %mul3A_351 = arith.constant 64 : i32
    %mul3A_352 = arith.muli %arg0, %mul3A_351 : i32
    "tpu.region"() ({
      %run_scoped3A_357 = tpu.sem_alloc : memref<!tpu.dma_semaphore, #tpu.memory_space<semaphore_mem>>
      %dma_start3A_358 = tpu.memref_slice %arg4[%mul3A_350, %mul3A_352] : memref<10240x128xf32, #tpu.memory_space<hbm>> -> memref<640x64xf32, #tpu.memory_space<hbm>>
      %dma_start3A_359 = arith.constant 0 : i32
      %dma_start3A_360 = tpu.memref_slice %arg15[%mul3A_348, %dma_start3A_359] : memref<10240x64xf32, #tpu.memory_space<vmem_shared>> -> memref<640x64xf32, #tpu.memory_space<vmem_shared>>
      tpu.enqueue_dma source(%dma_start3A_360 : memref<640x64xf32, #tpu.memory_space<vmem_shared>>) target(%dma_start3A_358 : memref<640x64xf32, #tpu.memory_space<hbm>>) target_semaphore(%run_scoped3A_357 : memref<!tpu.dma_semaphore, #tpu.memory_space<semaphore_mem>>)
      %dma_wait3A_361 = tpu.memref_slice %arg4[%mul3A_350, %mul3A_352] : memref<10240x128xf32, #tpu.memory_space<hbm>> -> memref<640x64xf32, #tpu.memory_space<hbm>>
      %dma_wait3A_362 = arith.constant 0 : i32
      %dma_wait3A_363 = tpu.memref_slice %arg15[%mul3A_348, %dma_wait3A_362] : memref<10240x64xf32, #tpu.memory_space<vmem_shared>> -> memref<640x64xf32, #tpu.memory_space<vmem_shared>>
      tpu.wait_dma2 semaphore(%run_scoped3A_357 : memref<!tpu.dma_semaphore, #tpu.memory_space<semaphore_mem>>) src(%dma_wait3A_363 : memref<640x64xf32, #tpu.memory_space<vmem_shared>>) dst(%dma_wait3A_361 : memref<640x64xf32, #tpu.memory_space<hbm>>)
      tpu.yield
    }) : () -> ()
    %mul3A_353 = arith.constant 640 : i32
    %mul3A_354 = arith.muli %arg1, %mul3A_353 : i32
    %mul3A_355 = arith.constant 640 : i32
    %mul3A_356 = arith.muli %arg1, %mul3A_355 : i32
    "tpu.region"() ({
      %run_scoped3A_357 = tpu.sem_alloc : memref<!tpu.dma_semaphore, #tpu.memory_space<semaphore_mem>>
      %dma_start3A_358 = arith.constant 0 : i32
      %dma_start3A_359 = tpu.memref_slice %arg5[%arg0, %mul3A_356, %dma_start3A_358] : memref<2x10240x16xf32, #tpu.memory_space<hbm>> -> memref<1x640x16xf32, #tpu.memory_space<hbm>>
      %dma_start3A_360 = tpu.memref_squeeze %dma_start3A_359 : memref<1x640x16xf32, #tpu.memory_space<hbm>> -> memref<640x16xf32, #tpu.memory_space<hbm>>
      %dma_start3A_361 = arith.constant 0 : i32
      %dma_start3A_362 = tpu.memref_slice %arg17[%mul3A_354, %dma_start3A_361] : memref<10240x16xf32, #tpu.memory_space<vmem_shared>> -> memref<640x16xf32, #tpu.memory_space<vmem_shared>>
      tpu.enqueue_dma source(%dma_start3A_362 : memref<640x16xf32, #tpu.memory_space<vmem_shared>>) target(%dma_start3A_360 : memref<640x16xf32, #tpu.memory_space<hbm>>) target_semaphore(%run_scoped3A_357 : memref<!tpu.dma_semaphore, #tpu.memory_space<semaphore_mem>>)
      %dma_wait3A_363 = arith.constant 0 : i32
      %dma_wait3A_364 = tpu.memref_slice %arg5[%arg0, %mul3A_356, %dma_wait3A_363] : memref<2x10240x16xf32, #tpu.memory_space<hbm>> -> memref<1x640x16xf32, #tpu.memory_space<hbm>>
      %dma_wait3A_365 = tpu.memref_squeeze %dma_wait3A_364 : memref<1x640x16xf32, #tpu.memory_space<hbm>> -> memref<640x16xf32, #tpu.memory_space<hbm>>
      %dma_wait3A_366 = arith.constant 0 : i32
      %dma_wait3A_367 = tpu.memref_slice %arg17[%mul3A_354, %dma_wait3A_366] : memref<10240x16xf32, #tpu.memory_space<vmem_shared>> -> memref<640x16xf32, #tpu.memory_space<vmem_shared>>
      tpu.wait_dma2 semaphore(%run_scoped3A_357 : memref<!tpu.dma_semaphore, #tpu.memory_space<semaphore_mem>>) src(%dma_wait3A_367 : memref<640x16xf32, #tpu.memory_space<vmem_shared>>) dst(%dma_wait3A_365 : memref<640x16xf32, #tpu.memory_space<hbm>>)
      tpu.yield
    }) : () -> ()
    return
  }
}

module attributes {stable_mosaic.version = 14 : i64} {
  func.func @_mm2_body(%arg0: i32, %arg1: memref<1000x128xf32, #tpu.memory_space<vmem>>, %arg2: memref<128x128xf32, #tpu.memory_space<vmem>>, %arg3: memref<128x128xf32, #tpu.memory_space<vmem>>, %arg4: memref<1000x128xf32, #tpu.memory_space<vmem>>, %arg5: memref<1000x128xf32, #tpu.memory_space<vmem>>) attributes {dimension_semantics = [#tpu.dimension_semantics<arbitrary>], iteration_bounds = array<i64: 10>, scalar_prefetch = 0 : i64, scratch_operands = 0 : i64, tpu.core_type = #tpu.core_type<tc>, window_params = [{transform_indices = @transform_0, window_bounds = array<i64: 1000, 128>}, {pipeline_mode = #tpu.pipeline_mode<synchronous>, transform_indices = @transform_1, window_bounds = array<i64: 128, 128>}, {pipeline_mode = #tpu.pipeline_mode<synchronous>, transform_indices = @transform_2, window_bounds = array<i64: 128, 128>}, {transform_indices = @transform_3, window_bounds = array<i64: 1000, 128>}, {transform_indices = @transform_4, window_bounds = array<i64: 1000, 128>}]} {
    %get3A = arith.constant 0 : index
    %get3A_0 = arith.constant 0 : index
    %get3A_1 = vector.load %arg1[%get3A, %get3A_0] : memref<1000x128xf32, #tpu.memory_space<vmem>>, vector<1000x128xf32>
    %get3A_2 = arith.constant 0 : index
    %get3A_3 = arith.constant 0 : index
    %get3A_4 = vector.load %arg2[%get3A_2, %get3A_3] : memref<128x128xf32, #tpu.memory_space<vmem>>, vector<128x128xf32>
    %dot_general3A = arith.constant dense<0.000000e+00> : vector<1000x128xf32>
    %dot_general3A_5 = tpu.matmul %get3A_1, %get3A_4, %dot_general3A {dimension_numbers = #tpu.dot_dimension_numbers<[1], [1], [0], [0], [0, 0, 1, 0], [], []>, transpose_lhs_hint = false} : vector<1000x128xf32>, vector<128x128xf32>, vector<1000x128xf32> -> vector<1000x128xf32>
    %swap3A = arith.constant 0 : index
    %swap3A_6 = arith.constant 0 : index
    %swap3A_7 = vector.load %arg4[%swap3A, %swap3A_6] : memref<1000x128xf32, #tpu.memory_space<vmem>>, vector<1000x128xf32>
    tpu.vector_store %arg4[%swap3A, %swap3A_6], %dot_general3A_5 {strides = array<i32>} : memref<1000x128xf32, #tpu.memory_space<vmem>>, vector<1000x128xf32>,
    %get3A_8 = arith.constant 0 : index
    %get3A_9 = arith.constant 0 : index
    %get3A_10 = vector.load %arg3[%get3A_8, %get3A_9] : memref<128x128xf32, #tpu.memory_space<vmem>>, vector<128x128xf32>
    %dot_general3A_11 = arith.constant dense<0.000000e+00> : vector<1000x128xf32>
    %dot_general3A_12 = tpu.matmul %get3A_1, %get3A_10, %dot_general3A_11 {dimension_numbers = #tpu.dot_dimension_numbers<[1], [1], [0], [0], [0, 0, 1, 0], [], []>, transpose_lhs_hint = false} : vector<1000x128xf32>, vector<128x128xf32>, vector<1000x128xf32> -> vector<1000x128xf32>
    %swap3A_13 = arith.constant 0 : index
    %swap3A_14 = arith.constant 0 : index
    %swap3A_15 = vector.load %arg5[%swap3A_13, %swap3A_14] : memref<1000x128xf32, #tpu.memory_space<vmem>>, vector<1000x128xf32>
    tpu.vector_store %arg5[%swap3A_13, %swap3A_14], %dot_general3A_12 {strides = array<i32>} : memref<1000x128xf32, #tpu.memory_space<vmem>>, vector<1000x128xf32>,
    return
  }
  func.func @transform_0(%arg0: i32) -> (i32, i32) {
    %c0_i32 = arith.constant 0 : i32
    %c0_i32_0 = arith.constant 0 : i32
    return %arg0, %c0_i32 : i32, i32
  }
  func.func @transform_1(%arg0: i32) -> (i32, i32) {
    %c0_i32 = arith.constant 0 : i32
    %c0_i32_0 = arith.constant 0 : i32
    %c0_i32_1 = arith.constant 0 : i32
    return %c0_i32, %c0_i32_0 : i32, i32
  }
  func.func @transform_2(%arg0: i32) -> (i32, i32) {
    %c0_i32 = arith.constant 0 : i32
    %c0_i32_0 = arith.constant 0 : i32
    %c0_i32_1 = arith.constant 0 : i32
    return %c0_i32, %c0_i32_0 : i32, i32
  }
  func.func @transform_3(%arg0: i32) -> (i32, i32) {
    %c0_i32 = arith.constant 0 : i32
    %c0_i32_0 = arith.constant 0 : i32
    return %arg0, %c0_i32 : i32, i32
  }
  func.func @transform_4(%arg0: i32) -> (i32, i32) {
    %c0_i32 = arith.constant 0 : i32
    %c0_i32_0 = arith.constant 0 : i32
    return %arg0, %c0_i32 : i32, i32
  }
}

module attributes {stable_mosaic.version = 14 : i64} {
  func.func @_mid_body(%arg0: i32, %arg1: memref<1000x128xf32, #tpu.memory_space<vmem>>, %arg2: memref<2x1000x16xf32, #tpu.memory_space<vmem>>, %arg3: memref<1000x128xf32, #tpu.memory_space<vmem>>, %arg4: memref<1000x128xf32, #tpu.memory_space<vmem>>, %arg5: memref<1x128xf32, #tpu.memory_space<vmem>>, %arg6: memref<128x128xf32, #tpu.memory_space<vmem>>, %arg7: memref<128x128xf32, #tpu.memory_space<vmem>>, %arg8: memref<1000x128xf32, #tpu.memory_space<vmem>>, %arg9: memref<1000x128xf32, #tpu.memory_space<vmem>>) attributes {dimension_semantics = [#tpu.dimension_semantics<arbitrary>], iteration_bounds = array<i64: 10>, scalar_prefetch = 0 : i64, scratch_operands = 0 : i64, tpu.core_type = #tpu.core_type<tc>, window_params = [{transform_indices = @transform_0, window_bounds = array<i64: 1000, 128>}, {transform_indices = @transform_1, window_bounds = array<i64: 2, 1000, 16>}, {transform_indices = @transform_2, window_bounds = array<i64: 1000, 128>}, {transform_indices = @transform_3, window_bounds = array<i64: 1000, 128>}, {pipeline_mode = #tpu.pipeline_mode<synchronous>, transform_indices = @transform_4, window_bounds = array<i64: 1, 128>}, {pipeline_mode = #tpu.pipeline_mode<synchronous>, transform_indices = @transform_5, window_bounds = array<i64: 128, 128>}, {pipeline_mode = #tpu.pipeline_mode<synchronous>, transform_indices = @transform_6, window_bounds = array<i64: 128, 128>}, {transform_indices = @transform_7, window_bounds = array<i64: 1000, 128>}, {transform_indices = @transform_8, window_bounds = array<i64: 1000, 128>}]} {
    %get3A = arith.constant 0 : index
    %get3A_0 = arith.constant 0 : index
    %get3A_1 = arith.constant 0 : index
    %get3A_2 = vector.load %arg2[%get3A, %get3A_0, %get3A_1] : memref<2x1000x16xf32, #tpu.memory_space<vmem>>, vector<1x1000x1xf32>
    %get3A_3 = vector.shape_cast %get3A_2 : vector<1x1000x1xf32> to vector<1000x1xf32>
    %get3A_4 = arith.constant 1 : index
    %get3A_5 = arith.constant 0 : index
    %get3A_6 = arith.constant 0 : index
    %get3A_7 = vector.load %arg2[%get3A_4, %get3A_5, %get3A_6] : memref<2x1000x16xf32, #tpu.memory_space<vmem>>, vector<1x1000x1xf32>
    %get3A_8 = vector.shape_cast %get3A_7 : vector<1x1000x1xf32> to vector<1000x1xf32>
    %add3A = arith.addf %get3A_3, %get3A_8 : vector<1000x1xf32>
    %max3A = arith.constant 1.000000e+00 : f32
    %max3A_9 = vector.broadcast %max3A : f32 to vector<1000x1xf32>
    %max3A_10 = arith.maximumf %add3A, %max3A_9 : vector<1000x1xf32>
    %get3A_11 = arith.constant 0 : index
    %get3A_12 = arith.constant 0 : index
    %get3A_13 = vector.load %arg1[%get3A_11, %get3A_12] : memref<1000x128xf32, #tpu.memory_space<vmem>>, vector<1000x128xf32>
    %div3A = vector.broadcast %max3A_10 : vector<1000x1xf32> to vector<1000x128xf32>
    %div3A_14 = arith.divf %get3A_13, %div3A : vector<1000x128xf32>
    %get3A_15 = arith.constant 0 : index
    %get3A_16 = arith.constant 0 : index
    %get3A_17 = vector.load %arg5[%get3A_15, %get3A_16] : memref<1x128xf32, #tpu.memory_space<vmem>>, vector<1x128xf32>
    %add3A_18 = vector.broadcast %get3A_17 : vector<1x128xf32> to vector<1000x128xf32>
    %add3A_19 = arith.addf %div3A_14, %add3A_18 : vector<1000x128xf32>
    %get3A_20 = arith.constant 0 : index
    %get3A_21 = arith.constant 0 : index
    %get3A_22 = vector.load %arg3[%get3A_20, %get3A_21] : memref<1000x128xf32, #tpu.memory_space<vmem>>, vector<1000x128xf32>
    %add3A_23 = arith.addf %add3A_19, %get3A_22 : vector<1000x128xf32>
    %max3A_24 = arith.constant 0.000000e+00 : f32
    %max3A_25 = vector.broadcast %max3A_24 : f32 to vector<1000x128xf32>
    %max3A_26 = arith.maximumf %add3A_23, %max3A_25 : vector<1000x128xf32>
    %get3A_27 = arith.constant 0 : index
    %get3A_28 = arith.constant 0 : index
    %get3A_29 = vector.load %arg4[%get3A_27, %get3A_28] : memref<1000x128xf32, #tpu.memory_space<vmem>>, vector<1000x128xf32>
    %mul3A = arith.mulf %max3A_26, %get3A_29 : vector<1000x128xf32>
    %get3A_30 = arith.constant 0 : index
    %get3A_31 = arith.constant 0 : index
    %get3A_32 = vector.load %arg6[%get3A_30, %get3A_31] : memref<128x128xf32, #tpu.memory_space<vmem>>, vector<128x128xf32>
    %dot_general3A = arith.constant dense<0.000000e+00> : vector<1000x128xf32>
    %dot_general3A_33 = tpu.matmul %mul3A, %get3A_32, %dot_general3A {dimension_numbers = #tpu.dot_dimension_numbers<[1], [1], [0], [0], [0, 0, 1, 0], [], []>, transpose_lhs_hint = false} : vector<1000x128xf32>, vector<128x128xf32>, vector<1000x128xf32> -> vector<1000x128xf32>
    %swap3A = arith.constant 0 : index
    %swap3A_34 = arith.constant 0 : index
    %swap3A_35 = vector.load %arg8[%swap3A, %swap3A_34] : memref<1000x128xf32, #tpu.memory_space<vmem>>, vector<1000x128xf32>
    tpu.vector_store %arg8[%swap3A, %swap3A_34], %dot_general3A_33 {strides = array<i32>} : memref<1000x128xf32, #tpu.memory_space<vmem>>, vector<1000x128xf32>,
    %get3A_36 = arith.constant 0 : index
    %get3A_37 = arith.constant 0 : index
    %get3A_38 = vector.load %arg7[%get3A_36, %get3A_37] : memref<128x128xf32, #tpu.memory_space<vmem>>, vector<128x128xf32>
    %dot_general3A_39 = arith.constant dense<0.000000e+00> : vector<1000x128xf32>
    %dot_general3A_40 = tpu.matmul %mul3A, %get3A_38, %dot_general3A_39 {dimension_numbers = #tpu.dot_dimension_numbers<[1], [1], [0], [0], [0, 0, 1, 0], [], []>, transpose_lhs_hint = false} : vector<1000x128xf32>, vector<128x128xf32>, vector<1000x128xf32> -> vector<1000x128xf32>
    %swap3A_41 = arith.constant 0 : index
    %swap3A_42 = arith.constant 0 : index
    %swap3A_43 = vector.load %arg9[%swap3A_41, %swap3A_42] : memref<1000x128xf32, #tpu.memory_space<vmem>>, vector<1000x128xf32>
    tpu.vector_store %arg9[%swap3A_41, %swap3A_42], %dot_general3A_40 {strides = array<i32>} : memref<1000x128xf32, #tpu.memory_space<vmem>>, vector<1000x128xf32>,
    return
  }
  func.func @transform_0(%arg0: i32) -> (i32, i32) {
    %c0_i32 = arith.constant 0 : i32
    %c0_i32_0 = arith.constant 0 : i32
    return %arg0, %c0_i32 : i32, i32
  }
  func.func @transform_1(%arg0: i32) -> (i32, i32, i32) {
    %c0_i32 = arith.constant 0 : i32
    %c0_i32_0 = arith.constant 0 : i32
    %c0_i32_1 = arith.constant 0 : i32
    return %c0_i32, %arg0, %c0_i32_0 : i32, i32, i32
  }
  func.func @transform_2(%arg0: i32) -> (i32, i32) {
    %c0_i32 = arith.constant 0 : i32
    %c0_i32_0 = arith.constant 0 : i32
    return %arg0, %c0_i32 : i32, i32
  }
  func.func @transform_3(%arg0: i32) -> (i32, i32) {
    %c0_i32 = arith.constant 0 : i32
    %c0_i32_0 = arith.constant 0 : i32
    return %arg0, %c0_i32 : i32, i32
  }
  func.func @transform_4(%arg0: i32) -> (i32, i32) {
    %c0_i32 = arith.constant 0 : i32
    %c0_i32_0 = arith.constant 0 : i32
    %c0_i32_1 = arith.constant 0 : i32
    return %c0_i32, %c0_i32_0 : i32, i32
  }
  func.func @transform_5(%arg0: i32) -> (i32, i32) {
    %c0_i32 = arith.constant 0 : i32
    %c0_i32_0 = arith.constant 0 : i32
    %c0_i32_1 = arith.constant 0 : i32
    return %c0_i32, %c0_i32_0 : i32, i32
  }
  func.func @transform_6(%arg0: i32) -> (i32, i32) {
    %c0_i32 = arith.constant 0 : i32
    %c0_i32_0 = arith.constant 0 : i32
    %c0_i32_1 = arith.constant 0 : i32
    return %c0_i32, %c0_i32_0 : i32, i32
  }
  func.func @transform_7(%arg0: i32) -> (i32, i32) {
    %c0_i32 = arith.constant 0 : i32
    %c0_i32_0 = arith.constant 0 : i32
    return %arg0, %c0_i32 : i32, i32
  }
  func.func @transform_8(%arg0: i32) -> (i32, i32) {
    %c0_i32 = arith.constant 0 : i32
    %c0_i32_0 = arith.constant 0 : i32
    return %arg0, %c0_i32 : i32, i32
  }
}

module attributes {stable_mosaic.version = 14 : i64} {
  func.func @_post_body(%arg0: i32, %arg1: memref<1000x128xf32, #tpu.memory_space<vmem>>, %arg2: memref<2x1000x16xf32, #tpu.memory_space<vmem>>, %arg3: memref<1000x128xf32, #tpu.memory_space<vmem>>, %arg4: memref<1x128xf32, #tpu.memory_space<vmem>>, %arg5: memref<1000x128xf32, #tpu.memory_space<vmem>>) attributes {dimension_semantics = [#tpu.dimension_semantics<arbitrary>], iteration_bounds = array<i64: 10>, scalar_prefetch = 0 : i64, scratch_operands = 0 : i64, tpu.core_type = #tpu.core_type<tc>, window_params = [{transform_indices = @transform_0, window_bounds = array<i64: 1000, 128>}, {transform_indices = @transform_1, window_bounds = array<i64: 2, 1000, 16>}, {transform_indices = @transform_2, window_bounds = array<i64: 1000, 128>}, {pipeline_mode = #tpu.pipeline_mode<synchronous>, transform_indices = @transform_3, window_bounds = array<i64: 1, 128>}, {transform_indices = @transform_4, window_bounds = array<i64: 1000, 128>}]} {
    %get3A = arith.constant 0 : index
    %get3A_0 = arith.constant 0 : index
    %get3A_1 = arith.constant 0 : index
    %get3A_2 = vector.load %arg2[%get3A, %get3A_0, %get3A_1] : memref<2x1000x16xf32, #tpu.memory_space<vmem>>, vector<1x1000x1xf32>
    %get3A_3 = vector.shape_cast %get3A_2 : vector<1x1000x1xf32> to vector<1000x1xf32>
    %get3A_4 = arith.constant 1 : index
    %get3A_5 = arith.constant 0 : index
    %get3A_6 = arith.constant 0 : index
    %get3A_7 = vector.load %arg2[%get3A_4, %get3A_5, %get3A_6] : memref<2x1000x16xf32, #tpu.memory_space<vmem>>, vector<1x1000x1xf32>
    %get3A_8 = vector.shape_cast %get3A_7 : vector<1x1000x1xf32> to vector<1000x1xf32>
    %add3A = arith.addf %get3A_3, %get3A_8 : vector<1000x1xf32>
    %max3A = arith.constant 1.000000e+00 : f32
    %max3A_9 = vector.broadcast %max3A : f32 to vector<1000x1xf32>
    %max3A_10 = arith.maximumf %add3A, %max3A_9 : vector<1000x1xf32>
    %get3A_11 = arith.constant 0 : index
    %get3A_12 = arith.constant 0 : index
    %get3A_13 = vector.load %arg1[%get3A_11, %get3A_12] : memref<1000x128xf32, #tpu.memory_space<vmem>>, vector<1000x128xf32>
    %div3A = vector.broadcast %max3A_10 : vector<1000x1xf32> to vector<1000x128xf32>
    %div3A_14 = arith.divf %get3A_13, %div3A : vector<1000x128xf32>
    %get3A_15 = arith.constant 0 : index
    %get3A_16 = arith.constant 0 : index
    %get3A_17 = vector.load %arg4[%get3A_15, %get3A_16] : memref<1x128xf32, #tpu.memory_space<vmem>>, vector<1x128xf32>
    %add3A_18 = vector.broadcast %get3A_17 : vector<1x128xf32> to vector<1000x128xf32>
    %add3A_19 = arith.addf %div3A_14, %add3A_18 : vector<1000x128xf32>
    %get3A_20 = arith.constant 0 : index
    %get3A_21 = arith.constant 0 : index
    %get3A_22 = vector.load %arg3[%get3A_20, %get3A_21] : memref<1000x128xf32, #tpu.memory_space<vmem>>, vector<1000x128xf32>
    %add3A_23 = arith.addf %add3A_19, %get3A_22 : vector<1000x128xf32>
    %swap3A = arith.constant 0 : index
    %swap3A_24 = arith.constant 0 : index
    %swap3A_25 = vector.load %arg5[%swap3A, %swap3A_24] : memref<1000x128xf32, #tpu.memory_space<vmem>>, vector<1000x128xf32>
    tpu.vector_store %arg5[%swap3A, %swap3A_24], %add3A_23 {strides = array<i32>} : memref<1000x128xf32, #tpu.memory_space<vmem>>, vector<1000x128xf32>,
    return
  }
  func.func @transform_0(%arg0: i32) -> (i32, i32) {
    %c0_i32 = arith.constant 0 : i32
    %c0_i32_0 = arith.constant 0 : i32
    return %arg0, %c0_i32 : i32, i32
  }
  func.func @transform_1(%arg0: i32) -> (i32, i32, i32) {
    %c0_i32 = arith.constant 0 : i32
    %c0_i32_0 = arith.constant 0 : i32
    %c0_i32_1 = arith.constant 0 : i32
    return %c0_i32, %arg0, %c0_i32_0 : i32, i32, i32
  }
  func.func @transform_2(%arg0: i32) -> (i32, i32) {
    %c0_i32 = arith.constant 0 : i32
    %c0_i32_0 = arith.constant 0 : i32
    return %arg0, %c0_i32 : i32, i32
  }
  func.func @transform_3(%arg0: i32) -> (i32, i32) {
    %c0_i32 = arith.constant 0 : i32
    %c0_i32_0 = arith.constant 0 : i32
    %c0_i32_1 = arith.constant 0 : i32
    return %c0_i32, %c0_i32_0 : i32, i32
  }
  func.func @transform_4(%arg0: i32) -> (i32, i32) {
    %c0_i32 = arith.constant 0 : i32
    %c0_i32_0 = arith.constant 0 : i32
    return %arg0, %c0_i32 : i32, i32
  }
}

</mosaic_0001>

<sc_bundles>
// kernel: kernel.10.cloned.1.call-start
scs
__scs_entry_jumppad:
0x0: {  	(pc) =	sbr.rel $0x88, $3  }
0x1: {  	(tag) =	ssettag $0x0;
	lr =	simm.s32 $0x1  }
0x2: {  	[smem:$0x3F99] =	sst lr;
	_ =	strace $0xD0000000  }
0x3: {  	_ = 	snop  }
0x4: {  	_ = 	snop  }
0x5: {  	_ = 	snop  }
0x6: {  	_ = 	snop  }
0x7: {  	_ = 	snop  }
__scs_overlays_trampoline_lowered:
0x8: {  	[smem:$0x3FA8] =	sst s0  }
0x9: {  	[smem:$0x3FA9] =	sst s1  }
0xa: {  	[smem:$0x3FAA] =	sst s2  }
0xb: {  	[smem:$0x3FAB] =	sst s3  }
0xc: {  	[smem:$0x3FAC] =	sst s4  }
0xd: {  	[smem:$0x3FAD] =	sst s5  }
0xe: {  	[smem:$0x3FAE] =	sst s6  }
0xf: {  	[smem:$0x3FAF] =	sst s7  }
0x10: {  	[smem:$0x3FB0] =	sst s8  }
0x11: {  	[smem:$0x3FB1] =	sst s9;
	s0 =	simm.s32 @!p0 $0x0  }
0x12: {  	s1 =	sld [smem:$0x3F97];
	s0 =	simm.s32 @p0 $0x1  }
0x13: {  	[smem:$0x3FB2] =	sst s0;
	s0 =	simm.s32 @!p1 $0x0  }
0x14: {  	s2 =	sld [smem:$0x3F96];
	s0 =	simm.s32 @p1 $0x1  }
0x15: {  	[smem:$0x3FB3] =	sst s0;
	s0 =	simm.s32 @!p2 $0x0  }
0x16: {  	s3 =	sld [smem:$0x3FDB];
	s0 =	simm.s32 @p2 $0x1  }
0x17: {  	s4 =	simm.s32 $0x1BF5;
	[smem:$0x3FB5] =	sst s0  }
0x18: {  	s0 =	sld [smem:$0x3F98];
	_ =	swait.ge [sflag:s4], $0x0  }
0x19: {  	s7 =	sld [smem:$0x3F99]  }
0x1a: {  	s8 =	sadd.s32 $0xFFFFE003, lr  }
0x1b: {  	s9 =	sadd.s32 $0xFFFFFEF7, lr;
	s5 =	simm.s32 $0xFFFFFFFF;
	p2 =	slt.u32 s8, $0xFFFFF086  }
0x1c: {  	p1 =	slt.u32 s9, $0xF7A;
	s5 =	simm.s32 @!p2 $0x0  }
0x1d: {  	s5 =	simm.s32 @p1 $0x1;
	p0 =	seq.s32 s7, s2  }
0x1e: {  	s7 =	smul.u32 @!p0 $0xF7A, s2;
	p2 =	seq.s32 @!p0 s5, $0x0  }
0x1f: {  	s9 =	smul.u32 $0xF7A, s1;
	s8 =	simm.s32 @!p0 $0x1BF5;
	p2 =	por !p2, p0  }
0x20: {  	[sflag:s8] =	ssyncset.s32 @!p0 $0xFFFFF086;
	s6 =	sadd.s32 @!p0 s3, s7;
	s7 =	simm.s32 @!p0 $0x108  }
0x21: {  	s3 =	sadd.s32 s3, s9;
	s6 =	sadd.s32 @!p0 $0x88, s6;
	s7 =	simm.s32 @p2 $0x1082  }
0x22: {  	[simem:s7], [sflag:s8] =	dma.local @!p0 [hbm:s6], $0xF7A  }
0x23: {  	s9 =	sor.u32 $0xD0000000, s2;
	s6 =	simm.s32 $0x108;
	_ =	swait.ge @!p0 [sflag:s8], $0x0  }
0x24: {  	s3 =	sadd.s32 $0x88, s3;
	s6 =	simm.s32 @!p1 $0x1082;
	[sflag:s4] =	ssyncset.s32 $0xFFFFF086  }
0x25: {  	[simem:s6], [sflag:s4] =	dma.local [hbm:s3], $0xF7A  }
0x26: {  	[smem:$0x3F99] =	sst s1;
	(tag) =	ssettag s2;
	_ =	strace s9  }
0x27: {  	s1 =	sld [smem:$0x3FA9]  }
0x28: {  	s2 =	sld [smem:$0x3FAA]  }
0x29: {  	s4 =	sld [smem:$0x3FAC]  }
0x2a: {  	p0 =	seq.s32 s5, $0x0;
	s5 =	sld [smem:$0x3FAD]  }
0x2b: {  	s6 =	sld [smem:$0x3FAE]  }
0x2c: {  	s7 =	sld [smem:$0x3FAF]  }
0x2d: {  	s3 =	simm.s32 $0x108;
	s8 =	sld [smem:$0x3FB0]  }
0x2e: {  	s3 =	simm.s32 @!p0 $0x1082;
	s9 =	sld [smem:$0x3FB1]  }
0x2f: {  	lr =	sadd.s32 s0, s3;
	s0 =	sld [smem:$0x3FA8]  }
0x30: {  	s3 =	sld [smem:$0x3FAB]  }
0x31: {  	[smem:$0x3FB4] =	sst s10  }
0x32: {  	s10 =	sld [smem:$0x3FB2];
	_ =	sdelay $0x3  }
0x33: {  	p0 =	seq.s32 s10, $0x1;
	s10 =	sld [smem:$0x3FB4];
	_ =	sdelay $0x3  }
0x34: {  	[smem:$0x3FB4] =	sst s10  }
0x35: {  	s10 =	sld [smem:$0x3FB3];
	_ =	sdelay $0x3  }
0x36: {  	p1 =	seq.s32 s10, $0x1;
	s10 =	sld [smem:$0x3FB4];
	_ =	sdelay $0x3  }
0x37: {  	[smem:$0x3FB4] =	sst s10  }
0x38: {  	s10 =	sld [smem:$0x3FB5]  }
0x39: {  	_ = 	snop;
	(pc) =	sbr.ind lr, $3  }
0x3a: {  	_ = 	snop  }
0x3b: {  	_ = 	snop  }
0x3c: {  	p2 =	seq.s32 s10, $0x1;
	s10 =	sld [smem:$0x3FB4]  }
0x3d: {  	_ =	shalt  }
0x3e: {  	_ =	shalt  }
0x3f: {  	_ =	shalt  }
0x40: {  	_ =	shalt  }
0x41: {  	_ =	shalt  }
0x42: {  	_ =	shalt  }
0x43: {  	_ =	shalt  }
0x44: {  	_ =	shalt  }
0x45: {  	_ =	shalt  }
0x46: {  	_ =	shalt  }
0x47: {  	_ =	shalt  }
0x48: {  	_ =	shalt  }
0x49: {  	_ =	shalt  }
0x4a: {  	_ =	shalt  }
0x4b: {  	_ =	shalt  }
0x4c: {  	_ =	shalt  }
0x4d: {  	_ =	shalt  }
0x4e: {  	_ =	shalt  }
0x4f: {  	_ =	shalt  }
0x50: {  	_ =	shalt  }
0x51: {  	_ =	shalt  }
0x52: {  	_ =	shalt  }
0x53: {  	_ =	shalt  }
0x54: {  	_ =	shalt  }
0x55: {  	_ =	shalt  }
0x56: {  	_ =	shalt  }
0x57: {  	_ =	shalt  }
0x58: {  	_ =	shalt  }
0x59: {  	_ =	shalt  }
0x5a: {  	_ =	shalt  }
0x5b: {  	_ =	shalt  }
0x5c: {  	_ =	shalt  }
0x5d: {  	_ =	shalt  }
0x5e: {  	_ =	shalt  }
0x5f: {  	_ =	shalt  }
0x60: {  	_ =	shalt  }
0x61: {  	_ =	shalt  }
0x62: {  	_ =	shalt  }
0x63: {  	_ =	shalt  }
0x64: {  	_ =	shalt  }
0x65: {  	_ =	shalt  }
0x66: {  	_ =	shalt  }
0x67: {  	_ =	shalt  }
0x68: {  	_ =	shalt  }
0x69: {  	_ =	shalt  }
0x6a: {  	_ =	shalt  }
0x6b: {  	_ =	shalt  }
0x6c: {  	_ =	shalt  }
0x6d: {  	_ =	shalt  }
0x6e: {  	_ =	shalt  }
0x6f: {  	_ =	shalt  }
0x70: {  	_ =	shalt  }
0x71: {  	_ =	shalt  }
0x72: {  	_ =	shalt  }
0x73: {  	_ =	shalt  }
0x74: {  	_ =	shalt  }
0x75: {  	_ =	shalt  }
0x76: {  	_ =	shalt  }
0x77: {  	_ =	shalt  }
0x78: {  	_ =	shalt  }
0x79: {  	_ =	shalt  }
0x7a: {  	_ =	shalt  }
0x7b: {  	_ =	shalt  }
0x7c: {  	_ =	shalt  }
0x7d: {  	_ =	shalt  }
0x7e: {  	_ =	shalt  }
0x7f: {  	_ =	shalt  }
0x80: {  	_ =	shalt  }
0x81: {  	_ =	shalt  }
0x82: {  	_ =	shalt  }
0x83: {  	_ =	shalt  }
0x84: {  	_ =	shalt  }
0x85: {  	_ =	shalt  }
0x86: {  	_ =	shalt  }
0x87: {  	_ =	shalt  }
.Lfunc_end0:
.L_simem_size_0:
called_computation.1_lowered:
.L_overlay_start_0:
0x88: {  	s2 =	sld [smem:$0x3FD9]  }
0x89: {  	s3 =	sld [smem:$0x3FFE];
	_ =	sdelay $0x1  }
0x8a: {  	s1 =	srdreg.scid  }
0x8b: {  	s0 =	sand.u32 $0x1, s1  }
0x8c: {  	s17 =	sshll.u32 s0, $0xA;
	s2 =	sadd.s32 s3, s2  }
0x8d: {  	s2 =	sadd.s32 s2, s17  }
0x8e: {  	[smem:$0x3FC0] =	sst s2  }
0x8f: {  	_ = 	snop  }
0x90: {  	s2 =	sld [smem:$0x3FD0];
	(tm) =	ssettm $0x1  }
0x91: {  	s18 =	sld [smem:$0x3FFB];
	_ =	sdelay $0x3  }
0x92: {  	_ =	strace s18  }
0x93: {  	s3 =	sld [smem:$0x3FFC];
	_ =	sdelay $0x3  }
0x94: {  	_ =	strace s3  }
0x95: {  	s3 =	sld [smem:$0x3FFD];
	_ =	sdelay $0x3  }
0x96: {  	_ =	strace s3  }
0x97: {  	_ =	strace $0x8FFFFFFF  }
0x98: {  	s19 =	sld [smem:$0x3FDB];
	_ =	sdelay $0x1  }
0x99: {  	s4 =	simm.s32 $_scs_section_size  }
0x9a: {  	s5 =	simm.s32 $_size__tile_overlayer_lowered;
	s6 =	simm.s32 $_tile_overlayer_lowered  }
0x9b: {  	s22 =	simm.s32 $0x1BFF;
	s21 =	sshll.u32 s6, $0x1;
	s3 =	sadd.s32 s4, s19  }
0x9c: {  	s7 =	simm.s32 $0x0;
	s20 =	sshll.u32 s5, $0x1;
	s5 =	sadd.s32 s21, s3  }
0x9d: {  	[timem:s7], [sflag:s22] =	dma.local [hbm:s5], s20  }
0x9e: {  	_ =	swait.ge [sflag:s22], s20  }
0x9f: {  	s4 =	ssub.s32 $0x0, s20;
	[sflag:s22] =	ssyncset.done $0x0  }
0xa0: {  	[sflag:s22] =	ssyncadd.s32 s4;
	_ =	sdelay $0x1  }
0xa1: {  	s23 =	simm.s32 $0x1B8B  }
0xa2: {  	_ =	swait.ge [sflag:s23], $0x1  }
0xa3: {  	[sflag:s23] =	ssyncset.done $0x0  }
0xa4: {  	s25 =	simm.s32 $0x1B8E;
	s24 =	sld [smem:$0x3FFE];
	[sflag:s23] =	ssyncadd.s32 $0xFFFFFFFF  }
0xa5: {  	s26 =	simm.s32 $execute0_lowered;
	[smem:$0x3FD2] =	sst s25  }
0xa6: {  	s5 =	sshll.u32 s26, $0x1;
	_ =	strace $0x80000049;
	[dreg:$0x1] =	wrdreg $0xFFFFFFFF  }
0xa7: {  	s28 =	simm.s32 $_size_execute0_lowered;
	s3 =	sadd.s32 s3, s5;
	[dreg:$0x0] =	wrdreg $0x0  }
0xa8: {  	s5 =	sshll.u32 s28, $0x1;
	[dreg:$0x2] =	wrdreg s3  }
0xa9: {  	[dreg:$0x3] =	wrdreg s5  }
0xaa: {  	[dreg:$0x4] =	wrdreg $0xC0  }
0xab: {  	_ =	task [dreg:s7], $0x5FFFF  }
0xac: {  	[dreg:$0x1] =	wrdreg $0xFFFFFFFF  }
0xad: {  	[dreg:$0x0] =	wrdreg $0x60  }
0xae: {  	[dreg:$0x2] =	wrdreg s2  }
0xaf: {  	[dreg:$0x3] =	wrdreg s24  }
0xb0: {  	[dreg:$0x4] =	wrdreg $0x116200  }
0xb1: {  	[dreg:$0x5] =	wrdreg $0x9  }
0xb2: {  	_ =	task.clear_ibuf [dreg:s7], $0x6FFFF;
	_ =	strace $0x90000049  }
0xb3: {  	s29 =	simm.s32 $0x9;
	_ =	strace $0x8000004B  }
0xb4: {  	_ =	swait.ge [sflag:s29], $0x1  }
0xb5: {  	[sflag:s29] =	ssyncadd.s32 $0xFFFFFFFF  }
0xb6: {  	_ =	strace $0x9000004B  }
0xb7: {  	_ =	sfence  }
0xb8: {  	s30 =	sld [smem:$0x0];
	_ =	sdelay $0x2  }
0xb9: {  	s31 =	sshll.u32 s1, $0xD;
	s1 =	sshrl.u32 s1, $0x2  }
0xba: {  	s3 =	sand.u32 $0x4000, s31;
	s1 =	sadd.s32 s1, s30  }
0xbb: {  	s0 =	sor.u32 s3, s0;
	s1 =	sshll.u32 s1, $0x11  }
0xbc: {  	s0 =	sor.u32 s1, s0  }
0xbd: {  	s0 =	sadd.s32 $0x8F2B, s0  }
0xbe: {  	[sflag:s0] =	ssyncadd.remote.s32 $0x1  }
0xbf: {  	_ =	sfence.sel $0xFFFF  }
0xc0: {  	[dreg:$0x0] =	wrdreg $0xFFFFFFFF;
	(pc) =	sbr.abs _section_cstart, $3  }
0xc1: {  	[dreg:$0x1] =	wrdreg $0xFFFFFFFF  }
0xc2: {  	_ =	task.clear_ibuf [dreg:s7], $0x2FFFF;
	_ =	strace $0x9FFFFFFF  }
0xc3: {  	(tm) =	ssettm $0x7FFFFFFF  }
tec
execute0_lowered:
.L_overlay_start_1:
0x0: {  	(tag) =	ssettag $0x1  }
0x1: {  	s5 =	rddreg [dreg:$0x0]  }
0x2: {  	s6 =	rddreg [dreg:$0x1];
	s1 =	srdreg.scid  }
0x3: {  	s0 =	stileid.u32;
	s2 =	rddreg [dreg:$0x2];
	s3 =	simm.s32 $0x0  }
0x4: {  	s13 =	simm.s32 $0x7;
	s14 =	simm.s32 $0x4E20;
	s15 =	simm.s32 $0x9C40  }
0x5: {  	s16 =	simm.s32 $0xA0;
	s17 =	simm.s32 $0x11440;
	s18 =	simm.s32 $0x114E0  }
0x6: {  	s19 =	simm.s32 $0xC440;
	s20 =	simm.s32 $0x5;
	s21 =	simm.s32 $0x1  }
0x7: {  	s23 =	simm.s32 $0x8;
	s24 =	simm.s32 $0x0;
	s4 =	smul.u32 $0x14000, s0  }
0x8: {  	s22 =	sand.u32 $0x1, s1;
	[smem:$0x7FF] =	sst s3;
	s29 =	smul.u32 $0x4E20, s0  }
0x9: {  	s9 =	smul.u32 $0x28000, s0;
	s7 =	sshll.u32 s22, $0x6;
	_ =	strace $0x8000004A  }
0xa: {  	s30 =	ssub.s32 $0x2, s22;
	v0 =	vmov s22;
	s22 =	simm.s32 $0x10;
	s4 =	sor.u32 s7, s4  }
0xb: {  	s31 =	sshrl.u32 s30, $0x1;
	s7 =	sshrl.u32 s29, $0x3;
	s9 =	sshrl.u32 s9, $0x2  }
0xc: {  	s8 =	sshrl.u32 s4, $0x3;
	s4 =	sadd.s32 $0x3C00, s6;
	s12 =	ssub.s32 s30, s31  }
0xd: {  	s5 =	sadd.s32 s5, s7;
	s11 =	sadd.s32 s8, s6;
	s6 =	sadd.s32 s9, s2  }
0xe: {  	s7 =	sadd.s32 $0x9C40, s5;
	s12 =	smax.u32 s12, $0x1;
	s8 =	sadd.s32 $0x2800, s6  }
0xf: {  	v1 =	vimm.f32 $0.0e+00;
	s9 =	sadd.s32 $0x5000, s6;
	s10 =	sadd.s32 $0x7800, s6;
	s11 =	sadd.s32 $0x2BC00, s11  }
.LBB2_1:
0x10: {  	[tilespmem:s3], [sflag:$0x7] =	stream.linear.gather [hbm4b:s5+s3], $0x4E20, $0x38;
	[tilespmem:$0x1B620] =	vst v63  }
0x11: {  	_ =	swait.ge [sflag:s13], $0x4E20  }
0x12: {  	[sflag:s13] =	ssyncset.done $0x0  }
0x13: {  	[sflag:s13] =	ssyncadd.s32 $0xFFFFB1E0  }
0x14: {  	[tilespmem:s14], [sflag:$0x7] =	stream.linear.gather [hbm4b:s7+s3], $0x4E20, $0x38;
	[tilespmem:$0x1B620] =	vst v63  }
0x15: {  	_ =	swait.ge [sflag:s13], $0x4E20  }
0x16: {  	[sflag:s13] =	ssyncset.done $0x0  }
0x17: {  	s26 =	simm.s32 $0x100;
	s25 =	simm.s32 $0x0;
	[sflag:s13] =	ssyncadd.s32 $0xFFFFB1E0  }
.LBB2_2:
0x18: {  	p0 =	sne.s32 s26, $0x9F00;
	[tilespmem:s25+$0x9C70] =	vst v1;
	s28 =	smov.u32 s26;
	s26 =	sadd.s32 $0x100, s26  }
.Ltmp0:
0x19: {  	[tilespmem:s25+$0x9C60] =	vst v1;
	(pc) =	sbr.rel @p0 .LBB2_2-.Ltmp0, $3  }
0x1a: {  	[tilespmem:s25+$0x9C40] =	vst v1  }
0x1b: {  	[tilespmem:s25+$0x9C50] =	vst v1;
	_ =	sdelay $0x1  }
0x1c: {  	s25 =	sshra.s32 s28, $0x2  }
0x1d: {  	[tilespmem:s25+$0x9C70] =	vst v1  }
0x1e: {  	[tilespmem:s25+$0x9C60] =	vst v1  }
0x1f: {  	[tilespmem:s25+$0x9C40] =	vst v1  }
0x20: {  	[tilespmem:s25+$0x9C50] =	vst v1  }
0x21: {  	[spmem:s6] =	stream.linear.scatter [tilespmem:s15], [sflag:$0x7], $0x2800, $0x38;
	[tilespmem:$0x1B620] =	vst v63  }
0x22: {  	_ =	swait.ge [sflag:s13], $0x2800  }
0x23: {  	[sflag:s13] =	ssyncset.done $0x0  }
0x24: {  	[sflag:s13] =	ssyncadd.s32 $0xFFFFD800  }
0x25: {  	[spmem:s8] =	stream.linear.scatter [tilespmem:s15], [sflag:$0x7], $0x2800, $0x38;
	[tilespmem:$0x1B620] =	vst v63  }
0x26: {  	_ =	swait.ge [sflag:s13], $0x2800  }
0x27: {  	[sflag:s13] =	ssyncset.done $0x0  }
0x28: {  	[sflag:s13] =	ssyncadd.s32 $0xFFFFD800  }
0x29: {  	[spmem:s9] =	stream.linear.scatter [tilespmem:s15], [sflag:$0x7], $0x2800, $0x38;
	[tilespmem:$0x1B620] =	vst v63  }
0x2a: {  	_ =	swait.ge [sflag:s13], $0x2800  }
0x2b: {  	[sflag:s13] =	ssyncset.done $0x0  }
0x2c: {  	[sflag:s13] =	ssyncadd.s32 $0xFFFFD800  }
0x2d: {  	[spmem:s10] =	stream.linear.scatter [tilespmem:s15], [sflag:$0x7], $0x2800, $0x38;
	[tilespmem:$0x1B620] =	vst v63  }
0x2e: {  	_ =	swait.ge [sflag:s13], $0x2800  }
0x2f: {  	[sflag:s13] =	ssyncset.done $0x0  }
0x30: {  	[sflag:s13] =	ssyncadd.s32 $0xFFFFD800  }
0x31: {  	[bflag:$0x0] =	sbarrier.arrive $0xFFFF  }
0x32: {  	v2 =	vld [tilespmem:$0x0]  }
0x33: {  	v3 =	vld [tilespmem:$0x10]  }
0x34: {  	v4 =	vld [tilespmem:$0x20]  }
0x35: {  	v5 =	vld [tilespmem:$0x30]  }
0x36: {  	v6 =	vld [tilespmem:$0x40]  }
0x37: {  	v7 =	vld [tilespmem:$0x50];
	v2 =	vshll.u32 v2, $0x1  }
0x38: {  	v8 =	vld [tilespmem:$0x60];
	v3 =	vshll.u32 v3, $0x1;
	v2 =	vor.u32 v0, v2  }
0x39: {  	v53 =	vld [tilespmem:$0x70];
	[tilespmem:$0x11440] =	vst v2;
	v2 =	vor.u32 v0, v3;
	v3 =	vshll.u32 v4, $0x1  }
0x3a: {  	v54 =	vld [tilespmem:$0x80];
	[tilespmem:$0x11450] =	vst v2;
	v2 =	vor.u32 v0, v3;
	v3 =	vshll.u32 v5, $0x1  }
0x3b: {  	v55 =	vld [tilespmem:$0x90];
	[tilespmem:$0x11460] =	vst v2;
	v2 =	vor.u32 v0, v3;
	v3 =	vshll.u32 v6, $0x1  }
0x3c: {  	[tilespmem:$0x11470] =	vst v2;
	v2 =	vor.u32 v0, v3;
	v3 =	vshll.u32 v7, $0x1  }
0x3d: {  	[tilespmem:$0x11480] =	vst v2;
	v2 =	vor.u32 v0, v3;
	v3 =	vshll.u32 v8, $0x1  }
0x3e: {  	[tilespmem:$0x11490] =	vst v2;
	v2 =	vor.u32 v0, v3;
	v3 =	vshll.u32 v53, $0x1  }
0x3f: {  	[tilespmem:$0x114A0] =	vst v2;
	v2 =	vor.u32 v0, v3;
	v3 =	vshll.u32 v54, $0x1  }
0x40: {  	[tilespmem:$0x114B0] =	vst v2;
	v2 =	vor.u32 v0, v3;
	v3 =	vshll.u32 v55, $0x1  }
0x41: {  	[tilespmem:$0x114C0] =	vst v2;
	v2 =	vor.u32 v0, v3  }
0x42: {  	[tilespmem:$0x114D0] =	vst v2  }
0x43: {  	[tilespmem:s15], [sflag:$0x1] =	stream.indirect.gather [hbm4b:s4+s16], $0x40, s17, s16, $0xb8;
	[tilespmem:$0x1B620] =	vst v63  }
0x44: {  	v2 =	vld [tilespmem:$0xA0]  }
0x45: {  	v3 =	vld [tilespmem:$0xB0]  }
0x46: {  	v56 =	vld [tilespmem:$0xC0]  }
0x47: {  	v57 =	vld [tilespmem:$0xD0]  }
0x48: {  	v58 =	vld [tilespmem:$0xE0]  }
0x49: {  	v59 =	vld [tilespmem:$0xF0];
	v2 =	vshll.u32 v2, $0x1  }
0x4a: {  	v60 =	vld [tilespmem:$0x100];
	v3 =	vshll.u32 v3, $0x1;
	v2 =	vor.u32 v0, v2  }
0x4b: {  	v61 =	vld [tilespmem:$0x110];
	[tilespmem:$0x114E0] =	vst v2;
	v2 =	vor.u32 v0, v3;
	v3 =	vshll.u32 v56, $0x1  }
0x4c: {  	v62 =	vld [tilespmem:$0x120];
	[tilespmem:$0x114F0] =	vst v2;
	v2 =	vor.u32 v0, v3;
	v3 =	vshll.u32 v57, $0x1  }
0x4d: {  	v63 =	vld [tilespmem:$0x130];
	[tilespmem:$0x11500] =	vst v2;
	v2 =	vor.u32 v0, v3;
	v3 =	vshll.u32 v58, $0x1  }
0x4e: {  	[tilespmem:$0x11510] =	vst v2;
	v2 =	vor.u32 v0, v3;
	v3 =	vshll.u32 v59, $0x1  }
0x4f: {  	[tilespmem:$0x11520] =	vst v2;
	v2 =	vor.u32 v0, v3;
	v3 =	vshll.u32 v60, $0x1  }
0x50: {  	[tilespmem:$0x11530] =	vst v2;
	v2 =	vor.u32 v0, v3;
	v3 =	vshll.u32 v61, $0x1  }
0x51: {  	[tilespmem:$0x11540] =	vst v2;
	v2 =	vor.u32 v0, v3;
	v3 =	vshll.u32 v62, $0x1  }
0x52: {  	[tilespmem:$0x11550] =	vst v2;
	v2 =	vor.u32 v0, v3;
	v3 =	vshll.u32 v63, $0x1  }
0x53: {  	[tilespmem:$0x11560] =	vst v2;
	v2 =	vor.u32 v0, v3  }
0x54: {  	s25 =	simm.s32 $0x0;
	s26 =	simm.s32 $0x4E20;
	s28 =	simm.s32 $0x1D0;
	[tilespmem:$0x11570] =	vst v2  }
0x55: {  	[tilespmem:s19], [sflag:$0x2] =	stream.indirect.gather [hbm4b:s4+s16], $0x40, s18, s16, $0xb8;
	[tilespmem:$0x1B620] =	vst v63  }
.LBB2_4:
0x56: {  	s29 =	smul.u32 $0xAB, s25;
	_ =	sdelay $0x1  }
0x57: {  	s30 =	sadd.s32 $0x156, s29  }
0x58: {  	s30 =	sshrl.u32 s30, $0x9  }
0x59: {  	s30 =	sand.u32 $0x7F, s30  }
0x5a: {  	s30 =	smul.u32 $0x3, s30;
	_ =	sdelay $0x1  }
0x5b: {  	s30 =	ssub.s32 s25, s30  }
0x5c: {  	s30 =	sadd.s32 $0x2, s30  }
0x5d: {  	p0 =	seq.s32 s25, $0x0;
	s30 =	sand.u32 $0xFF, s30  }
0x5e: {  	s31 =	sadd.s32 @!p0 $0x4, s30  }
0x5f: {  	_ =	swait.ge @!p0 [sflag:s31], $0x2800  }
0x60: {  	p1 =	sgt.u32 @!p0 s25, $0x7A;
	[sflag:s31] =	ssyncset.done @!p0 $0x0  }
0x61: {  	p1 =	por p0, !p1;
	[sflag:s31] =	ssyncadd.s32 @!p0 $0xFFFFD800  }
0x62: {  	v2 =	vld @p1 [tilespmem:s28+$0xFFFFFF70];
	_ =	sdelay $0x3  }
0x63: {  	s31 =	smul.u32 @p1 $0x280, s30  }
0x64: {  	v2 =	vshll.u32 @p1 v2, $0x1  }
0x65: {  	s31 =	sshrl.u32 @p1 s31, $0x2;
	v2 =	vor.u32 @p1 v0, v2  }
0x66: {  	[tilespmem:s31+$0x11440] =	vst @p1 v2  }
0x67: {  	v2 =	vld @p1 [tilespmem:s28+$0xFFFFFF80];
	_ =	sdelay $0x4  }
0x68: {  	v2 =	vshll.u32 @p1 v2, $0x1  }
0x69: {  	v2 =	vor.u32 @p1 v0, v2  }
0x6a: {  	[tilespmem:s31+$0x11450] =	vst @p1 v2  }
0x6b: {  	v2 =	vld @p1 [tilespmem:s28+$0xFFFFFF90];
	_ =	sdelay $0x4  }
0x6c: {  	v2 =	vshll.u32 @p1 v2, $0x1  }
0x6d: {  	v2 =	vor.u32 @p1 v0, v2  }
0x6e: {  	[tilespmem:s31+$0x11460] =	vst @p1 v2  }
0x6f: {  	v2 =	vld @p1 [tilespmem:s28+$0xFFFFFFA0];
	_ =	sdelay $0x4  }
0x70: {  	v2 =	vshll.u32 @p1 v2, $0x1  }
0x71: {  	v2 =	vor.u32 @p1 v0, v2  }
0x72: {  	[tilespmem:s31+$0x11470] =	vst @p1 v2  }
0x73: {  	v2 =	vld @p1 [tilespmem:s28+$0xFFFFFFB0];
	_ =	sdelay $0x4  }
0x74: {  	v2 =	vshll.u32 @p1 v2, $0x1  }
0x75: {  	v2 =	vor.u32 @p1 v0, v2  }
0x76: {  	[tilespmem:s31+$0x11480] =	vst @p1 v2  }
0x77: {  	v2 =	vld @p1 [tilespmem:s28+$0xFFFFFFC0];
	_ =	sdelay $0x4  }
0x78: {  	v2 =	vshll.u32 @p1 v2, $0x1  }
0x79: {  	v2 =	vor.u32 @p1 v0, v2  }
0x7a: {  	[tilespmem:s31+$0x11490] =	vst @p1 v2  }
0x7b: {  	v2 =	vld @p1 [tilespmem:s28+$0xFFFFFFD0];
	_ =	sdelay $0x4  }
0x7c: {  	v2 =	vshll.u32 @p1 v2, $0x1  }
0x7d: {  	v2 =	vor.u32 @p1 v0, v2  }
0x7e: {  	[tilespmem:s31+$0x114A0] =	vst @p1 v2  }
0x7f: {  	v2 =	vld @p1 [tilespmem:s28+$0xFFFFFFE0];
	_ =	sdelay $0x4  }
0x80: {  	v2 =	vshll.u32 @p1 v2, $0x1  }
0x81: {  	v2 =	vor.u32 @p1 v0, v2  }
0x82: {  	[tilespmem:s31+$0x114B0] =	vst @p1 v2  }
0x83: {  	v2 =	vld @p1 [tilespmem:s28+$0xFFFFFFF0];
	_ =	sdelay $0x4  }
0x84: {  	v2 =	vshll.u32 @p1 v2, $0x1  }
0x85: {  	v2 =	vor.u32 @p1 v0, v2  }
0x86: {  	[tilespmem:s31+$0x114C0] =	vst @p1 v2  }
0x87: {  	v2 =	vld @p1 [tilespmem:s28+$0x0];
	_ =	sdelay $0x3  }
0x88: {  	s1 =	smul.u32 @p1 $0xA000, s30  }
0x89: {  	v2 =	vshll.u32 @p1 v2, $0x1  }
0x8a: {  	s1 =	sshrl.u32 @p1 s1, $0x2;
	v2 =	vor.u32 @p1 v0, v2  }
0x8b: {  	s1 =	sadd.s32 @p1 $0x9C40, s1;
	s30 =	sadd.s32 @p1 $0x1, s30;
	[tilespmem:s31+$0x114D0] =	vst @p1 v2;
	s31 =	sadd.s32 @p1 $0x11440, s31  }
0x8c: {  	[tilespmem:s1], [sflag:s30] =	stream.indirect.gather @p1 [hbm4b:s4+s16], $0x40, s31, s16, $0xb8;
	[tilespmem:$0x1B620] =	vst v63  }
0x8d: {  	s30 =	sshrl.u32 s29, $0x9  }
0x8e: {  	s1 =	sand.u32 $0x7F, s30  }
0x8f: {  	s1 =	smul.u32 $0x3, s1;
	_ =	sdelay $0x1  }
0x90: {  	s1 =	ssub.s32 s25, s1  }
0x91: {  	s25 =	sadd.s32 $0x1, s25;
	s1 =	sand.u32 $0xFF, s1  }
0x92: {  	p0 =	sne.s32 s25, $0x7D;
	s29 =	smul.u32 $0xA000, s1;
	s31 =	sadd.s32 $0x1, s1  }
.Ltmp1:
0x93: {  	_ =	swait.ge [sflag:s31], $0x2800;
	(pc) =	sbr.rel @p0 .LBB2_4-.Ltmp1, $4  }
0x94: {  	s29 =	sshrl.u32 s29, $0x2;
	[sflag:s31] =	ssyncset.done $0x0  }
0x95: {  	s1 =	sadd.s32 $0x4, s1;
	s29 =	sadd.s32 $0x9C40, s29;
	[sflag:s31] =	ssyncadd.s32 $0xFFFFD800  }
0x96: {  	[spmem:s2] =	stream.indirect.scatter.add.f32 [tilespmem:s29], [sflag:s1], $0x40, s26, s16, $0xb8;
	[tilespmem:$0x1B620] =	vst v63  }
0x97: {  	s28 =	sadd.s32 $0xA0, s28;
	s26 =	sadd.s32 $0xA0, s26  }
0x98: {  	_ =	swait.ge [sflag:s20], $0x2800  }
0x99: {  	s1 =	sshll.u32 s0, $0x6;
	s24 =	sadd.s32 $0x1, s24;
	[sflag:s20] =	ssyncset.done $0x0  }
0x9a: {  	s25 =	sshrl.u32 s6, $0x3;
	p0 =	sne.s32 s24, s12;
	[sflag:s20] =	ssyncadd.s32 $0xFFFFD800  }
.Ltmp2:
0x9b: {  	s1 =	sor.u32 $0x1C07, s1;
	[bflag:$0x0] =	sbarrier.arrive $0xFFFF;
	(pc) =	sbr.rel @p0 .LBB2_1-.Ltmp2, $4  }
0x9c: {  	[hbm:s11@s22], [sflag:s1] =	dma.strided [spmem:s25@s23], $0x1400, s21, $0x8   }
0x9d: {  	_ =	swait.ge [sflag:s13], $0x1400  }
0x9e: {  	[sflag:s13] =	ssyncset.done $0x0  }
0x9f: {  	[sflag:s13] =	ssyncadd.s32 $0xFFFFEC00  }
0xa0: {  	_ =	sfence.sel $0x180000  }
0xa1: {  	[bflag:$0x0] =	sbarrier.arrive $0xFFFF  }
0xa2: {  	_ =	strace $0x9000004A  }
0xa3: {  	[bflag:$0x2] =	sbarrier.arrive $0xFFFF  }
0xa4: {  	p0 =	sne.s32 s0, $0x0;
	s0 =	rddreg [dreg:$0x3]  }
0xa5: {  	s0 =	sadd.s32 @!p0 $0x100000, s0  }
0xa6: {  	[sflag:s0] =	ssyncadd.tile.s32 @!p0 $0x1;
	_ =	shalt  }
.Lfunc_end2:
_tile_overlayer_lowered:
.L_overlay_start_2:
0xa7: {  	(tag) =	ssettag $0x2  }
0xa8: {  	s0 =	rddreg [dreg:$0x0];
	s2 =	stileid.u32  }
0xa9: {  	s1 =	rddreg [dreg:$0x1];
	p0 =	sne.s32 s2, $0x0  }
0xaa: {  	s3 =	rddreg [dreg:$0x2];
	[bflag:$0x3] =	sbarrier.arrive $0xFFFF;
	s2 =	simm.s32 @!p0 $0x1C07  }
0xab: {  	[timem:s3], [sflag:s2] =	dma.local @!p0 [hbm:s0], s1  }
0xac: {  	s0 =	simm.s32 @!p0 $0x7  }
0xad: {  	_ =	swait.ge @!p0 [sflag:s0], s1  }
0xae: {  	s1 =	ssub.s32 @!p0 $0x0, s1;
	[sflag:s0] =	ssyncset.done @!p0 $0x0  }
0xaf: {  	[sflag:s0] =	ssyncadd.s32 @!p0 s1  }
0xb0: {  	[bflag:$0x3] =	sbarrier.arrive $0xFFFF  }
0xb1: {  	_ =	shalt  }

// kernel: kernel.7.cloned.1.call-start
scs
__scs_entry_jumppad:
0x0: {  	(pc) =	sbr.rel $0x88, $3  }
0x1: {  	(tag) =	ssettag $0x0;
	lr =	simm.s32 $0x1  }
0x2: {  	[smem:$0x3F99] =	sst lr;
	_ =	strace $0xD0000000  }
0x3: {  	_ = 	snop  }
0x4: {  	_ = 	snop  }
0x5: {  	_ = 	snop  }
0x6: {  	_ = 	snop  }
0x7: {  	_ = 	snop  }
__scs_overlays_trampoline_lowered:
0x8: {  	[smem:$0x3FA8] =	sst s0  }
0x9: {  	[smem:$0x3FA9] =	sst s1  }
0xa: {  	[smem:$0x3FAA] =	sst s2  }
0xb: {  	[smem:$0x3FAB] =	sst s3  }
0xc: {  	[smem:$0x3FAC] =	sst s4  }
0xd: {  	[smem:$0x3FAD] =	sst s5  }
0xe: {  	[smem:$0x3FAE] =	sst s6  }
0xf: {  	[smem:$0x3FAF] =	sst s7  }
0x10: {  	[smem:$0x3FB0] =	sst s8  }
0x11: {  	[smem:$0x3FB1] =	sst s9;
	s0 =	simm.s32 @!p0 $0x0  }
0x12: {  	s1 =	sld [smem:$0x3F97];
	s0 =	simm.s32 @p0 $0x1  }
0x13: {  	[smem:$0x3FB2] =	sst s0;
	s0 =	simm.s32 @!p1 $0x0  }
0x14: {  	s2 =	sld [smem:$0x3F96];
	s0 =	simm.s32 @p1 $0x1  }
0x15: {  	[smem:$0x3FB3] =	sst s0;
	s0 =	simm.s32 @!p2 $0x0  }
0x16: {  	s3 =	sld [smem:$0x3FDB];
	s0 =	simm.s32 @p2 $0x1  }
0x17: {  	s4 =	simm.s32 $0x1BF5;
	[smem:$0x3FB5] =	sst s0  }
0x18: {  	s0 =	sld [smem:$0x3F98];
	_ =	swait.ge [sflag:s4], $0x0  }
0x19: {  	s7 =	sld [smem:$0x3F99]  }
0x1a: {  	s8 =	sadd.s32 $0xFFFFE003, lr  }
0x1b: {  	s9 =	sadd.s32 $0xFFFFFEF7, lr;
	s5 =	simm.s32 $0xFFFFFFFF;
	p2 =	slt.u32 s8, $0xFFFFF086  }
0x1c: {  	p1 =	slt.u32 s9, $0xF7A;
	s5 =	simm.s32 @!p2 $0x0  }
0x1d: {  	s5 =	simm.s32 @p1 $0x1;
	p0 =	seq.s32 s7, s2  }
0x1e: {  	s7 =	smul.u32 @!p0 $0xF7A, s2;
	p2 =	seq.s32 @!p0 s5, $0x0  }
0x1f: {  	s9 =	smul.u32 $0xF7A, s1;
	s8 =	simm.s32 @!p0 $0x1BF5;
	p2 =	por !p2, p0  }
0x20: {  	[sflag:s8] =	ssyncset.s32 @!p0 $0xFFFFF086;
	s6 =	sadd.s32 @!p0 s3, s7;
	s7 =	simm.s32 @!p0 $0x108  }
0x21: {  	s3 =	sadd.s32 s3, s9;
	s6 =	sadd.s32 @!p0 $0x88, s6;
	s7 =	simm.s32 @p2 $0x1082  }
0x22: {  	[simem:s7], [sflag:s8] =	dma.local @!p0 [hbm:s6], $0xF7A  }
0x23: {  	s9 =	sor.u32 $0xD0000000, s2;
	s6 =	simm.s32 $0x108;
	_ =	swait.ge @!p0 [sflag:s8], $0x0  }
0x24: {  	s3 =	sadd.s32 $0x88, s3;
	s6 =	simm.s32 @!p1 $0x1082;
	[sflag:s4] =	ssyncset.s32 $0xFFFFF086  }
0x25: {  	[simem:s6], [sflag:s4] =	dma.local [hbm:s3], $0xF7A  }
0x26: {  	[smem:$0x3F99] =	sst s1;
	(tag) =	ssettag s2;
	_ =	strace s9  }
0x27: {  	s1 =	sld [smem:$0x3FA9]  }
0x28: {  	s2 =	sld [smem:$0x3FAA]  }
0x29: {  	s4 =	sld [smem:$0x3FAC]  }
0x2a: {  	p0 =	seq.s32 s5, $0x0;
	s5 =	sld [smem:$0x3FAD]  }
0x2b: {  	s6 =	sld [smem:$0x3FAE]  }
0x2c: {  	s7 =	sld [smem:$0x3FAF]  }
0x2d: {  	s3 =	simm.s32 $0x108;
	s8 =	sld [smem:$0x3FB0]  }
0x2e: {  	s3 =	simm.s32 @!p0 $0x1082;
	s9 =	sld [smem:$0x3FB1]  }
0x2f: {  	lr =	sadd.s32 s0, s3;
	s0 =	sld [smem:$0x3FA8]  }
0x30: {  	s3 =	sld [smem:$0x3FAB]  }
0x31: {  	[smem:$0x3FB4] =	sst s10  }
0x32: {  	s10 =	sld [smem:$0x3FB2];
	_ =	sdelay $0x3  }
0x33: {  	p0 =	seq.s32 s10, $0x1;
	s10 =	sld [smem:$0x3FB4];
	_ =	sdelay $0x3  }
0x34: {  	[smem:$0x3FB4] =	sst s10  }
0x35: {  	s10 =	sld [smem:$0x3FB3];
	_ =	sdelay $0x3  }
0x36: {  	p1 =	seq.s32 s10, $0x1;
	s10 =	sld [smem:$0x3FB4];
	_ =	sdelay $0x3  }
0x37: {  	[smem:$0x3FB4] =	sst s10  }
0x38: {  	s10 =	sld [smem:$0x3FB5]  }
0x39: {  	_ = 	snop;
	(pc) =	sbr.ind lr, $3  }
0x3a: {  	_ = 	snop  }
0x3b: {  	_ = 	snop  }
0x3c: {  	p2 =	seq.s32 s10, $0x1;
	s10 =	sld [smem:$0x3FB4]  }
0x3d: {  	_ =	shalt  }
0x3e: {  	_ =	shalt  }
0x3f: {  	_ =	shalt  }
0x40: {  	_ =	shalt  }
0x41: {  	_ =	shalt  }
0x42: {  	_ =	shalt  }
0x43: {  	_ =	shalt  }
0x44: {  	_ =	shalt  }
0x45: {  	_ =	shalt  }
0x46: {  	_ =	shalt  }
0x47: {  	_ =	shalt  }
0x48: {  	_ =	shalt  }
0x49: {  	_ =	shalt  }
0x4a: {  	_ =	shalt  }
0x4b: {  	_ =	shalt  }
0x4c: {  	_ =	shalt  }
0x4d: {  	_ =	shalt  }
0x4e: {  	_ =	shalt  }
0x4f: {  	_ =	shalt  }
0x50: {  	_ =	shalt  }
0x51: {  	_ =	shalt  }
0x52: {  	_ =	shalt  }
0x53: {  	_ =	shalt  }
0x54: {  	_ =	shalt  }
0x55: {  	_ =	shalt  }
0x56: {  	_ =	shalt  }
0x57: {  	_ =	shalt  }
0x58: {  	_ =	shalt  }
0x59: {  	_ =	shalt  }
0x5a: {  	_ =	shalt  }
0x5b: {  	_ =	shalt  }
0x5c: {  	_ =	shalt  }
0x5d: {  	_ =	shalt  }
0x5e: {  	_ =	shalt  }
0x5f: {  	_ =	shalt  }
0x60: {  	_ =	shalt  }
0x61: {  	_ =	shalt  }
0x62: {  	_ =	shalt  }
0x63: {  	_ =	shalt  }
0x64: {  	_ =	shalt  }
0x65: {  	_ =	shalt  }
0x66: {  	_ =	shalt  }
0x67: {  	_ =	shalt  }
0x68: {  	_ =	shalt  }
0x69: {  	_ =	shalt  }
0x6a: {  	_ =	shalt  }
0x6b: {  	_ =	shalt  }
0x6c: {  	_ =	shalt  }
0x6d: {  	_ =	shalt  }
0x6e: {  	_ =	shalt  }
0x6f: {  	_ =	shalt  }
0x70: {  	_ =	shalt  }
0x71: {  	_ =	shalt  }
0x72: {  	_ =	shalt  }
0x73: {  	_ =	shalt  }
0x74: {  	_ =	shalt  }
0x75: {  	_ =	shalt  }
0x76: {  	_ =	shalt  }
0x77: {  	_ =	shalt  }
0x78: {  	_ =	shalt  }
0x79: {  	_ =	shalt  }
0x7a: {  	_ =	shalt  }
0x7b: {  	_ =	shalt  }
0x7c: {  	_ =	shalt  }
0x7d: {  	_ =	shalt  }
0x7e: {  	_ =	shalt  }
0x7f: {  	_ =	shalt  }
0x80: {  	_ =	shalt  }
0x81: {  	_ =	shalt  }
0x82: {  	_ =	shalt  }
0x83: {  	_ =	shalt  }
0x84: {  	_ =	shalt  }
0x85: {  	_ =	shalt  }
0x86: {  	_ =	shalt  }
0x87: {  	_ =	shalt  }
.Lfunc_end0:
.L_simem_size_0:
called_computation_lowered:
.L_overlay_start_0:
0x88: {  	s2 =	sld [smem:$0x3FD9]  }
0x89: {  	s3 =	sld [smem:$0x3FFE];
	_ =	sdelay $0x1  }
0x8a: {  	s1 =	srdreg.scid  }
0x8b: {  	s0 =	sand.u32 $0x1, s1  }
0x8c: {  	s17 =	sshll.u32 s0, $0xA;
	s2 =	sadd.s32 s3, s2  }
0x8d: {  	s2 =	sadd.s32 s2, s17  }
0x8e: {  	[smem:$0x3FC0] =	sst s2  }
0x8f: {  	_ = 	snop  }
0x90: {  	s2 =	sld [smem:$0x3FD0];
	(tm) =	ssettm $0x1  }
0x91: {  	s18 =	sld [smem:$0x3FFB];
	_ =	sdelay $0x3  }
0x92: {  	_ =	strace s18  }
0x93: {  	s3 =	sld [smem:$0x3FFC];
	_ =	sdelay $0x3  }
0x94: {  	_ =	strace s3  }
0x95: {  	s3 =	sld [smem:$0x3FFD];
	_ =	sdelay $0x3  }
0x96: {  	_ =	strace s3  }
0x97: {  	_ =	strace $0x8FFFFFFF  }
0x98: {  	s19 =	sld [smem:$0x3FDB];
	_ =	sdelay $0x1  }
0x99: {  	s4 =	simm.s32 $_scs_section_size  }
0x9a: {  	s5 =	simm.s32 $_size__tile_overlayer_lowered;
	s6 =	simm.s32 $_tile_overlayer_lowered  }
0x9b: {  	s22 =	simm.s32 $0x1BFF;
	s21 =	sshll.u32 s6, $0x1;
	s3 =	sadd.s32 s4, s19  }
0x9c: {  	s7 =	simm.s32 $0x0;
	s20 =	sshll.u32 s5, $0x1;
	s5 =	sadd.s32 s21, s3  }
0x9d: {  	[timem:s7], [sflag:s22] =	dma.local [hbm:s5], s20  }
0x9e: {  	_ =	swait.ge [sflag:s22], s20  }
0x9f: {  	s4 =	ssub.s32 $0x0, s20;
	[sflag:s22] =	ssyncset.done $0x0  }
0xa0: {  	[sflag:s22] =	ssyncadd.s32 s4;
	_ =	sdelay $0x1  }
0xa1: {  	s23 =	simm.s32 $0x1B8B  }
0xa2: {  	_ =	swait.ge [sflag:s23], $0x1  }
0xa3: {  	[sflag:s23] =	ssyncset.done $0x0  }
0xa4: {  	s25 =	simm.s32 $0x1B8E;
	s24 =	sld [smem:$0x3FFE];
	[sflag:s23] =	ssyncadd.s32 $0xFFFFFFFF  }
0xa5: {  	s26 =	simm.s32 $execute0_lowered;
	[smem:$0x3FD2] =	sst s25  }
0xa6: {  	s5 =	sshll.u32 s26, $0x1;
	_ =	strace $0x80000046;
	[dreg:$0x1] =	wrdreg $0xFFFFFFFF  }
0xa7: {  	s28 =	simm.s32 $_size_execute0_lowered;
	s3 =	sadd.s32 s3, s5;
	[dreg:$0x0] =	wrdreg $0x0  }
0xa8: {  	s5 =	sshll.u32 s28, $0x1;
	[dreg:$0x2] =	wrdreg s3  }
0xa9: {  	[dreg:$0x3] =	wrdreg s5  }
0xaa: {  	[dreg:$0x4] =	wrdreg $0xC0  }
0xab: {  	_ =	task [dreg:s7], $0x5FFFF  }
0xac: {  	[dreg:$0x1] =	wrdreg $0xFFFFFFFF  }
0xad: {  	[dreg:$0x0] =	wrdreg $0x60  }
0xae: {  	[dreg:$0x2] =	wrdreg s2  }
0xaf: {  	[dreg:$0x3] =	wrdreg s24  }
0xb0: {  	[dreg:$0x4] =	wrdreg $0x116200  }
0xb1: {  	[dreg:$0x5] =	wrdreg $0x1C0200  }
0xb2: {  	[dreg:$0x6] =	wrdreg $0x9  }
0xb3: {  	_ =	task.clear_ibuf [dreg:s7], $0x7FFFF;
	_ =	strace $0x90000046  }
0xb4: {  	s29 =	simm.s32 $0x9;
	_ =	strace $0x80000048  }
0xb5: {  	_ =	swait.ge [sflag:s29], $0x1  }
0xb6: {  	[sflag:s29] =	ssyncadd.s32 $0xFFFFFFFF  }
0xb7: {  	_ =	strace $0x90000048  }
0xb8: {  	_ =	sfence  }
0xb9: {  	s30 =	sld [smem:$0x0];
	_ =	sdelay $0x2  }
0xba: {  	s31 =	sshll.u32 s1, $0xD;
	s1 =	sshrl.u32 s1, $0x2  }
0xbb: {  	s3 =	sand.u32 $0x4000, s31;
	s1 =	sadd.s32 s1, s30  }
0xbc: {  	s0 =	sor.u32 s3, s0;
	s1 =	sshll.u32 s1, $0x11  }
0xbd: {  	s0 =	sor.u32 s1, s0  }
0xbe: {  	s0 =	sadd.s32 $0x8F2B, s0  }
0xbf: {  	[sflag:s0] =	ssyncadd.remote.s32 $0x1  }
0xc0: {  	_ =	sfence.sel $0xFFFF  }
0xc1: {  	[dreg:$0x0] =	wrdreg $0xFFFFFFFF;
	(pc) =	sbr.abs _section_cstart, $3  }
0xc2: {  	[dreg:$0x1] =	wrdreg $0xFFFFFFFF  }
0xc3: {  	_ =	task.clear_ibuf [dreg:s7], $0x2FFFF;
	_ =	strace $0x9FFFFFFF  }
0xc4: {  	(tm) =	ssettm $0x7FFFFFFF  }
0xc5: {  	_ =	shalt  }
tec
execute0_lowered:
.L_overlay_start_1:
0x0: {  	(tag) =	ssettag $0x1  }
0x1: {  	s0 =	rddreg [dreg:$0x0]  }
0x2: {  	s6 =	rddreg [dreg:$0x1];
	s1 =	stileid.u32  }
0x3: {  	s2 =	rddreg [dreg:$0x2];
	s5 =	smul.u32 $0x14000, s1  }
0x4: {  	s3 =	rddreg [dreg:$0x3];
	s9 =	smul.u32 $0x2800, s1  }
0x5: {  	s4 =	srdreg.scid;
	s29 =	simm.s32 $0x5;
	s19 =	smul.u32 $0x4E20, s1  }
0x6: {  	s30 =	simm.s32 $0x7;
	s21 =	sand.u32 $0x1, s4;
	s12 =	smul.u32 $0x280, s1  }
0x7: {  	s4 =	simm.s32 $0x0;
	s13 =	smul.u32 $0x28000, s1;
	s7 =	sshll.u32 s21, $0x6  }
0x8: {  	[smem:$0x7FF] =	sst s4;
	s8 =	smul.u32 $0x28000, s21;
	s10 =	ssub.s32 $0x2, s21  }
0x9: {  	p0 =	seq.s32 s21, $0x1;
	s7 =	sor.u32 s7, s5;
	_ =	strace $0x80000047  }
0xa: {  	s5 =	sadd.s32 $0x3C00, s6;
	s11 =	sshrl.u32 s10, $0x1;
	s20 =	sshrl.u32 s13, $0x2  }
0xb: {  	s22 =	sadd.s32 $0xA0, s12;
	s25 =	sadd.s32 $0x140, s12;
	s15 =	sadd.s32 $0x1E0, s12  }
0xc: {  	s7 =	sshrl.u32 s7, $0x3;
	s18 =	sadd.s32 s9, s8;
	s8 =	sshrl.u32 s19, $0x3  }
0xd: {  	s9 =	sadd.s32 s9, s3;
	s23 =	sshll.u32 s22, $0x6;
	s24 =	sshll.u32 s22, $0x4  }
0xe: {  	s26 =	sshll.u32 s25, $0x6;
	s28 =	sshll.u32 s25, $0x4;
	s14 =	sshll.u32 s15, $0x6  }
0xf: {  	s31 =	sshll.u32 s15, $0x4;
	s19 =	sor.u32 $0x3E, s21;
	s22 =	simm.s32 $0xA0  }
0x10: {  	s16 =	sadd.s32 s7, s6;
	s7 =	sshrl.u32 s18, $0x3;
	s18 =	ssub.s32 s10, s11  }
0x11: {  	s10 =	sadd.s32 s23, s2;
	s11 =	sadd.s32 s24, s3;
	s12 =	sadd.s32 s26, s2  }
0x12: {  	s13 =	sadd.s32 s28, s3;
	s14 =	sadd.s32 s14, s2;
	s15 =	sadd.s32 s31, s3  }
0x13: {  	s17 =	sadd.s32 s7, s6;
	s6 =	sadd.s32 s0, s8;
	s8 =	sadd.s32 s20, s2  }
0x14: {  	s16 =	sadd.s32 $0x5DC00, s16;
	s18 =	smax.u32 s18, $0x1;
	s20 =	simm.s32 $0x8  }
0x15: {  	v1 =	vimm.f32 $0.0e+00;
	v2 =	vimm.f32 $1.000000000e+00;
	v0 =	vmov s21;
	s0 =	simm.s32 $0x0;
	s7 =	sadd.s32 $0x9C40, s6;
	s17 =	sadd.s32 $0x53C00, s17  }
.LBB2_1:
0x16: {  	[tilespmem:s4], [sflag:$0x8] =	stream.linear.gather [hbm4b:s6+s4], $0x4E20, $0x38;
	[tilespmem:$0x1E820] =	vst v63  }
0x17: {  	_ =	swait.ge [sflag:s20], $0x4E20  }
0x18: {  	[sflag:s20] =	ssyncset.done $0x0  }
0x19: {  	s21 =	simm.s32 $0x4E20;
	[sflag:s20] =	ssyncadd.s32 $0xFFFFB1E0  }
0x1a: {  	[tilespmem:s21], [sflag:$0x8] =	stream.linear.gather [hbm4b:s7+s4], $0x4E20, $0x38;
	[tilespmem:$0x1E820] =	vst v63  }
0x1b: {  	_ =	swait.ge [sflag:s20], $0x4E20  }
0x1c: {  	[sflag:s20] =	ssyncset.done $0x0  }
0x1d: {  	s21 =	simm.s32 $0x9C60;
	[sflag:s20] =	ssyncadd.s32 $0xFFFFB1E0  }
0x1e: {  	[tilespmem:s21+$0x0] =	vst v1  }
0x1f: {  	[tilespmem:s21+$0xFFFFFFE0] =	vst v1  }
0x20: {  	[tilespmem:s21+$0x10] =	vst v1  }
0x21: {  	s23 =	simm.s32 $0x40;
	s24 =	simm.s32 $0x0;
	[tilespmem:s21+$0xFFFFFFF0] =	vst v1  }
.LBB2_2:
0x22: {  	p1 =	sne.s32 s23, $0x27C0  }
0x23: {  	[tilespmem:s24+$0x1B620] =	vst v2;
	s21 =	sadd.s32 $0x40, s21;
	s24 =	smov.u32 s23;
	s23 =	sadd.s32 $0x40, s23  }
.Ltmp0:
0x24: {  	[tilespmem:s21+$0x0] =	vst v1;
	(pc) =	sbr.rel @p1 .LBB2_2-.Ltmp0, $4  }
0x25: {  	_ = 	snop  }
0x26: {  	[tilespmem:s21+$0xFFFFFFE0] =	vst v1  }
0x27: {  	[tilespmem:s21+$0x10] =	vst v1  }
0x28: {  	s24 =	sshra.s32 s24, $0x2;
	[tilespmem:s21+$0xFFFFFFF0] =	vst v1  }
0x29: {  	[tilespmem:s24+$0x1B620] =	vst v2;
	s21 =	simm.s32 $0x9C40  }
0x2a: {  	[spmem:s8] =	stream.linear.scatter [tilespmem:s21], [sflag:$0x8], $0x2800, $0x38;
	[tilespmem:$0x1E820] =	vst v63  }
0x2b: {  	_ =	swait.ge [sflag:s20], $0x2800  }
0x2c: {  	[sflag:s20] =	ssyncset.done $0x0  }
0x2d: {  	s23 =	sadd.s32 $0x0, s9;
	[sflag:s20] =	ssyncadd.s32 $0xFFFFD800  }
0x2e: {  	[spmem:s23] =	stream.linear.scatter [tilespmem:s21], [sflag:$0x8], $0x10, $0x38;
	[tilespmem:$0x1E820] =	vst v63  }
0x2f: {  	s23 =	simm.s32 $0x40  }
.LBB2_4:
0x30: {  	p1 =	sne.s32 s23, $0x27C0  }
.Ltmp1:
0x31: {  	_ = 	snop;
	(pc) =	sbr.rel @p1 .LBB2_4-.Ltmp1, $4  }
0x32: {  	_ = 	snop  }
0x33: {  	s24 =	sshra.s32 s23, $0x2;
	s23 =	sadd.s32 $0x40, s23  }
0x34: {  	s21 =	sadd.s32 $0x40, s21;
	s24 =	sadd.s32 s24, s9  }
0x35: {  	[spmem:s24] =	stream.linear.scatter [tilespmem:s21], [sflag:$0x8], $0x10, $0x38;
	[tilespmem:$0x1E820] =	vst v63  }
0x36: {  	_ =	swait.ge [sflag:s20], $0xA00  }
0x37: {  	[sflag:s20] =	ssyncset.done $0x0  }
0x38: {  	s21 =	simm.s32 $0x9C40;
	[sflag:s20] =	ssyncadd.s32 $0xFFFFF600  }
0x39: {  	[spmem:s10] =	stream.linear.scatter [tilespmem:s21], [sflag:$0x8], $0x2800, $0x38;
	[tilespmem:$0x1E820] =	vst v63  }
0x3a: {  	_ =	swait.ge [sflag:s20], $0x2800  }
0x3b: {  	[sflag:s20] =	ssyncset.done $0x0  }
0x3c: {  	s23 =	sadd.s32 $0x0, s11;
	[sflag:s20] =	ssyncadd.s32 $0xFFFFD800  }
0x3d: {  	[spmem:s23] =	stream.linear.scatter [tilespmem:s21], [sflag:$0x8], $0x10, $0x38;
	[tilespmem:$0x1E820] =	vst v63  }
0x3e: {  	s23 =	simm.s32 $0x40  }
.LBB2_6:
0x3f: {  	p1 =	sne.s32 s23, $0x27C0  }
.Ltmp2:
0x40: {  	_ = 	snop;
	(pc) =	sbr.rel @p1 .LBB2_6-.Ltmp2, $4  }
0x41: {  	_ = 	snop  }
0x42: {  	s24 =	sshra.s32 s23, $0x2;
	s23 =	sadd.s32 $0x40, s23  }
0x43: {  	s21 =	sadd.s32 $0x40, s21;
	s24 =	sadd.s32 s24, s11  }
0x44: {  	[spmem:s24] =	stream.linear.scatter [tilespmem:s21], [sflag:$0x8], $0x10, $0x38;
	[tilespmem:$0x1E820] =	vst v63  }
0x45: {  	_ =	swait.ge [sflag:s20], $0xA00  }
0x46: {  	[sflag:s20] =	ssyncset.done $0x0  }
0x47: {  	s21 =	simm.s32 $0x9C40;
	[sflag:s20] =	ssyncadd.s32 $0xFFFFF600  }
0x48: {  	[spmem:s12] =	stream.linear.scatter [tilespmem:s21], [sflag:$0x8], $0x2800, $0x38;
	[tilespmem:$0x1E820] =	vst v63  }
0x49: {  	_ =	swait.ge [sflag:s20], $0x2800  }
0x4a: {  	[sflag:s20] =	ssyncset.done $0x0  }
0x4b: {  	s23 =	sadd.s32 $0x0, s13;
	[sflag:s20] =	ssyncadd.s32 $0xFFFFD800  }
0x4c: {  	[spmem:s23] =	stream.linear.scatter [tilespmem:s21], [sflag:$0x8], $0x10, $0x38;
	[tilespmem:$0x1E820] =	vst v63  }
0x4d: {  	s23 =	simm.s32 $0x40  }
.LBB2_8:
0x4e: {  	p1 =	sne.s32 s23, $0x27C0  }
.Ltmp3:
0x4f: {  	_ = 	snop;
	(pc) =	sbr.rel @p1 .LBB2_8-.Ltmp3, $4  }
0x50: {  	_ = 	snop  }
0x51: {  	s24 =	sshra.s32 s23, $0x2;
	s23 =	sadd.s32 $0x40, s23  }
0x52: {  	s21 =	sadd.s32 $0x40, s21;
	s24 =	sadd.s32 s24, s13  }
0x53: {  	[spmem:s24] =	stream.linear.scatter [tilespmem:s21], [sflag:$0x8], $0x10, $0x38;
	[tilespmem:$0x1E820] =	vst v63  }
0x54: {  	_ =	swait.ge [sflag:s20], $0xA00  }
0x55: {  	[sflag:s20] =	ssyncset.done $0x0  }
0x56: {  	s21 =	simm.s32 $0x9C40;
	[sflag:s20] =	ssyncadd.s32 $0xFFFFF600  }
0x57: {  	[spmem:s14] =	stream.linear.scatter [tilespmem:s21], [sflag:$0x8], $0x2800, $0x38;
	[tilespmem:$0x1E820] =	vst v63  }
0x58: {  	_ =	swait.ge [sflag:s20], $0x2800  }
0x59: {  	[sflag:s20] =	ssyncset.done $0x0  }
0x5a: {  	s23 =	sadd.s32 $0x0, s15;
	[sflag:s20] =	ssyncadd.s32 $0xFFFFD800  }
0x5b: {  	[spmem:s23] =	stream.linear.scatter [tilespmem:s21], [sflag:$0x8], $0x10, $0x38;
	[tilespmem:$0x1E820] =	vst v63  }
0x5c: {  	s23 =	simm.s32 $0x40  }
.LBB2_10:
0x5d: {  	p1 =	sne.s32 s23, $0x27C0  }
.Ltmp4:
0x5e: {  	_ = 	snop;
	(pc) =	sbr.rel @p1 .LBB2_10-.Ltmp4, $4  }
0x5f: {  	_ = 	snop  }
0x60: {  	s24 =	sshra.s32 s23, $0x2;
	s23 =	sadd.s32 $0x40, s23  }
0x61: {  	s21 =	sadd.s32 $0x40, s21;
	s24 =	sadd.s32 s24, s15  }
0x62: {  	[spmem:s24] =	stream.linear.scatter [tilespmem:s21], [sflag:$0x8], $0x10, $0x38;
	[tilespmem:$0x1E820] =	vst v63  }
0x63: {  	_ =	swait.ge [sflag:s20], $0xA00  }
0x64: {  	[sflag:s20] =	ssyncset.done $0x0  }
0x65: {  	[sflag:s20] =	ssyncadd.s32 $0xFFFFF600  }
0x66: {  	[bflag:$0x0] =	sbarrier.arrive $0xFFFF  }
0x67: {  	v3 =	vld [tilespmem:$0x0]  }
0x68: {  	v4 =	vld [tilespmem:$0x10]  }
0x69: {  	v5 =	vld [tilespmem:$0x20]  }
0x6a: {  	v6 =	vld [tilespmem:$0x30]  }
0x6b: {  	v7 =	vld [tilespmem:$0x40]  }
0x6c: {  	v8 =	vld [tilespmem:$0x50];
	v3 =	vshll.u32 v3, $0x1  }
0x6d: {  	v9 =	vld [tilespmem:$0x60];
	v4 =	vshll.u32 v4, $0x1;
	v3 =	vor.u32 v0, v3  }
0x6e: {  	v37 =	vld [tilespmem:$0x70];
	v36 =	vshll.u32 v5, $0x1;
	[tilespmem:$0x11440] =	vst v3;
	v3 =	vor.u32 v0, v4  }
0x6f: {  	v39 =	vld [tilespmem:$0x80];
	v38 =	vshll.u32 v6, $0x1;
	[tilespmem:$0x11450] =	vst v3;
	v3 =	vor.u32 v0, v36  }
0x70: {  	v41 =	vld [tilespmem:$0x90];
	v40 =	vshll.u32 v7, $0x1;
	[tilespmem:$0x11460] =	vst v3;
	v3 =	vor.u32 v0, v38  }
0x71: {  	v42 =	vshll.u32 v8, $0x1;
	[tilespmem:$0x11470] =	vst v3;
	v3 =	vor.u32 v0, v40  }
0x72: {  	v43 =	vshll.u32 v9, $0x1;
	[tilespmem:$0x11480] =	vst v3;
	v3 =	vor.u32 v0, v42  }
0x73: {  	v44 =	vshll.u32 v37, $0x1;
	[tilespmem:$0x11490] =	vst v3;
	v3 =	vor.u32 v0, v43  }
0x74: {  	v45 =	vshll.u32 v39, $0x1;
	[tilespmem:$0x114A0] =	vst v3;
	v3 =	vor.u32 v0, v44  }
0x75: {  	v46 =	vshll.u32 v41, $0x1;
	[tilespmem:$0x114B0] =	vst v3;
	v3 =	vor.u32 v0, v45  }
0x76: {  	[tilespmem:$0x114C0] =	vst v3;
	v3 =	vor.u32 v0, v46  }
0x77: {  	s21 =	simm.s32 $0x11440;
	s23 =	simm.s32 $0x9C40;
	[tilespmem:$0x114D0] =	vst v3  }
0x78: {  	[tilespmem:s23], [sflag:$0x1] =	stream.indirect.gather [hbm4b:s5+s22], $0x40, s21, s22, $0xb8;
	[tilespmem:$0x1E820] =	vst v63  }
0x79: {  	v3 =	vld [tilespmem:$0xA0]  }
0x7a: {  	v47 =	vld [tilespmem:$0xB0]  }
0x7b: {  	v48 =	vld [tilespmem:$0xC0]  }
0x7c: {  	v49 =	vld [tilespmem:$0xD0]  }
0x7d: {  	v50 =	vld [tilespmem:$0xE0]  }
0x7e: {  	v51 =	vld [tilespmem:$0xF0];
	v3 =	vshll.u32 v3, $0x1  }
0x7f: {  	v52 =	vld [tilespmem:$0x100];
	v4 =	vshll.u32 v47, $0x1;
	v3 =	vor.u32 v0, v3  }
0x80: {  	v54 =	vld [tilespmem:$0x110];
	v53 =	vshll.u32 v48, $0x1;
	[tilespmem:$0x114E0] =	vst v3;
	v3 =	vor.u32 v0, v4  }
0x81: {  	v56 =	vld [tilespmem:$0x120];
	v55 =	vshll.u32 v49, $0x1;
	[tilespmem:$0x114F0] =	vst v3;
	v3 =	vor.u32 v0, v53  }
0x82: {  	v58 =	vld [tilespmem:$0x130];
	v57 =	vshll.u32 v50, $0x1;
	[tilespmem:$0x11500] =	vst v3;
	v3 =	vor.u32 v0, v55  }
0x83: {  	v59 =	vshll.u32 v51, $0x1;
	[tilespmem:$0x11510] =	vst v3;
	v3 =	vor.u32 v0, v57  }
0x84: {  	v60 =	vshll.u32 v52, $0x1;
	[tilespmem:$0x11520] =	vst v3;
	v3 =	vor.u32 v0, v59  }
0x85: {  	v61 =	vshll.u32 v54, $0x1;
	[tilespmem:$0x11530] =	vst v3;
	v3 =	vor.u32 v0, v60  }
0x86: {  	v62 =	vshll.u32 v56, $0x1;
	[tilespmem:$0x11540] =	vst v3;
	v3 =	vor.u32 v0, v61  }
0x87: {  	v63 =	vshll.u32 v58, $0x1;
	[tilespmem:$0x11550] =	vst v3;
	v3 =	vor.u32 v0, v62  }
0x88: {  	s28 =	simm.s32 $0x114E0;
	s31 =	simm.s32 $0xC440;
	[tilespmem:$0x11560] =	vst v3;
	v3 =	vor.u32 v0, v63  }
0x89: {  	s24 =	simm.s32 $0x1D0;
	s21 =	simm.s32 $0x0;
	s23 =	simm.s32 $0x4E20;
	[tilespmem:$0x11570] =	vst v3  }
0x8a: {  	[tilespmem:s31], [sflag:$0x2] =	stream.indirect.gather [hbm4b:s5+s22], $0x40, s28, s22, $0xb8;
	[tilespmem:$0x1E820] =	vst v63  }
.LBB2_12:
0x8b: {  	s25 =	smul.u32 $0xAB, s21;
	_ =	sdelay $0x1  }
0x8c: {  	s26 =	sadd.s32 $0x156, s25  }
0x8d: {  	s26 =	sshrl.u32 s26, $0x9  }
0x8e: {  	s26 =	sand.u32 $0x7F, s26  }
0x8f: {  	s26 =	smul.u32 $0x3, s26;
	_ =	sdelay $0x1  }
0x90: {  	s26 =	ssub.s32 s21, s26  }
0x91: {  	s26 =	sadd.s32 $0x2, s26  }
0x92: {  	p1 =	seq.s32 s21, $0x0;
	s26 =	sand.u32 $0xFF, s26  }
0x93: {  	s28 =	sadd.s32 @!p1 $0x4, s26  }
0x94: {  	_ =	swait.ge @!p1 [sflag:s28], $0x2800  }
0x95: {  	p2 =	sgt.u32 @!p1 s21, $0x7A;
	[sflag:s28] =	ssyncset.done @!p1 $0x0  }
0x96: {  	p2 =	por p1, !p2;
	[sflag:s28] =	ssyncadd.s32 @!p1 $0xFFFFD800  }
0x97: {  	v3 =	vld @p2 [tilespmem:s24+$0xFFFFFF70];
	_ =	sdelay $0x3  }
0x98: {  	s28 =	smul.u32 @p2 $0x280, s26  }
0x99: {  	v3 =	vshll.u32 @p2 v3, $0x1  }
0x9a: {  	s28 =	sshrl.u32 @p2 s28, $0x2;
	v3 =	vor.u32 @p2 v0, v3  }
0x9b: {  	[tilespmem:s28+$0x11440] =	vst @p2 v3  }
0x9c: {  	v3 =	vld @p2 [tilespmem:s24+$0xFFFFFF80];
	_ =	sdelay $0x4  }
0x9d: {  	v3 =	vshll.u32 @p2 v3, $0x1  }
0x9e: {  	v3 =	vor.u32 @p2 v0, v3  }
0x9f: {  	[tilespmem:s28+$0x11450] =	vst @p2 v3  }
0xa0: {  	v3 =	vld @p2 [tilespmem:s24+$0xFFFFFF90];
	_ =	sdelay $0x4  }
0xa1: {  	v3 =	vshll.u32 @p2 v3, $0x1  }
0xa2: {  	v3 =	vor.u32 @p2 v0, v3  }
0xa3: {  	[tilespmem:s28+$0x11460] =	vst @p2 v3  }
0xa4: {  	v3 =	vld @p2 [tilespmem:s24+$0xFFFFFFA0];
	_ =	sdelay $0x4  }
0xa5: {  	v3 =	vshll.u32 @p2 v3, $0x1  }
0xa6: {  	v3 =	vor.u32 @p2 v0, v3  }
0xa7: {  	[tilespmem:s28+$0x11470] =	vst @p2 v3  }
0xa8: {  	v3 =	vld @p2 [tilespmem:s24+$0xFFFFFFB0];
	_ =	sdelay $0x4  }
0xa9: {  	v3 =	vshll.u32 @p2 v3, $0x1  }
0xaa: {  	v3 =	vor.u32 @p2 v0, v3  }
0xab: {  	[tilespmem:s28+$0x11480] =	vst @p2 v3  }
0xac: {  	v3 =	vld @p2 [tilespmem:s24+$0xFFFFFFC0];
	_ =	sdelay $0x4  }
0xad: {  	v3 =	vshll.u32 @p2 v3, $0x1  }
0xae: {  	v3 =	vor.u32 @p2 v0, v3  }
0xaf: {  	[tilespmem:s28+$0x11490] =	vst @p2 v3  }
0xb0: {  	v3 =	vld @p2 [tilespmem:s24+$0xFFFFFFD0];
	_ =	sdelay $0x4  }
0xb1: {  	v3 =	vshll.u32 @p2 v3, $0x1  }
0xb2: {  	v3 =	vor.u32 @p2 v0, v3  }
0xb3: {  	[tilespmem:s28+$0x114A0] =	vst @p2 v3  }
0xb4: {  	v3 =	vld @p2 [tilespmem:s24+$0xFFFFFFE0];
	_ =	sdelay $0x4  }
0xb5: {  	v3 =	vshll.u32 @p2 v3, $0x1  }
0xb6: {  	v3 =	vor.u32 @p2 v0, v3  }
0xb7: {  	[tilespmem:s28+$0x114B0] =	vst @p2 v3  }
0xb8: {  	v3 =	vld @p2 [tilespmem:s24+$0xFFFFFFF0];
	_ =	sdelay $0x4  }
0xb9: {  	v3 =	vshll.u32 @p2 v3, $0x1  }
0xba: {  	v3 =	vor.u32 @p2 v0, v3  }
0xbb: {  	[tilespmem:s28+$0x114C0] =	vst @p2 v3  }
0xbc: {  	v3 =	vld @p2 [tilespmem:s24+$0x0]  }
0xbd: {  	s25 =	sshrl.u32 s25, $0x9  }
0xbe: {  	s25 =	sand.u32 $0x7F, s25  }
0xbf: {  	s25 =	smul.u32 $0x3, s25  }
0xc0: {  	s31 =	smul.u32 @p2 $0xA000, s26  }
0xc1: {  	s25 =	ssub.s32 s21, s25;
	v3 =	vshll.u32 @p2 v3, $0x1  }
0xc2: {  	s25 =	sand.u32 $0xFF, s25;
	s31 =	sshrl.u32 @p2 s31, $0x2;
	v3 =	vor.u32 @p2 v0, v3  }
0xc3: {  	s31 =	sadd.s32 @p2 $0x9C40, s31;
	s26 =	sadd.s32 @p2 $0x1, s26;
	[tilespmem:s28+$0x114D0] =	vst @p2 v3;
	s28 =	sadd.s32 @p2 $0x11440, s28  }
0xc4: {  	[tilespmem:s31], [sflag:s26] =	stream.indirect.gather @p2 [hbm4b:s5+s22], $0x40, s28, s22, $0xb8;
	[tilespmem:$0x1E820] =	vst v63  }
0xc5: {  	s26 =	smul.u32 $0xA000, s25;
	s31 =	sadd.s32 $0x1, s25  }
0xc6: {  	_ =	swait.ge [sflag:s31], $0x2800  }
0xc7: {  	s26 =	sshrl.u32 s26, $0x2;
	[sflag:s31] =	ssyncset.done $0x0  }
0xc8: {  	s25 =	sadd.s32 $0x4, s25;
	s26 =	sadd.s32 $0x9C40, s26;
	[sflag:s31] =	ssyncadd.s32 $0xFFFFD800  }
0xc9: {  	[spmem:s2] =	stream.indirect.scatter.add.f32 [tilespmem:s26], [sflag:s25], $0x40, s23, s22, $0xb8;
	[tilespmem:$0x1E820] =	vst v63  }
0xca: {  	p1 =	slt.u32 s21, $0x3E;
	s25 =	simm.s32 $0x1;
	s26 =	simm.s32 $0x1  }
0xcb: {  	s25 =	simm.s32 @!p0 $0x0;
	s26 =	simm.s32 @!p1 $0x0  }
0xcc: {  	p1 =	seq.s32 s26, s25  }
0xcd: {  	s21 =	sadd.s32 $0x1, s21;
	s25 =	simm.s32 @!p1 $0xA0;
	s26 =	simm.s32 @!p1 $0x1B620  }
0xce: {  	[spmem:s3] =	stream.indirect.scatter.add.f32 @!p1 [tilespmem:s26], [sflag:$0x7], $0x10, s23, s25, $0xb8;
	[tilespmem:$0x1E820] =	vst v63  }
0xcf: {  	p1 =	sne.s32 s21, $0x7D  }
.Ltmp5:
0xd0: {  	_ = 	snop;
	(pc) =	sbr.rel @p1 .LBB2_12-.Ltmp5, $2  }
0xd1: {  	_ =	sdelay $0x2  }
0xd2: {  	s24 =	sadd.s32 $0xA0, s24;
	s23 =	sadd.s32 $0xA0, s23  }
0xd3: {  	p1 =	sne.s32 s19, $0x1  }
.Ltmp6:
0xd4: {  	_ =	swait.ge [sflag:s29], $0x2800;
	(pc) =	sbr.rel @!p1 .LBB2_15-.Ltmp6, $4  }
0xd5: {  	[sflag:s29] =	ssyncset.done $0x0  }
0xd6: {  	[sflag:s29] =	ssyncadd.s32 $0xFFFFD800  }
0xd7: {  	_ =	swait.ge [sflag:s30], $0xA00  }
0xd8: {  	s21 =	sadd.s32 $0xFFFFFFFF, s19;
	[sflag:s30] =	ssyncset.done $0x0  }
.LBB2_14:
0xd9: {  	p1 =	sne.s32 s21, $0x1;
	s21 =	sadd.s32 $0xFFFFFFFF, s21;
	[sflag:s30] =	ssyncadd.s32 $0xFFFFF600  }
.Ltmp7:
0xda: {  	(pc) =	sbr.rel @p1 .LBB2_14-.Ltmp7, $3  }
0xdb: {  	_ =	sdelay $0x1  }
0xdc: {  	_ =	swait.ge [sflag:s30], $0xA00  }
0xdd: {  	[sflag:s30] =	ssyncset.done $0x0  }
.LBB2_15:
0xde: {  	[sflag:s30] =	ssyncadd.s32 $0xFFFFF600  }
0xdf: {  	s21 =	sshll.u32 s1, $0x6;
	s23 =	sshrl.u32 s8, $0x3;
	s24 =	simm.s32 $0x1  }
0xe0: {  	s25 =	simm.s32 $0x10;
	[bflag:$0x0] =	sbarrier.arrive $0xFFFF;
	s21 =	sor.u32 $0x1C08, s21  }
0xe1: {  	[hbm:s16@s25], [sflag:s21] =	dma.strided [spmem:s23@s20], $0x1400, s24, $0x8   }
0xe2: {  	s0 =	sadd.s32 $0x1, s0;
	_ =	swait.ge [sflag:s20], $0x1400  }
0xe3: {  	p1 =	sne.s32 s0, s18;
	[sflag:s20] =	ssyncset.done $0x0  }
.Ltmp8:
0xe4: {  	s31 =	sshrl.u32 s9, $0x3;
	[sflag:s20] =	ssyncadd.s32 $0xFFFFEC00;
	(pc) =	sbr.rel @p1 .LBB2_1-.Ltmp8, $4  }
0xe5: {  	[hbm:s17], [sflag:s21] =	dma.local [spmem:s31], $0x500  }
0xe6: {  	_ =	swait.ge [sflag:s20], $0x500  }
0xe7: {  	[sflag:s20] =	ssyncset.done $0x0  }
0xe8: {  	[sflag:s20] =	ssyncadd.s32 $0xFFFFFB00  }
0xe9: {  	_ =	sfence.sel $0x180000  }
0xea: {  	[bflag:$0x0] =	sbarrier.arrive $0xFFFF  }
0xeb: {  	_ =	strace $0x90000047  }
0xec: {  	[bflag:$0x2] =	sbarrier.arrive $0xFFFF  }
0xed: {  	p0 =	sne.s32 s1, $0x0;
	s0 =	rddreg [dreg:$0x4]  }
0xee: {  	s0 =	sadd.s32 @!p0 $0x100000, s0  }
0xef: {  	[sflag:s0] =	ssyncadd.tile.s32 @!p0 $0x1;
	_ =	shalt  }
.Lfunc_end2:
_tile_overlayer_lowered:
.L_overlay_start_2:
0xf0: {  	(tag) =	ssettag $0x2  }
0xf1: {  	s0 =	rddreg [dreg:$0x0];
	s2 =	stileid.u32  }
0xf2: {  	s1 =	rddreg [dreg:$0x1];
	p0 =	sne.s32 s2, $0x0  }
0xf3: {  	s3 =	rddreg [dreg:$0x2];
	[bflag:$0x3] =	sbarrier.arrive $0xFFFF;
	s2 =	simm.s32 @!p0 $0x1C08  }
0xf4: {  	[timem:s3], [sflag:s2] =	dma.local @!p0 [hbm:s0], s1  }
0xf5: {  	s0 =	simm.s32 @!p0 $0x8  }
0xf6: {  	_ =	swait.ge @!p0 [sflag:s0], s1  }
0xf7: {  	s1 =	ssub.s32 @!p0 $0x0, s1;
	[sflag:s0] =	ssyncset.done @!p0 $0x0  }
0xf8: {  	[sflag:s0] =	ssyncadd.s32 @!p0 s1  }
0xf9: {  	[bflag:$0x3] =	sbarrier.arrive $0xFFFF  }
0xfa: {  	_ =	shalt  }

</sc_bundles>
